<compile_context>
chip_gen: v7x
topology: tpu7x:2x2x1
jax: 0.10.2.dev20260603
libtpu: 0.0.44.dev20260713+nightly
codegen_flags: <defaults>
</compile_context>

<pallas_src>
import functools

import jax
import jax.numpy as jnp
from jax import lax
from jax.experimental import pallas as pl
from jax.experimental.pallas import tpu as pltpu
from jax.experimental.pallas import tpu_sc as plsc

_BATCH = 16384
_GROUPS = 20
_REPEAT = 4
_OUT_D = _GROUPS * _REPEAT
_NC = 2
_NS = 16
_NW = _NC * _NS
_ROWS_W = _BATCH // _NW
_CH = 128
_NCHUNK = _ROWS_W // _CH


def _sc_body(x_hbm, o_hbm, xa, xb, oa, ob, sin_a, sin_b, sout_a, sout_b):
    wid = lax.axis_index("s") * _NC + lax.axis_index("c")
    base = wid * _ROWS_W
    pat = lax.iota(jnp.int32, 16) // _REPEAT
    cols = [pat + (_REPEAT * v) for v in range(_OUT_D // 16)]
    xs, outs = [xa, xb], [oa, ob]
    sins, souts = [sin_a, sin_b], [sout_a, sout_b]

    def in_copy(ci, buf):
        return pltpu.make_async_copy(
            x_hbm.at[pl.ds(base + ci * _CH, _CH)], xs[buf], sins[buf])

    def out_copy(ci, buf):
        return pltpu.make_async_copy(
            outs[buf], o_hbm.at[pl.ds(base + ci * _CH, _CH)], souts[buf])

    in_copy(0, 0).start()
    for ci in range(_NCHUNK):
        buf = ci % 2
        in_copy(ci, buf).wait()
        if ci + 1 < _NCHUNK:
            in_copy(ci + 1, 1 - buf).start()
        if ci >= 2:
            out_copy(ci - 2, buf).wait()
        x_vmem, o_vmem = xs[buf], outs[buf]

        @plsc.parallel_loop(0, _CH, unroll=8)
        def _row(r):
            rowv = jnp.full((16,), r, jnp.int32)
            for v in range(_OUT_D // 16):
                g = plsc.load_gather(x_vmem, [rowv, cols[v]])
                g = jnp.minimum(jnp.maximum(g, -1.0), 1.0)
                o_vmem[r, pl.ds(16 * v, 16)] = g

        out_copy(ci, buf).start()
    out_copy(_NCHUNK - 2, _NCHUNK % 2).wait()
    out_copy(_NCHUNK - 1, 1 - _NCHUNK % 2).wait()


def kernel(x, latent_pi, W, b, noise):
    del latent_pi, W, b, noise
    mesh = plsc.VectorSubcoreMesh(core_axis_name="c", subcore_axis_name="s")
    f = pl.kernel(
        _sc_body,
        out_type=jax.ShapeDtypeStruct((_BATCH, _OUT_D), jnp.float32),
        mesh=mesh,
        scratch_types=[
            pltpu.VMEM((_CH, _GROUPS), jnp.float32),
            pltpu.VMEM((_CH, _GROUPS), jnp.float32),
            pltpu.VMEM((_CH, _OUT_D), jnp.float32),
            pltpu.VMEM((_CH, _OUT_D), jnp.float32),
            pltpu.SemaphoreType.DMA,
            pltpu.SemaphoreType.DMA,
            pltpu.SemaphoreType.DMA,
            pltpu.SemaphoreType.DMA,
        ],
        compiler_params=pltpu.CompilerParams(needs_layout_passes=False),
    )
    return f(x)

# --- scband reference (transcript-rebuilt; emitter-appended) ---
"""Pipeline reference for scband-dyn-syn-layer-32804960207038 (READ-ONLY COPY).

The authoritative reference and input builder live on the scoring server;
editing this copy changes nothing except your own understanding.
"""

import jax, jax.numpy as jnp
import numpy as np

MUSCLE_GROUPS = [[4 * i + j for j in range(4)] for i in range(20)]
GROUP_DIMS = np.array([len(g) for g in MUSCLE_GROUPS], dtype=np.int32)
MUSCLE_DIMS = max(max(g) for g in MUSCLE_GROUPS) + 1
MUSCLE_GROUP_NUMS = len(MUSCLE_GROUPS)

_weight_muscle_indx = []
for g in MUSCLE_GROUPS:
    if len(g) > 1:
        _weight_muscle_indx.extend(g[1:])
WEIGHT_MUSCLE_INDX = np.array(_weight_muscle_indx, dtype=np.int64)

_muscle_indx = list(range(MUSCLE_DIMS))
_total = 0
for g in MUSCLE_GROUPS:
    for i in g:
        _muscle_indx[i] = _total
        _total += 1
MUSCLE_INDX = np.array(_muscle_indx, dtype=np.int64)

LOG_STD = -2.0
BATCH = 16384
LAST_LAYER_DIM = 256
WEIGHT_DIM = MUSCLE_DIMS - MUSCLE_GROUP_NUMS  # 60


def setup_inputs(seed: int = 0) -> dict:
    key = jax.random.key(seed)
    k1, k2, k3, k4, k5 = jax.random.split(key, 5)
    x = jax.random.normal(k1, (BATCH, MUSCLE_GROUP_NUMS), dtype=jnp.float32)
    latent_pi = jax.random.normal(k2, (BATCH, LAST_LAYER_DIM), dtype=jnp.float32)
    W = jax.random.normal(k3, (WEIGHT_DIM, LAST_LAYER_DIM), dtype=jnp.float32) * 0.05
    b = jax.random.normal(k4, (WEIGHT_DIM,), dtype=jnp.float32) * 0.01
    noise = jax.random.normal(k5, (BATCH, WEIGHT_DIM), dtype=jnp.float32)
    return {"x": x, "latent_pi": latent_pi, "W": W, "b": b, "noise": noise}


def reference(x, latent_pi, W, b, noise):
    # mu linear head
    mean_weights = latent_pi @ W.T + b
    # SquashedDiagGaussianDistribution.actions_from_params (deterministic=False):
    # sample = mean + exp(log_std) * noise, squashed through tanh
    gaussian = mean_weights + jnp.exp(jnp.float32(LOG_STD)) * noise
    weight = jnp.tanh(gaussian)
    # dynsyn_weight_amp is None at init -> weight replaced by ones_like(weight)
    weight = jnp.ones_like(weight)
    # repeat_replace_x: repeat_interleave by group dims, then permute by muscle_indx
    x_rep = jnp.repeat(x, GROUP_DIMS, axis=-1, total_repeat_length=MUSCLE_DIMS)
    x_rep = x_rep[..., MUSCLE_INDX]
    # scatter-multiply at weight_muscle_indx
    x_rep = x_rep.at[..., WEIGHT_MUSCLE_INDX].multiply(weight)
    out = jnp.clip(x_rep, -1.0, 1.0)
    return out

if __name__ == "__main__":
    import jax
    _d = setup_inputs()
    print(jax.jit(kernel)(*tuple(_d.values())))

</pallas_src>

<mosaic_0001>
#map = affine_map<(d0, d1) -> (0, 0)>
module attributes {stable_mosaic.version = 14 : i64} {
  func.func @_sc_body(%arg0: i32, %arg1: i32, %arg2: memref<16384x20xf32, #tpu.memory_space<hbm>>, %arg3: memref<16384x80xf32, #tpu.memory_space<hbm>>, %arg4: memref<128x20xf32, #tpu.memory_space<vmem>>, %arg5: memref<128x20xf32, #tpu.memory_space<vmem>>, %arg6: memref<128x80xf32, #tpu.memory_space<vmem>>, %arg7: memref<128x80xf32, #tpu.memory_space<vmem>>, %arg8: memref<!tpu.dma_semaphore, #tpu.memory_space<semaphore_mem>>, %arg9: memref<!tpu.dma_semaphore, #tpu.memory_space<semaphore_mem>>, %arg10: memref<!tpu.dma_semaphore, #tpu.memory_space<semaphore_mem>>, %arg11: memref<!tpu.dma_semaphore, #tpu.memory_space<semaphore_mem>>) attributes {dimension_semantics = [#tpu.dimension_semantics<core_parallel>, #tpu.dimension_semantics<subcore_parallel>], iteration_bounds = array<i64: 2, 16>, scalar_prefetch = 0 : i64, scratch_operands = 8 : i64, tpu.core_type = #tpu.core_type<sc_vector_subcore>, window_params = [{transform_indices = #map}, {transform_indices = #map}]} {
    %mul3A = arith.constant 2 : i32
    %mul3A_0 = arith.muli %arg1, %mul3A : i32
    %add3A = arith.addi %mul3A_0, %arg0 : i32
    %mul3A_1 = arith.constant 512 : i32
    %mul3A_2 = arith.muli %add3A, %mul3A_1 : i32
    %iota3A = tpu.iota {dimensions = array<i32: 0>} : vector<16xi32>
    %jit3A = arith.constant 4 : i32
    %div3A = vector.broadcast %jit3A : i32 to vector<16xi32>
    %div3A_3 = arith.divsi %iota3A, %div3A : vector<16xi32>
    %sign3A = arith.constant 0 : i32
    %sign3A_4 = vector.broadcast %sign3A : i32 to vector<16xi32>
    %sign3A_5 = arith.cmpi sgt, %iota3A, %sign3A_4 : vector<16xi32>
    %sign3A_6 = arith.extui %sign3A_5 : vector<16xi1> to vector<16xi32>
    %sign3A_7 = arith.constant 0 : i32
    %sign3A_8 = vector.broadcast %sign3A_7 : i32 to vector<16xi32>
    %sign3A_9 = arith.cmpi slt, %iota3A, %sign3A_8 : vector<16xi32>
    %sign3A_10 = arith.extui %sign3A_9 : vector<16xi1> to vector<16xi32>
    %sign3A_11 = arith.subi %sign3A_6, %sign3A_10 : vector<16xi32>
    %sign3A_12 = arith.constant 0 : i32
    %sign3A_13 = arith.cmpi sgt, %jit3A, %sign3A_12 : i32
    %sign3A_14 = arith.extui %sign3A_13 : i1 to i32
    %sign3A_15 = arith.constant 0 : i32
    %sign3A_16 = arith.cmpi slt, %jit3A, %sign3A_15 : i32
    %sign3A_17 = arith.extui %sign3A_16 : i1 to i32
    %sign3A_18 = arith.subi %sign3A_14, %sign3A_17 : i32
    %ne3A = vector.broadcast %sign3A_18 : i32 to vector<16xi32>
    %ne3A_19 = arith.cmpi ne, %sign3A_11, %ne3A : vector<16xi32>
    %rem3A = vector.broadcast %jit3A : i32 to vector<16xi32>
    %rem3A_20 = arith.remsi %iota3A, %rem3A : vector<16xi32>
    %ne3A_21 = arith.constant 0 : i32
    %ne3A_22 = vector.broadcast %ne3A_21 : i32 to vector<16xi32>
    %ne3A_23 = arith.cmpi ne, %rem3A_20, %ne3A_22 : vector<16xi32>
    %and3A = arith.andi %ne3A_19, %ne3A_23 : vector<16xi1>
    %sub3A = arith.constant 1 : i32
    %sub3A_24 = vector.broadcast %sub3A : i32 to vector<16xi32>
    %sub3A_25 = arith.subi %div3A_3, %sub3A_24 : vector<16xi32>
    %select_n3A = arith.select %and3A, %sub3A_25, %div3A_3 : vector<16xi1>, vector<16xi32>
    %add3A_26 = arith.constant 0 : i32
    %add3A_27 = vector.broadcast %add3A_26 : i32 to vector<16xi32>
    %add3A_28 = arith.addi %select_n3A, %add3A_27 : vector<16xi32>
    %add3A_29 = arith.constant 4 : i32
    %add3A_30 = vector.broadcast %add3A_29 : i32 to vector<16xi32>
    %add3A_31 = arith.addi %select_n3A, %add3A_30 : vector<16xi32>
    %add3A_32 = arith.constant 8 : i32
    %add3A_33 = vector.broadcast %add3A_32 : i32 to vector<16xi32>
    %add3A_34 = arith.addi %select_n3A, %add3A_33 : vector<16xi32>
    %add3A_35 = arith.constant 12 : i32
    %add3A_36 = vector.broadcast %add3A_35 : i32 to vector<16xi32>
    %add3A_37 = arith.addi %select_n3A, %add3A_36 : vector<16xi32>
    %add3A_38 = arith.constant 16 : i32
    %add3A_39 = vector.broadcast %add3A_38 : i32 to vector<16xi32>
    %add3A_40 = arith.addi %select_n3A, %add3A_39 : vector<16xi32>
    %add3A_41 = arith.constant 0 : i32
    %add3A_42 = arith.addi %mul3A_2, %add3A_41 : i32
    %dma_start3A = arith.constant 0 : i32
    %dma_start3A_43 = tpu.memref_slice %arg2[%add3A_42, %dma_start3A] : memref<16384x20xf32, #tpu.memory_space<hbm>> -> memref<128x20xf32, #tpu.memory_space<hbm>>
    %dma_start3A_44 = arith.constant 0 : i32
    %dma_start3A_45 = tpu.memref_slice %arg2[%add3A_42, %dma_start3A_44] : memref<16384x20xf32, #tpu.memory_space<hbm>> -> memref<128x20xf32, #tpu.memory_space<hbm>>
    tpu.enqueue_dma source(%dma_start3A_45 : memref<128x20xf32, #tpu.memory_space<hbm>>) target(%arg4 : memref<128x20xf32, #tpu.memory_space<vmem>>) target_semaphore(%arg8 : memref<!tpu.dma_semaphore, #tpu.memory_space<semaphore_mem>>)
    %add3A_46 = arith.constant 0 : i32
    %add3A_47 = arith.addi %mul3A_2, %add3A_46 : i32
    %dma_wait3A = arith.constant 0 : i32
    %dma_wait3A_48 = tpu.memref_slice %arg2[%add3A_47, %dma_wait3A] : memref<16384x20xf32, #tpu.memory_space<hbm>> -> memref<128x20xf32, #tpu.memory_space<hbm>>
    %dma_wait3A_49 = arith.constant 0 : i32
    %dma_wait3A_50 = tpu.memref_slice %arg2[%add3A_47, %dma_wait3A_49] : memref<16384x20xf32, #tpu.memory_space<hbm>> -> memref<128x20xf32, #tpu.memory_space<hbm>>
    tpu.wait_dma2 semaphore(%arg8 : memref<!tpu.dma_semaphore, #tpu.memory_space<semaphore_mem>>) src(%dma_wait3A_50 : memref<128x20xf32, #tpu.memory_space<hbm>>) dst(%arg4 : memref<128x20xf32, #tpu.memory_space<vmem>>)
    %add3A_51 = arith.constant 128 : i32
    %add3A_52 = arith.addi %mul3A_2, %add3A_51 : i32
    %dma_start3A_53 = arith.constant 0 : i32
    %dma_start3A_54 = tpu.memref_slice %arg2[%add3A_52, %dma_start3A_53] : memref<16384x20xf32, #tpu.memory_space<hbm>> -> memref<128x20xf32, #tpu.memory_space<hbm>>
    %dma_start3A_55 = arith.constant 0 : i32
    %dma_start3A_56 = tpu.memref_slice %arg2[%add3A_52, %dma_start3A_55] : memref<16384x20xf32, #tpu.memory_space<hbm>> -> memref<128x20xf32, #tpu.memory_space<hbm>>
    tpu.enqueue_dma source(%dma_start3A_56 : memref<128x20xf32, #tpu.memory_space<hbm>>) target(%arg5 : memref<128x20xf32, #tpu.memory_space<vmem>>) target_semaphore(%arg9 : memref<!tpu.dma_semaphore, #tpu.memory_space<semaphore_mem>>)
    %parallel_loop3A = arith.constant 0 : i32
    %parallel_loop3A_57 = arith.constant 128 : i32
    %parallel_loop3A_58 = arith.constant 1 : i32
    scf.for %parallel_loop3A_146 = %parallel_loop3A to %parallel_loop3A_57 step %parallel_loop3A_58  : i32 {
      %parallel_loop3A_147 = vector.broadcast %parallel_loop3A_146 : i32 to vector<16xi32>
      %parallel_loop3A_148 = tpu.vector_load_idx %arg4[%parallel_loop3A_147, %add3A_28] : memref<128x20xf32, #tpu.memory_space<vmem>>[vector<16xi32>, vector<16xi32>], vector<16xf32>,
      %parallel_loop3A_149 = arith.constant -1.000000e+00 : f32
      %parallel_loop3A_150 = vector.broadcast %parallel_loop3A_149 : f32 to vector<16xf32>
      %parallel_loop3A_151 = arith.maximumf %parallel_loop3A_148, %parallel_loop3A_150 : vector<16xf32>
      %parallel_loop3A_152 = arith.constant 1.000000e+00 : f32
      %parallel_loop3A_153 = vector.broadcast %parallel_loop3A_152 : f32 to vector<16xf32>
      %parallel_loop3A_154 = arith.minimumf %parallel_loop3A_151, %parallel_loop3A_153 : vector<16xf32>
      %parallel_loop3A_155 = arith.index_cast %parallel_loop3A_146 : i32 to index
      %parallel_loop3A_156 = arith.constant 0 : index
      %parallel_loop3A_157 = tpu.vector_load %arg6[%parallel_loop3A_155, %parallel_loop3A_156] {strides = array<i32>} : memref<128x80xf32, #tpu.memory_space<vmem>>, vector<16xf32>,
      tpu.vector_store %arg6[%parallel_loop3A_155, %parallel_loop3A_156], %parallel_loop3A_154 {strides = array<i32>} : memref<128x80xf32, #tpu.memory_space<vmem>>, vector<16xf32>,
      %parallel_loop3A_158 = tpu.vector_load_idx %arg4[%parallel_loop3A_147, %add3A_31] : memref<128x20xf32, #tpu.memory_space<vmem>>[vector<16xi32>, vector<16xi32>], vector<16xf32>,
      %parallel_loop3A_159 = arith.constant -1.000000e+00 : f32
      %parallel_loop3A_160 = vector.broadcast %parallel_loop3A_159 : f32 to vector<16xf32>
      %parallel_loop3A_161 = arith.maximumf %parallel_loop3A_158, %parallel_loop3A_160 : vector<16xf32>
      %parallel_loop3A_162 = arith.constant 1.000000e+00 : f32
      %parallel_loop3A_163 = vector.broadcast %parallel_loop3A_162 : f32 to vector<16xf32>
      %parallel_loop3A_164 = arith.minimumf %parallel_loop3A_161, %parallel_loop3A_163 : vector<16xf32>
      %parallel_loop3A_165 = arith.index_cast %parallel_loop3A_146 : i32 to index
      %parallel_loop3A_166 = arith.constant 16 : index
      %parallel_loop3A_167 = tpu.vector_load %arg6[%parallel_loop3A_165, %parallel_loop3A_166] {strides = array<i32>} : memref<128x80xf32, #tpu.memory_space<vmem>>, vector<16xf32>,
      tpu.vector_store %arg6[%parallel_loop3A_165, %parallel_loop3A_166], %parallel_loop3A_164 {strides = array<i32>} : memref<128x80xf32, #tpu.memory_space<vmem>>, vector<16xf32>,
      %parallel_loop3A_168 = tpu.vector_load_idx %arg4[%parallel_loop3A_147, %add3A_34] : memref<128x20xf32, #tpu.memory_space<vmem>>[vector<16xi32>, vector<16xi32>], vector<16xf32>,
      %parallel_loop3A_169 = arith.constant -1.000000e+00 : f32
      %parallel_loop3A_170 = vector.broadcast %parallel_loop3A_169 : f32 to vector<16xf32>
      %parallel_loop3A_171 = arith.maximumf %parallel_loop3A_168, %parallel_loop3A_170 : vector<16xf32>
      %parallel_loop3A_172 = arith.constant 1.000000e+00 : f32
      %parallel_loop3A_173 = vector.broadcast %parallel_loop3A_172 : f32 to vector<16xf32>
      %parallel_loop3A_174 = arith.minimumf %parallel_loop3A_171, %parallel_loop3A_173 : vector<16xf32>
      %parallel_loop3A_175 = arith.index_cast %parallel_loop3A_146 : i32 to index
      %parallel_loop3A_176 = arith.constant 32 : index
      %parallel_loop3A_177 = tpu.vector_load %arg6[%parallel_loop3A_175, %parallel_loop3A_176] {strides = array<i32>} : memref<128x80xf32, #tpu.memory_space<vmem>>, vector<16xf32>,
      tpu.vector_store %arg6[%parallel_loop3A_175, %parallel_loop3A_176], %parallel_loop3A_174 {strides = array<i32>} : memref<128x80xf32, #tpu.memory_space<vmem>>, vector<16xf32>,
      %parallel_loop3A_178 = tpu.vector_load_idx %arg4[%parallel_loop3A_147, %add3A_37] : memref<128x20xf32, #tpu.memory_space<vmem>>[vector<16xi32>, vector<16xi32>], vector<16xf32>,
      %parallel_loop3A_179 = arith.constant -1.000000e+00 : f32
      %parallel_loop3A_180 = vector.broadcast %parallel_loop3A_179 : f32 to vector<16xf32>
      %parallel_loop3A_181 = arith.maximumf %parallel_loop3A_178, %parallel_loop3A_180 : vector<16xf32>
      %parallel_loop3A_182 = arith.constant 1.000000e+00 : f32
      %parallel_loop3A_183 = vector.broadcast %parallel_loop3A_182 : f32 to vector<16xf32>
      %parallel_loop3A_184 = arith.minimumf %parallel_loop3A_181, %parallel_loop3A_183 : vector<16xf32>
      %parallel_loop3A_185 = arith.index_cast %parallel_loop3A_146 : i32 to index
      %parallel_loop3A_186 = arith.constant 48 : index
      %parallel_loop3A_187 = tpu.vector_load %arg6[%parallel_loop3A_185, %parallel_loop3A_186] {strides = array<i32>} : memref<128x80xf32, #tpu.memory_space<vmem>>, vector<16xf32>,
      tpu.vector_store %arg6[%parallel_loop3A_185, %parallel_loop3A_186], %parallel_loop3A_184 {strides = array<i32>} : memref<128x80xf32, #tpu.memory_space<vmem>>, vector<16xf32>,
      %parallel_loop3A_188 = tpu.vector_load_idx %arg4[%parallel_loop3A_147, %add3A_40] : memref<128x20xf32, #tpu.memory_space<vmem>>[vector<16xi32>, vector<16xi32>], vector<16xf32>,
      %parallel_loop3A_189 = arith.constant -1.000000e+00 : f32
      %parallel_loop3A_190 = vector.broadcast %parallel_loop3A_189 : f32 to vector<16xf32>
      %parallel_loop3A_191 = arith.maximumf %parallel_loop3A_188, %parallel_loop3A_190 : vector<16xf32>
      %parallel_loop3A_192 = arith.constant 1.000000e+00 : f32
      %parallel_loop3A_193 = vector.broadcast %parallel_loop3A_192 : f32 to vector<16xf32>
      %parallel_loop3A_194 = arith.minimumf %parallel_loop3A_191, %parallel_loop3A_193 : vector<16xf32>
      %parallel_loop3A_195 = arith.index_cast %parallel_loop3A_146 : i32 to index
      %parallel_loop3A_196 = arith.constant 64 : index
      %parallel_loop3A_197 = tpu.vector_load %arg6[%parallel_loop3A_195, %parallel_loop3A_196] {strides = array<i32>} : memref<128x80xf32, #tpu.memory_space<vmem>>, vector<16xf32>,
      tpu.vector_store %arg6[%parallel_loop3A_195, %parallel_loop3A_196], %parallel_loop3A_194 {strides = array<i32>} : memref<128x80xf32, #tpu.memory_space<vmem>>, vector<16xf32>,
    } {sc.loop_unroll_factor = 8 : i64, sc.parallel_access}
    %add3A_59 = arith.constant 0 : i32
    %add3A_60 = arith.addi %mul3A_2, %add3A_59 : i32
    %dma_start3A_61 = arith.constant 0 : i32
    %dma_start3A_62 = tpu.memref_slice %arg3[%add3A_60, %dma_start3A_61] : memref<16384x80xf32, #tpu.memory_space<hbm>> -> memref<128x80xf32, #tpu.memory_space<hbm>>
    %dma_start3A_63 = arith.constant 0 : i32
    %dma_start3A_64 = tpu.memref_slice %arg3[%add3A_60, %dma_start3A_63] : memref<16384x80xf32, #tpu.memory_space<hbm>> -> memref<128x80xf32, #tpu.memory_space<hbm>>
    tpu.enqueue_dma source(%arg6 : memref<128x80xf32, #tpu.memory_space<vmem>>) target(%dma_start3A_64 : memref<128x80xf32, #tpu.memory_space<hbm>>) target_semaphore(%arg10 : memref<!tpu.dma_semaphore, #tpu.memory_space<semaphore_mem>>)
    %add3A_65 = arith.constant 128 : i32
    %add3A_66 = arith.addi %mul3A_2, %add3A_65 : i32
    %dma_wait3A_67 = arith.constant 0 : i32
    %dma_wait3A_68 = tpu.memref_slice %arg2[%add3A_66, %dma_wait3A_67] : memref<16384x20xf32, #tpu.memory_space<hbm>> -> memref<128x20xf32, #tpu.memory_space<hbm>>
    %dma_wait3A_69 = arith.constant 0 : i32
    %dma_wait3A_70 = tpu.memref_slice %arg2[%add3A_66, %dma_wait3A_69] : memref<16384x20xf32, #tpu.memory_space<hbm>> -> memref<128x20xf32, #tpu.memory_space<hbm>>
    tpu.wait_dma2 semaphore(%arg9 : memref<!tpu.dma_semaphore, #tpu.memory_space<semaphore_mem>>) src(%dma_wait3A_70 : memref<128x20xf32, #tpu.memory_space<hbm>>) dst(%arg5 : memref<128x20xf32, #tpu.memory_space<vmem>>)
    %add3A_71 = arith.constant 256 : i32
    %add3A_72 = arith.addi %mul3A_2, %add3A_71 : i32
    %dma_start3A_73 = arith.constant 0 : i32
    %dma_start3A_74 = tpu.memref_slice %arg2[%add3A_72, %dma_start3A_73] : memref<16384x20xf32, #tpu.memory_space<hbm>> -> memref<128x20xf32, #tpu.memory_space<hbm>>
    %dma_start3A_75 = arith.constant 0 : i32
    %dma_start3A_76 = tpu.memref_slice %arg2[%add3A_72, %dma_start3A_75] : memref<16384x20xf32, #tpu.memory_space<hbm>> -> memref<128x20xf32, #tpu.memory_space<hbm>>
    tpu.enqueue_dma source(%dma_start3A_76 : memref<128x20xf32, #tpu.memory_space<hbm>>) target(%arg4 : memref<128x20xf32, #tpu.memory_space<vmem>>) target_semaphore(%arg8 : memref<!tpu.dma_semaphore, #tpu.memory_space<semaphore_mem>>)
    %parallel_loop3A_77 = arith.constant 0 : i32
    %parallel_loop3A_78 = arith.constant 128 : i32
    %parallel_loop3A_79 = arith.constant 1 : i32
    scf.for %parallel_loop3A_146 = %parallel_loop3A_77 to %parallel_loop3A_78 step %parallel_loop3A_79  : i32 {
      %parallel_loop3A_147 = vector.broadcast %parallel_loop3A_146 : i32 to vector<16xi32>
      %parallel_loop3A_148 = tpu.vector_load_idx %arg5[%parallel_loop3A_147, %add3A_28] : memref<128x20xf32, #tpu.memory_space<vmem>>[vector<16xi32>, vector<16xi32>], vector<16xf32>,
      %parallel_loop3A_149 = arith.constant -1.000000e+00 : f32
      %parallel_loop3A_150 = vector.broadcast %parallel_loop3A_149 : f32 to vector<16xf32>
      %parallel_loop3A_151 = arith.maximumf %parallel_loop3A_148, %parallel_loop3A_150 : vector<16xf32>
      %parallel_loop3A_152 = arith.constant 1.000000e+00 : f32
      %parallel_loop3A_153 = vector.broadcast %parallel_loop3A_152 : f32 to vector<16xf32>
      %parallel_loop3A_154 = arith.minimumf %parallel_loop3A_151, %parallel_loop3A_153 : vector<16xf32>
      %parallel_loop3A_155 = arith.index_cast %parallel_loop3A_146 : i32 to index
      %parallel_loop3A_156 = arith.constant 0 : index
      %parallel_loop3A_157 = tpu.vector_load %arg7[%parallel_loop3A_155, %parallel_loop3A_156] {strides = array<i32>} : memref<128x80xf32, #tpu.memory_space<vmem>>, vector<16xf32>,
      tpu.vector_store %arg7[%parallel_loop3A_155, %parallel_loop3A_156], %parallel_loop3A_154 {strides = array<i32>} : memref<128x80xf32, #tpu.memory_space<vmem>>, vector<16xf32>,
      %parallel_loop3A_158 = tpu.vector_load_idx %arg5[%parallel_loop3A_147, %add3A_31] : memref<128x20xf32, #tpu.memory_space<vmem>>[vector<16xi32>, vector<16xi32>], vector<16xf32>,
      %parallel_loop3A_159 = arith.constant -1.000000e+00 : f32
      %parallel_loop3A_160 = vector.broadcast %parallel_loop3A_159 : f32 to vector<16xf32>
      %parallel_loop3A_161 = arith.maximumf %parallel_loop3A_158, %parallel_loop3A_160 : vector<16xf32>
      %parallel_loop3A_162 = arith.constant 1.000000e+00 : f32
      %parallel_loop3A_163 = vector.broadcast %parallel_loop3A_162 : f32 to vector<16xf32>
      %parallel_loop3A_164 = arith.minimumf %parallel_loop3A_161, %parallel_loop3A_163 : vector<16xf32>
      %parallel_loop3A_165 = arith.index_cast %parallel_loop3A_146 : i32 to index
      %parallel_loop3A_166 = arith.constant 16 : index
      %parallel_loop3A_167 = tpu.vector_load %arg7[%parallel_loop3A_165, %parallel_loop3A_166] {strides = array<i32>} : memref<128x80xf32, #tpu.memory_space<vmem>>, vector<16xf32>,
      tpu.vector_store %arg7[%parallel_loop3A_165, %parallel_loop3A_166], %parallel_loop3A_164 {strides = array<i32>} : memref<128x80xf32, #tpu.memory_space<vmem>>, vector<16xf32>,
      %parallel_loop3A_168 = tpu.vector_load_idx %arg5[%parallel_loop3A_147, %add3A_34] : memref<128x20xf32, #tpu.memory_space<vmem>>[vector<16xi32>, vector<16xi32>], vector<16xf32>,
      %parallel_loop3A_169 = arith.constant -1.000000e+00 : f32
      %parallel_loop3A_170 = vector.broadcast %parallel_loop3A_169 : f32 to vector<16xf32>
      %parallel_loop3A_171 = arith.maximumf %parallel_loop3A_168, %parallel_loop3A_170 : vector<16xf32>
      %parallel_loop3A_172 = arith.constant 1.000000e+00 : f32
      %parallel_loop3A_173 = vector.broadcast %parallel_loop3A_172 : f32 to vector<16xf32>
      %parallel_loop3A_174 = arith.minimumf %parallel_loop3A_171, %parallel_loop3A_173 : vector<16xf32>
      %parallel_loop3A_175 = arith.index_cast %parallel_loop3A_146 : i32 to index
      %parallel_loop3A_176 = arith.constant 32 : index
      %parallel_loop3A_177 = tpu.vector_load %arg7[%parallel_loop3A_175, %parallel_loop3A_176] {strides = array<i32>} : memref<128x80xf32, #tpu.memory_space<vmem>>, vector<16xf32>,
      tpu.vector_store %arg7[%parallel_loop3A_175, %parallel_loop3A_176], %parallel_loop3A_174 {strides = array<i32>} : memref<128x80xf32, #tpu.memory_space<vmem>>, vector<16xf32>,
      %parallel_loop3A_178 = tpu.vector_load_idx %arg5[%parallel_loop3A_147, %add3A_37] : memref<128x20xf32, #tpu.memory_space<vmem>>[vector<16xi32>, vector<16xi32>], vector<16xf32>,
      %parallel_loop3A_179 = arith.constant -1.000000e+00 : f32
      %parallel_loop3A_180 = vector.broadcast %parallel_loop3A_179 : f32 to vector<16xf32>
      %parallel_loop3A_181 = arith.maximumf %parallel_loop3A_178, %parallel_loop3A_180 : vector<16xf32>
      %parallel_loop3A_182 = arith.constant 1.000000e+00 : f32
      %parallel_loop3A_183 = vector.broadcast %parallel_loop3A_182 : f32 to vector<16xf32>
      %parallel_loop3A_184 = arith.minimumf %parallel_loop3A_181, %parallel_loop3A_183 : vector<16xf32>
      %parallel_loop3A_185 = arith.index_cast %parallel_loop3A_146 : i32 to index
      %parallel_loop3A_186 = arith.constant 48 : index
      %parallel_loop3A_187 = tpu.vector_load %arg7[%parallel_loop3A_185, %parallel_loop3A_186] {strides = array<i32>} : memref<128x80xf32, #tpu.memory_space<vmem>>, vector<16xf32>,
      tpu.vector_store %arg7[%parallel_loop3A_185, %parallel_loop3A_186], %parallel_loop3A_184 {strides = array<i32>} : memref<128x80xf32, #tpu.memory_space<vmem>>, vector<16xf32>,
      %parallel_loop3A_188 = tpu.vector_load_idx %arg5[%parallel_loop3A_147, %add3A_40] : memref<128x20xf32, #tpu.memory_space<vmem>>[vector<16xi32>, vector<16xi32>], vector<16xf32>,
      %parallel_loop3A_189 = arith.constant -1.000000e+00 : f32
      %parallel_loop3A_190 = vector.broadcast %parallel_loop3A_189 : f32 to vector<16xf32>
      %parallel_loop3A_191 = arith.maximumf %parallel_loop3A_188, %parallel_loop3A_190 : vector<16xf32>
      %parallel_loop3A_192 = arith.constant 1.000000e+00 : f32
      %parallel_loop3A_193 = vector.broadcast %parallel_loop3A_192 : f32 to vector<16xf32>
      %parallel_loop3A_194 = arith.minimumf %parallel_loop3A_191, %parallel_loop3A_193 : vector<16xf32>
      %parallel_loop3A_195 = arith.index_cast %parallel_loop3A_146 : i32 to index
      %parallel_loop3A_196 = arith.constant 64 : index
      %parallel_loop3A_197 = tpu.vector_load %arg7[%parallel_loop3A_195, %parallel_loop3A_196] {strides = array<i32>} : memref<128x80xf32, #tpu.memory_space<vmem>>, vector<16xf32>,
      tpu.vector_store %arg7[%parallel_loop3A_195, %parallel_loop3A_196], %parallel_loop3A_194 {strides = array<i32>} : memref<128x80xf32, #tpu.memory_space<vmem>>, vector<16xf32>,
    } {sc.loop_unroll_factor = 8 : i64, sc.parallel_access}
    %add3A_80 = arith.constant 128 : i32
    %add3A_81 = arith.addi %mul3A_2, %add3A_80 : i32
    %dma_start3A_82 = arith.constant 0 : i32
    %dma_start3A_83 = tpu.memref_slice %arg3[%add3A_81, %dma_start3A_82] : memref<16384x80xf32, #tpu.memory_space<hbm>> -> memref<128x80xf32, #tpu.memory_space<hbm>>
    %dma_start3A_84 = arith.constant 0 : i32
    %dma_start3A_85 = tpu.memref_slice %arg3[%add3A_81, %dma_start3A_84] : memref<16384x80xf32, #tpu.memory_space<hbm>> -> memref<128x80xf32, #tpu.memory_space<hbm>>
    tpu.enqueue_dma source(%arg7 : memref<128x80xf32, #tpu.memory_space<vmem>>) target(%dma_start3A_85 : memref<128x80xf32, #tpu.memory_space<hbm>>) target_semaphore(%arg11 : memref<!tpu.dma_semaphore, #tpu.memory_space<semaphore_mem>>)
    %add3A_86 = arith.constant 256 : i32
    %add3A_87 = arith.addi %mul3A_2, %add3A_86 : i32
    %dma_wait3A_88 = arith.constant 0 : i32
    %dma_wait3A_89 = tpu.memref_slice %arg2[%add3A_87, %dma_wait3A_88] : memref<16384x20xf32, #tpu.memory_space<hbm>> -> memref<128x20xf32, #tpu.memory_space<hbm>>
    %dma_wait3A_90 = arith.constant 0 : i32
    %dma_wait3A_91 = tpu.memref_slice %arg2[%add3A_87, %dma_wait3A_90] : memref<16384x20xf32, #tpu.memory_space<hbm>> -> memref<128x20xf32, #tpu.memory_space<hbm>>
    tpu.wait_dma2 semaphore(%arg8 : memref<!tpu.dma_semaphore, #tpu.memory_space<semaphore_mem>>) src(%dma_wait3A_91 : memref<128x20xf32, #tpu.memory_space<hbm>>) dst(%arg4 : memref<128x20xf32, #tpu.memory_space<vmem>>)
    %add3A_92 = arith.constant 384 : i32
    %add3A_93 = arith.addi %mul3A_2, %add3A_92 : i32
    %dma_start3A_94 = arith.constant 0 : i32
    %dma_start3A_95 = tpu.memref_slice %arg2[%add3A_93, %dma_start3A_94] : memref<16384x20xf32, #tpu.memory_space<hbm>> -> memref<128x20xf32, #tpu.memory_space<hbm>>
    %dma_start3A_96 = arith.constant 0 : i32
    %dma_start3A_97 = tpu.memref_slice %arg2[%add3A_93, %dma_start3A_96] : memref<16384x20xf32, #tpu.memory_space<hbm>> -> memref<128x20xf32, #tpu.memory_space<hbm>>
    tpu.enqueue_dma source(%dma_start3A_97 : memref<128x20xf32, #tpu.memory_space<hbm>>) target(%arg5 : memref<128x20xf32, #tpu.memory_space<vmem>>) target_semaphore(%arg9 : memref<!tpu.dma_semaphore, #tpu.memory_space<semaphore_mem>>)
    %add3A_98 = arith.constant 0 : i32
    %add3A_99 = arith.addi %mul3A_2, %add3A_98 : i32
    %dma_wait3A_100 = arith.constant 0 : i32
    %dma_wait3A_101 = tpu.memref_slice %arg3[%add3A_99, %dma_wait3A_100] : memref<16384x80xf32, #tpu.memory_space<hbm>> -> memref<128x80xf32, #tpu.memory_space<hbm>>
    %dma_wait3A_102 = arith.constant 0 : i32
    %dma_wait3A_103 = tpu.memref_slice %arg3[%add3A_99, %dma_wait3A_102] : memref<16384x80xf32, #tpu.memory_space<hbm>> -> memref<128x80xf32, #tpu.memory_space<hbm>>
    tpu.wait_dma2 semaphore(%arg10 : memref<!tpu.dma_semaphore, #tpu.memory_space<semaphore_mem>>) src(%arg6 : memref<128x80xf32, #tpu.memory_space<vmem>>) dst(%dma_wait3A_103 : memref<128x80xf32, #tpu.memory_space<hbm>>)
    %parallel_loop3A_104 = arith.constant 0 : i32
    %parallel_loop3A_105 = arith.constant 128 : i32
    %parallel_loop3A_106 = arith.constant 1 : i32
    scf.for %parallel_loop3A_146 = %parallel_loop3A_104 to %parallel_loop3A_105 step %parallel_loop3A_106  : i32 {
      %parallel_loop3A_147 = vector.broadcast %parallel_loop3A_146 : i32 to vector<16xi32>
      %parallel_loop3A_148 = tpu.vector_load_idx %arg4[%parallel_loop3A_147, %add3A_28] : memref<128x20xf32, #tpu.memory_space<vmem>>[vector<16xi32>, vector<16xi32>], vector<16xf32>,
      %parallel_loop3A_149 = arith.constant -1.000000e+00 : f32
      %parallel_loop3A_150 = vector.broadcast %parallel_loop3A_149 : f32 to vector<16xf32>
      %parallel_loop3A_151 = arith.maximumf %parallel_loop3A_148, %parallel_loop3A_150 : vector<16xf32>
      %parallel_loop3A_152 = arith.constant 1.000000e+00 : f32
      %parallel_loop3A_153 = vector.broadcast %parallel_loop3A_152 : f32 to vector<16xf32>
      %parallel_loop3A_154 = arith.minimumf %parallel_loop3A_151, %parallel_loop3A_153 : vector<16xf32>
      %parallel_loop3A_155 = arith.index_cast %parallel_loop3A_146 : i32 to index
      %parallel_loop3A_156 = arith.constant 0 : index
      %parallel_loop3A_157 = tpu.vector_load %arg6[%parallel_loop3A_155, %parallel_loop3A_156] {strides = array<i32>} : memref<128x80xf32, #tpu.memory_space<vmem>>, vector<16xf32>,
      tpu.vector_store %arg6[%parallel_loop3A_155, %parallel_loop3A_156], %parallel_loop3A_154 {strides = array<i32>} : memref<128x80xf32, #tpu.memory_space<vmem>>, vector<16xf32>,
      %parallel_loop3A_158 = tpu.vector_load_idx %arg4[%parallel_loop3A_147, %add3A_31] : memref<128x20xf32, #tpu.memory_space<vmem>>[vector<16xi32>, vector<16xi32>], vector<16xf32>,
      %parallel_loop3A_159 = arith.constant -1.000000e+00 : f32
      %parallel_loop3A_160 = vector.broadcast %parallel_loop3A_159 : f32 to vector<16xf32>
      %parallel_loop3A_161 = arith.maximumf %parallel_loop3A_158, %parallel_loop3A_160 : vector<16xf32>
      %parallel_loop3A_162 = arith.constant 1.000000e+00 : f32
      %parallel_loop3A_163 = vector.broadcast %parallel_loop3A_162 : f32 to vector<16xf32>
      %parallel_loop3A_164 = arith.minimumf %parallel_loop3A_161, %parallel_loop3A_163 : vector<16xf32>
      %parallel_loop3A_165 = arith.index_cast %parallel_loop3A_146 : i32 to index
      %parallel_loop3A_166 = arith.constant 16 : index
      %parallel_loop3A_167 = tpu.vector_load %arg6[%parallel_loop3A_165, %parallel_loop3A_166] {strides = array<i32>} : memref<128x80xf32, #tpu.memory_space<vmem>>, vector<16xf32>,
      tpu.vector_store %arg6[%parallel_loop3A_165, %parallel_loop3A_166], %parallel_loop3A_164 {strides = array<i32>} : memref<128x80xf32, #tpu.memory_space<vmem>>, vector<16xf32>,
      %parallel_loop3A_168 = tpu.vector_load_idx %arg4[%parallel_loop3A_147, %add3A_34] : memref<128x20xf32, #tpu.memory_space<vmem>>[vector<16xi32>, vector<16xi32>], vector<16xf32>,
      %parallel_loop3A_169 = arith.constant -1.000000e+00 : f32
      %parallel_loop3A_170 = vector.broadcast %parallel_loop3A_169 : f32 to vector<16xf32>
      %parallel_loop3A_171 = arith.maximumf %parallel_loop3A_168, %parallel_loop3A_170 : vector<16xf32>
      %parallel_loop3A_172 = arith.constant 1.000000e+00 : f32
      %parallel_loop3A_173 = vector.broadcast %parallel_loop3A_172 : f32 to vector<16xf32>
      %parallel_loop3A_174 = arith.minimumf %parallel_loop3A_171, %parallel_loop3A_173 : vector<16xf32>
      %parallel_loop3A_175 = arith.index_cast %parallel_loop3A_146 : i32 to index
      %parallel_loop3A_176 = arith.constant 32 : index
      %parallel_loop3A_177 = tpu.vector_load %arg6[%parallel_loop3A_175, %parallel_loop3A_176] {strides = array<i32>} : memref<128x80xf32, #tpu.memory_space<vmem>>, vector<16xf32>,
      tpu.vector_store %arg6[%parallel_loop3A_175, %parallel_loop3A_176], %parallel_loop3A_174 {strides = array<i32>} : memref<128x80xf32, #tpu.memory_space<vmem>>, vector<16xf32>,
      %parallel_loop3A_178 = tpu.vector_load_idx %arg4[%parallel_loop3A_147, %add3A_37] : memref<128x20xf32, #tpu.memory_space<vmem>>[vector<16xi32>, vector<16xi32>], vector<16xf32>,
      %parallel_loop3A_179 = arith.constant -1.000000e+00 : f32
      %parallel_loop3A_180 = vector.broadcast %parallel_loop3A_179 : f32 to vector<16xf32>
      %parallel_loop3A_181 = arith.maximumf %parallel_loop3A_178, %parallel_loop3A_180 : vector<16xf32>
      %parallel_loop3A_182 = arith.constant 1.000000e+00 : f32
      %parallel_loop3A_183 = vector.broadcast %parallel_loop3A_182 : f32 to vector<16xf32>
      %parallel_loop3A_184 = arith.minimumf %parallel_loop3A_181, %parallel_loop3A_183 : vector<16xf32>
      %parallel_loop3A_185 = arith.index_cast %parallel_loop3A_146 : i32 to index
      %parallel_loop3A_186 = arith.constant 48 : index
      %parallel_loop3A_187 = tpu.vector_load %arg6[%parallel_loop3A_185, %parallel_loop3A_186] {strides = array<i32>} : memref<128x80xf32, #tpu.memory_space<vmem>>, vector<16xf32>,
      tpu.vector_store %arg6[%parallel_loop3A_185, %parallel_loop3A_186], %parallel_loop3A_184 {strides = array<i32>} : memref<128x80xf32, #tpu.memory_space<vmem>>, vector<16xf32>,
      %parallel_loop3A_188 = tpu.vector_load_idx %arg4[%parallel_loop3A_147, %add3A_40] : memref<128x20xf32, #tpu.memory_space<vmem>>[vector<16xi32>, vector<16xi32>], vector<16xf32>,
      %parallel_loop3A_189 = arith.constant -1.000000e+00 : f32
      %parallel_loop3A_190 = vector.broadcast %parallel_loop3A_189 : f32 to vector<16xf32>
      %parallel_loop3A_191 = arith.maximumf %parallel_loop3A_188, %parallel_loop3A_190 : vector<16xf32>
      %parallel_loop3A_192 = arith.constant 1.000000e+00 : f32
      %parallel_loop3A_193 = vector.broadcast %parallel_loop3A_192 : f32 to vector<16xf32>
      %parallel_loop3A_194 = arith.minimumf %parallel_loop3A_191, %parallel_loop3A_193 : vector<16xf32>
      %parallel_loop3A_195 = arith.index_cast %parallel_loop3A_146 : i32 to index
      %parallel_loop3A_196 = arith.constant 64 : index
      %parallel_loop3A_197 = tpu.vector_load %arg6[%parallel_loop3A_195, %parallel_loop3A_196] {strides = array<i32>} : memref<128x80xf32, #tpu.memory_space<vmem>>, vector<16xf32>,
      tpu.vector_store %arg6[%parallel_loop3A_195, %parallel_loop3A_196], %parallel_loop3A_194 {strides = array<i32>} : memref<128x80xf32, #tpu.memory_space<vmem>>, vector<16xf32>,
    } {sc.loop_unroll_factor = 8 : i64, sc.parallel_access}
    %add3A_107 = arith.constant 256 : i32
    %add3A_108 = arith.addi %mul3A_2, %add3A_107 : i32
    %dma_start3A_109 = arith.constant 0 : i32
    %dma_start3A_110 = tpu.memref_slice %arg3[%add3A_108, %dma_start3A_109] : memref<16384x80xf32, #tpu.memory_space<hbm>> -> memref<128x80xf32, #tpu.memory_space<hbm>>
    %dma_start3A_111 = arith.constant 0 : i32
    %dma_start3A_112 = tpu.memref_slice %arg3[%add3A_108, %dma_start3A_111] : memref<16384x80xf32, #tpu.memory_space<hbm>> -> memref<128x80xf32, #tpu.memory_space<hbm>>
    tpu.enqueue_dma source(%arg6 : memref<128x80xf32, #tpu.memory_space<vmem>>) target(%dma_start3A_112 : memref<128x80xf32, #tpu.memory_space<hbm>>) target_semaphore(%arg10 : memref<!tpu.dma_semaphore, #tpu.memory_space<semaphore_mem>>)
    %add3A_113 = arith.constant 384 : i32
    %add3A_114 = arith.addi %mul3A_2, %add3A_113 : i32
    %dma_wait3A_115 = arith.constant 0 : i32
    %dma_wait3A_116 = tpu.memref_slice %arg2[%add3A_114, %dma_wait3A_115] : memref<16384x20xf32, #tpu.memory_space<hbm>> -> memref<128x20xf32, #tpu.memory_space<hbm>>
    %dma_wait3A_117 = arith.constant 0 : i32
    %dma_wait3A_118 = tpu.memref_slice %arg2[%add3A_114, %dma_wait3A_117] : memref<16384x20xf32, #tpu.memory_space<hbm>> -> memref<128x20xf32, #tpu.memory_space<hbm>>
    tpu.wait_dma2 semaphore(%arg9 : memref<!tpu.dma_semaphore, #tpu.memory_space<semaphore_mem>>) src(%dma_wait3A_118 : memref<128x20xf32, #tpu.memory_space<hbm>>) dst(%arg5 : memref<128x20xf32, #tpu.memory_space<vmem>>)
    %add3A_119 = arith.constant 128 : i32
    %add3A_120 = arith.addi %mul3A_2, %add3A_119 : i32
    %dma_wait3A_121 = arith.constant 0 : i32
    %dma_wait3A_122 = tpu.memref_slice %arg3[%add3A_120, %dma_wait3A_121] : memref<16384x80xf32, #tpu.memory_space<hbm>> -> memref<128x80xf32, #tpu.memory_space<hbm>>
    %dma_wait3A_123 = arith.constant 0 : i32
    %dma_wait3A_124 = tpu.memref_slice %arg3[%add3A_120, %dma_wait3A_123] : memref<16384x80xf32, #tpu.memory_space<hbm>> -> memref<128x80xf32, #tpu.memory_space<hbm>>
    tpu.wait_dma2 semaphore(%arg11 : memref<!tpu.dma_semaphore, #tpu.memory_space<semaphore_mem>>) src(%arg7 : memref<128x80xf32, #tpu.memory_space<vmem>>) dst(%dma_wait3A_124 : memref<128x80xf32, #tpu.memory_space<hbm>>)
    %parallel_loop3A_125 = arith.constant 0 : i32
    %parallel_loop3A_126 = arith.constant 128 : i32
    %parallel_loop3A_127 = arith.constant 1 : i32
    scf.for %parallel_loop3A_146 = %parallel_loop3A_125 to %parallel_loop3A_126 step %parallel_loop3A_127  : i32 {
      %parallel_loop3A_147 = vector.broadcast %parallel_loop3A_146 : i32 to vector<16xi32>
      %parallel_loop3A_148 = tpu.vector_load_idx %arg5[%parallel_loop3A_147, %add3A_28] : memref<128x20xf32, #tpu.memory_space<vmem>>[vector<16xi32>, vector<16xi32>], vector<16xf32>,
      %parallel_loop3A_149 = arith.constant -1.000000e+00 : f32
      %parallel_loop3A_150 = vector.broadcast %parallel_loop3A_149 : f32 to vector<16xf32>
      %parallel_loop3A_151 = arith.maximumf %parallel_loop3A_148, %parallel_loop3A_150 : vector<16xf32>
      %parallel_loop3A_152 = arith.constant 1.000000e+00 : f32
      %parallel_loop3A_153 = vector.broadcast %parallel_loop3A_152 : f32 to vector<16xf32>
      %parallel_loop3A_154 = arith.minimumf %parallel_loop3A_151, %parallel_loop3A_153 : vector<16xf32>
      %parallel_loop3A_155 = arith.index_cast %parallel_loop3A_146 : i32 to index
      %parallel_loop3A_156 = arith.constant 0 : index
      %parallel_loop3A_157 = tpu.vector_load %arg7[%parallel_loop3A_155, %parallel_loop3A_156] {strides = array<i32>} : memref<128x80xf32, #tpu.memory_space<vmem>>, vector<16xf32>,
      tpu.vector_store %arg7[%parallel_loop3A_155, %parallel_loop3A_156], %parallel_loop3A_154 {strides = array<i32>} : memref<128x80xf32, #tpu.memory_space<vmem>>, vector<16xf32>,
      %parallel_loop3A_158 = tpu.vector_load_idx %arg5[%parallel_loop3A_147, %add3A_31] : memref<128x20xf32, #tpu.memory_space<vmem>>[vector<16xi32>, vector<16xi32>], vector<16xf32>,
      %parallel_loop3A_159 = arith.constant -1.000000e+00 : f32
      %parallel_loop3A_160 = vector.broadcast %parallel_loop3A_159 : f32 to vector<16xf32>
      %parallel_loop3A_161 = arith.maximumf %parallel_loop3A_158, %parallel_loop3A_160 : vector<16xf32>
      %parallel_loop3A_162 = arith.constant 1.000000e+00 : f32
      %parallel_loop3A_163 = vector.broadcast %parallel_loop3A_162 : f32 to vector<16xf32>
      %parallel_loop3A_164 = arith.minimumf %parallel_loop3A_161, %parallel_loop3A_163 : vector<16xf32>
      %parallel_loop3A_165 = arith.index_cast %parallel_loop3A_146 : i32 to index
      %parallel_loop3A_166 = arith.constant 16 : index
      %parallel_loop3A_167 = tpu.vector_load %arg7[%parallel_loop3A_165, %parallel_loop3A_166] {strides = array<i32>} : memref<128x80xf32, #tpu.memory_space<vmem>>, vector<16xf32>,
      tpu.vector_store %arg7[%parallel_loop3A_165, %parallel_loop3A_166], %parallel_loop3A_164 {strides = array<i32>} : memref<128x80xf32, #tpu.memory_space<vmem>>, vector<16xf32>,
      %parallel_loop3A_168 = tpu.vector_load_idx %arg5[%parallel_loop3A_147, %add3A_34] : memref<128x20xf32, #tpu.memory_space<vmem>>[vector<16xi32>, vector<16xi32>], vector<16xf32>,
      %parallel_loop3A_169 = arith.constant -1.000000e+00 : f32
      %parallel_loop3A_170 = vector.broadcast %parallel_loop3A_169 : f32 to vector<16xf32>
      %parallel_loop3A_171 = arith.maximumf %parallel_loop3A_168, %parallel_loop3A_170 : vector<16xf32>
      %parallel_loop3A_172 = arith.constant 1.000000e+00 : f32
      %parallel_loop3A_173 = vector.broadcast %parallel_loop3A_172 : f32 to vector<16xf32>
      %parallel_loop3A_174 = arith.minimumf %parallel_loop3A_171, %parallel_loop3A_173 : vector<16xf32>
      %parallel_loop3A_175 = arith.index_cast %parallel_loop3A_146 : i32 to index
      %parallel_loop3A_176 = arith.constant 32 : index
      %parallel_loop3A_177 = tpu.vector_load %arg7[%parallel_loop3A_175, %parallel_loop3A_176] {strides = array<i32>} : memref<128x80xf32, #tpu.memory_space<vmem>>, vector<16xf32>,
      tpu.vector_store %arg7[%parallel_loop3A_175, %parallel_loop3A_176], %parallel_loop3A_174 {strides = array<i32>} : memref<128x80xf32, #tpu.memory_space<vmem>>, vector<16xf32>,
      %parallel_loop3A_178 = tpu.vector_load_idx %arg5[%parallel_loop3A_147, %add3A_37] : memref<128x20xf32, #tpu.memory_space<vmem>>[vector<16xi32>, vector<16xi32>], vector<16xf32>,
      %parallel_loop3A_179 = arith.constant -1.000000e+00 : f32
      %parallel_loop3A_180 = vector.broadcast %parallel_loop3A_179 : f32 to vector<16xf32>
      %parallel_loop3A_181 = arith.maximumf %parallel_loop3A_178, %parallel_loop3A_180 : vector<16xf32>
      %parallel_loop3A_182 = arith.constant 1.000000e+00 : f32
      %parallel_loop3A_183 = vector.broadcast %parallel_loop3A_182 : f32 to vector<16xf32>
      %parallel_loop3A_184 = arith.minimumf %parallel_loop3A_181, %parallel_loop3A_183 : vector<16xf32>
      %parallel_loop3A_185 = arith.index_cast %parallel_loop3A_146 : i32 to index
      %parallel_loop3A_186 = arith.constant 48 : index
      %parallel_loop3A_187 = tpu.vector_load %arg7[%parallel_loop3A_185, %parallel_loop3A_186] {strides = array<i32>} : memref<128x80xf32, #tpu.memory_space<vmem>>, vector<16xf32>,
      tpu.vector_store %arg7[%parallel_loop3A_185, %parallel_loop3A_186], %parallel_loop3A_184 {strides = array<i32>} : memref<128x80xf32, #tpu.memory_space<vmem>>, vector<16xf32>,
      %parallel_loop3A_188 = tpu.vector_load_idx %arg5[%parallel_loop3A_147, %add3A_40] : memref<128x20xf32, #tpu.memory_space<vmem>>[vector<16xi32>, vector<16xi32>], vector<16xf32>,
      %parallel_loop3A_189 = arith.constant -1.000000e+00 : f32
      %parallel_loop3A_190 = vector.broadcast %parallel_loop3A_189 : f32 to vector<16xf32>
      %parallel_loop3A_191 = arith.maximumf %parallel_loop3A_188, %parallel_loop3A_190 : vector<16xf32>
      %parallel_loop3A_192 = arith.constant 1.000000e+00 : f32
      %parallel_loop3A_193 = vector.broadcast %parallel_loop3A_192 : f32 to vector<16xf32>
      %parallel_loop3A_194 = arith.minimumf %parallel_loop3A_191, %parallel_loop3A_193 : vector<16xf32>
      %parallel_loop3A_195 = arith.index_cast %parallel_loop3A_146 : i32 to index
      %parallel_loop3A_196 = arith.constant 64 : index
      %parallel_loop3A_197 = tpu.vector_load %arg7[%parallel_loop3A_195, %parallel_loop3A_196] {strides = array<i32>} : memref<128x80xf32, #tpu.memory_space<vmem>>, vector<16xf32>,
      tpu.vector_store %arg7[%parallel_loop3A_195, %parallel_loop3A_196], %parallel_loop3A_194 {strides = array<i32>} : memref<128x80xf32, #tpu.memory_space<vmem>>, vector<16xf32>,
    } {sc.loop_unroll_factor = 8 : i64, sc.parallel_access}
    %add3A_128 = arith.constant 384 : i32
    %add3A_129 = arith.addi %mul3A_2, %add3A_128 : i32
    %dma_start3A_130 = arith.constant 0 : i32
    %dma_start3A_131 = tpu.memref_slice %arg3[%add3A_129, %dma_start3A_130] : memref<16384x80xf32, #tpu.memory_space<hbm>> -> memref<128x80xf32, #tpu.memory_space<hbm>>
    %dma_start3A_132 = arith.constant 0 : i32
    %dma_start3A_133 = tpu.memref_slice %arg3[%add3A_129, %dma_start3A_132] : memref<16384x80xf32, #tpu.memory_space<hbm>> -> memref<128x80xf32, #tpu.memory_space<hbm>>
    tpu.enqueue_dma source(%arg7 : memref<128x80xf32, #tpu.memory_space<vmem>>) target(%dma_start3A_133 : memref<128x80xf32, #tpu.memory_space<hbm>>) target_semaphore(%arg11 : memref<!tpu.dma_semaphore, #tpu.memory_space<semaphore_mem>>)
    %add3A_134 = arith.constant 256 : i32
    %add3A_135 = arith.addi %mul3A_2, %add3A_134 : i32
    %dma_wait3A_136 = arith.constant 0 : i32
    %dma_wait3A_137 = tpu.memref_slice %arg3[%add3A_135, %dma_wait3A_136] : memref<16384x80xf32, #tpu.memory_space<hbm>> -> memref<128x80xf32, #tpu.memory_space<hbm>>
    %dma_wait3A_138 = arith.constant 0 : i32
    %dma_wait3A_139 = tpu.memref_slice %arg3[%add3A_135, %dma_wait3A_138] : memref<16384x80xf32, #tpu.memory_space<hbm>> -> memref<128x80xf32, #tpu.memory_space<hbm>>
    tpu.wait_dma2 semaphore(%arg10 : memref<!tpu.dma_semaphore, #tpu.memory_space<semaphore_mem>>) src(%arg6 : memref<128x80xf32, #tpu.memory_space<vmem>>) dst(%dma_wait3A_139 : memref<128x80xf32, #tpu.memory_space<hbm>>)
    %add3A_140 = arith.constant 384 : i32
    %add3A_141 = arith.addi %mul3A_2, %add3A_140 : i32
    %dma_wait3A_142 = arith.constant 0 : i32
    %dma_wait3A_143 = tpu.memref_slice %arg3[%add3A_141, %dma_wait3A_142] : memref<16384x80xf32, #tpu.memory_space<hbm>> -> memref<128x80xf32, #tpu.memory_space<hbm>>
    %dma_wait3A_144 = arith.constant 0 : i32
    %dma_wait3A_145 = tpu.memref_slice %arg3[%add3A_141, %dma_wait3A_144] : memref<16384x80xf32, #tpu.memory_space<hbm>> -> memref<128x80xf32, #tpu.memory_space<hbm>>
    tpu.wait_dma2 semaphore(%arg11 : memref<!tpu.dma_semaphore, #tpu.memory_space<semaphore_mem>>) src(%arg7 : memref<128x80xf32, #tpu.memory_space<vmem>>) dst(%dma_wait3A_145 : memref<128x80xf32, #tpu.memory_space<hbm>>)
    return
  }
}

</mosaic_0001>

<sc_bundles>
// kernel: kernel.3.cloned.1.call-start
scs
__scs_entry_jumppad:
0x0: {  	(pc) =	sbr.rel $0x88, $3  }
0x1: {  	(tag) =	ssettag $0x0;
	lr =	simm.s32 $0x1  }
0x2: {  	[smem:$0x3FA0] =	sst lr;
	_ =	strace $0xD0000000  }
0x3: {  	_ = 	snop  }
0x4: {  	_ = 	snop  }
0x5: {  	_ = 	snop  }
0x6: {  	_ = 	snop  }
0x7: {  	_ = 	snop  }
__scs_overlays_trampoline_lowered:
0x8: {  	[smem:$0x3FAF] =	sst s0  }
0x9: {  	[smem:$0x3FB0] =	sst s1  }
0xa: {  	[smem:$0x3FB1] =	sst s2  }
0xb: {  	[smem:$0x3FB2] =	sst s3  }
0xc: {  	[smem:$0x3FB3] =	sst s4  }
0xd: {  	[smem:$0x3FB4] =	sst s5  }
0xe: {  	[smem:$0x3FB5] =	sst s6  }
0xf: {  	[smem:$0x3FB6] =	sst s7  }
0x10: {  	[smem:$0x3FB7] =	sst s8  }
0x11: {  	[smem:$0x3FB8] =	sst s9;
	s0 =	simm.s32 @!p0 $0x0  }
0x12: {  	s1 =	sld [smem:$0x3F9E];
	s0 =	simm.s32 @p0 $0x1  }
0x13: {  	[smem:$0x3FB9] =	sst s0;
	s0 =	simm.s32 @!p1 $0x0  }
0x14: {  	s2 =	sld [smem:$0x3F9D];
	s0 =	simm.s32 @p1 $0x1  }
0x15: {  	[smem:$0x3FBA] =	sst s0;
	s0 =	simm.s32 @!p2 $0x0  }
0x16: {  	s3 =	sld [smem:$0x3FDB];
	s0 =	simm.s32 @p2 $0x1  }
0x17: {  	s4 =	simm.s32 $0x1BF5;
	[smem:$0x3FBC] =	sst s0  }
0x18: {  	s0 =	sld [smem:$0x3F9F];
	_ =	swait.ge [sflag:s4], $0x0  }
0x19: {  	s7 =	sld [smem:$0x3FA0]  }
0x1a: {  	s8 =	sadd.s32 $0xFFFFE003, lr  }
0x1b: {  	s9 =	sadd.s32 $0xFFFFFEF7, lr;
	s5 =	simm.s32 $0xFFFFFFFF;
	p2 =	slt.u32 s8, $0xFFFFF086  }
0x1c: {  	p1 =	slt.u32 s9, $0xF7A;
	s5 =	simm.s32 @!p2 $0x0  }
0x1d: {  	s5 =	simm.s32 @p1 $0x1;
	p0 =	seq.s32 s7, s2  }
0x1e: {  	s7 =	smul.u32 @!p0 $0xF7A, s2;
	p2 =	seq.s32 @!p0 s5, $0x0  }
0x1f: {  	s9 =	smul.u32 $0xF7A, s1;
	s8 =	simm.s32 @!p0 $0x1BF5;
	p2 =	por !p2, p0  }
0x20: {  	[sflag:s8] =	ssyncset.s32 @!p0 $0xFFFFF086;
	s6 =	sadd.s32 @!p0 s3, s7;
	s7 =	simm.s32 @!p0 $0x108  }
0x21: {  	s3 =	sadd.s32 s3, s9;
	s6 =	sadd.s32 @!p0 $0x88, s6;
	s7 =	simm.s32 @p2 $0x1082  }
0x22: {  	[simem:s7], [sflag:s8] =	dma.local @!p0 [hbm:s6], $0xF7A  }
0x23: {  	s9 =	sor.u32 $0xD0000000, s2;
	s6 =	simm.s32 $0x108;
	_ =	swait.ge @!p0 [sflag:s8], $0x0  }
0x24: {  	s3 =	sadd.s32 $0x88, s3;
	s6 =	simm.s32 @!p1 $0x1082;
	[sflag:s4] =	ssyncset.s32 $0xFFFFF086  }
0x25: {  	[simem:s6], [sflag:s4] =	dma.local [hbm:s3], $0xF7A  }
0x26: {  	[smem:$0x3FA0] =	sst s1;
	(tag) =	ssettag s2;
	_ =	strace s9  }
0x27: {  	s1 =	sld [smem:$0x3FB0]  }
0x28: {  	s2 =	sld [smem:$0x3FB1]  }
0x29: {  	s4 =	sld [smem:$0x3FB3]  }
0x2a: {  	p0 =	seq.s32 s5, $0x0;
	s5 =	sld [smem:$0x3FB4]  }
0x2b: {  	s6 =	sld [smem:$0x3FB5]  }
0x2c: {  	s7 =	sld [smem:$0x3FB6]  }
0x2d: {  	s3 =	simm.s32 $0x108;
	s8 =	sld [smem:$0x3FB7]  }
0x2e: {  	s3 =	simm.s32 @!p0 $0x1082;
	s9 =	sld [smem:$0x3FB8]  }
0x2f: {  	lr =	sadd.s32 s0, s3;
	s0 =	sld [smem:$0x3FAF]  }
0x30: {  	s3 =	sld [smem:$0x3FB2]  }
0x31: {  	[smem:$0x3FBB] =	sst s10  }
0x32: {  	s10 =	sld [smem:$0x3FB9];
	_ =	sdelay $0x3  }
0x33: {  	p0 =	seq.s32 s10, $0x1;
	s10 =	sld [smem:$0x3FBB];
	_ =	sdelay $0x3  }
0x34: {  	[smem:$0x3FBB] =	sst s10  }
0x35: {  	s10 =	sld [smem:$0x3FBA];
	_ =	sdelay $0x3  }
0x36: {  	p1 =	seq.s32 s10, $0x1;
	s10 =	sld [smem:$0x3FBB];
	_ =	sdelay $0x3  }
0x37: {  	[smem:$0x3FBB] =	sst s10  }
0x38: {  	s10 =	sld [smem:$0x3FBC]  }
0x39: {  	_ = 	snop;
	(pc) =	sbr.ind lr, $3  }
0x3a: {  	_ = 	snop  }
0x3b: {  	_ = 	snop  }
0x3c: {  	p2 =	seq.s32 s10, $0x1;
	s10 =	sld [smem:$0x3FBB]  }
0x3d: {  	_ =	shalt  }
0x3e: {  	_ =	shalt  }
0x3f: {  	_ =	shalt  }
0x40: {  	_ =	shalt  }
0x41: {  	_ =	shalt  }
0x42: {  	_ =	shalt  }
0x43: {  	_ =	shalt  }
0x44: {  	_ =	shalt  }
0x45: {  	_ =	shalt  }
0x46: {  	_ =	shalt  }
0x47: {  	_ =	shalt  }
0x48: {  	_ =	shalt  }
0x49: {  	_ =	shalt  }
0x4a: {  	_ =	shalt  }
0x4b: {  	_ =	shalt  }
0x4c: {  	_ =	shalt  }
0x4d: {  	_ =	shalt  }
0x4e: {  	_ =	shalt  }
0x4f: {  	_ =	shalt  }
0x50: {  	_ =	shalt  }
0x51: {  	_ =	shalt  }
0x52: {  	_ =	shalt  }
0x53: {  	_ =	shalt  }
0x54: {  	_ =	shalt  }
0x55: {  	_ =	shalt  }
0x56: {  	_ =	shalt  }
0x57: {  	_ =	shalt  }
0x58: {  	_ =	shalt  }
0x59: {  	_ =	shalt  }
0x5a: {  	_ =	shalt  }
0x5b: {  	_ =	shalt  }
0x5c: {  	_ =	shalt  }
0x5d: {  	_ =	shalt  }
0x5e: {  	_ =	shalt  }
0x5f: {  	_ =	shalt  }
0x60: {  	_ =	shalt  }
0x61: {  	_ =	shalt  }
0x62: {  	_ =	shalt  }
0x63: {  	_ =	shalt  }
0x64: {  	_ =	shalt  }
0x65: {  	_ =	shalt  }
0x66: {  	_ =	shalt  }
0x67: {  	_ =	shalt  }
0x68: {  	_ =	shalt  }
0x69: {  	_ =	shalt  }
0x6a: {  	_ =	shalt  }
0x6b: {  	_ =	shalt  }
0x6c: {  	_ =	shalt  }
0x6d: {  	_ =	shalt  }
0x6e: {  	_ =	shalt  }
0x6f: {  	_ =	shalt  }
0x70: {  	_ =	shalt  }
0x71: {  	_ =	shalt  }
0x72: {  	_ =	shalt  }
0x73: {  	_ =	shalt  }
0x74: {  	_ =	shalt  }
0x75: {  	_ =	shalt  }
0x76: {  	_ =	shalt  }
0x77: {  	_ =	shalt  }
0x78: {  	_ =	shalt  }
0x79: {  	_ =	shalt  }
0x7a: {  	_ =	shalt  }
0x7b: {  	_ =	shalt  }
0x7c: {  	_ =	shalt  }
0x7d: {  	_ =	shalt  }
0x7e: {  	_ =	shalt  }
0x7f: {  	_ =	shalt  }
0x80: {  	_ =	shalt  }
0x81: {  	_ =	shalt  }
0x82: {  	_ =	shalt  }
0x83: {  	_ =	shalt  }
0x84: {  	_ =	shalt  }
0x85: {  	_ =	shalt  }
0x86: {  	_ =	shalt  }
0x87: {  	_ =	shalt  }
.Lfunc_end0:
.L_simem_size_0:
called_computation_lowered:
.L_overlay_start_0:
0x88: {  	s2 =	sld [smem:$0x3FD9]  }
0x89: {  	s3 =	sld [smem:$0x3FFE];
	_ =	sdelay $0x1  }
0x8a: {  	s1 =	srdreg.scid  }
0x8b: {  	s0 =	sand.u32 $0x1, s1  }
0x8c: {  	s16 =	sshll.u32 s0, $0xA;
	s2 =	sadd.s32 s3, s2  }
0x8d: {  	s2 =	sadd.s32 s2, s16  }
0x8e: {  	[smem:$0x3FC7] =	sst s2  }
0x8f: {  	_ = 	snop  }
0x90: {  	(tm) =	ssettm $0x1  }
0x91: {  	s17 =	sld [smem:$0x3FFB];
	_ =	sdelay $0x3  }
0x92: {  	_ =	strace s17  }
0x93: {  	s2 =	sld [smem:$0x3FFC];
	_ =	sdelay $0x3  }
0x94: {  	_ =	strace s2  }
0x95: {  	s2 =	sld [smem:$0x3FFD];
	_ =	sdelay $0x3  }
0x96: {  	_ =	strace s2  }
0x97: {  	_ =	strace $0x8FFFFFFF  }
0x98: {  	s18 =	sld [smem:$0x3FDB];
	_ =	sdelay $0x1  }
0x99: {  	s19 =	simm.s32 $_scs_section_size  }
0x9a: {  	s4 =	simm.s32 $_size__tile_overlayer_lowered;
	s5 =	simm.s32 $_tile_overlayer_lowered  }
0x9b: {  	s22 =	simm.s32 $0x1BFF;
	s21 =	sshll.u32 s5, $0x1;
	s2 =	sadd.s32 s19, s18  }
0x9c: {  	s6 =	simm.s32 $0x0;
	s20 =	sshll.u32 s4, $0x1;
	s4 =	sadd.s32 s21, s2  }
0x9d: {  	[timem:s6], [sflag:s22] =	dma.local [hbm:s4], s20  }
0x9e: {  	_ =	swait.ge [sflag:s22], s20  }
0x9f: {  	s3 =	ssub.s32 $0x0, s20;
	[sflag:s22] =	ssyncset.done $0x0  }
0xa0: {  	[sflag:s22] =	ssyncadd.s32 s3;
	_ =	sdelay $0x1  }
0xa1: {  	s23 =	simm.s32 $0x1B8B  }
0xa2: {  	_ =	swait.ge [sflag:s23], $0x1  }
0xa3: {  	[sflag:s23] =	ssyncset.done $0x0  }
0xa4: {  	s25 =	simm.s32 $0x1B8E;
	s24 =	sld [smem:$0x3FFE];
	[sflag:s23] =	ssyncadd.s32 $0xFFFFFFFF  }
0xa5: {  	s26 =	simm.s32 $execute0_lowered;
	[smem:$0x3FD2] =	sst s25  }
0xa6: {  	s4 =	sshll.u32 s26, $0x1;
	_ =	strace $0x80000046;
	[dreg:$0x1] =	wrdreg $0xFFFFFFFF  }
0xa7: {  	s28 =	simm.s32 $_size_execute0_lowered;
	s2 =	sadd.s32 s2, s4;
	[dreg:$0x0] =	wrdreg $0x0  }
0xa8: {  	s4 =	sshll.u32 s28, $0x1;
	[dreg:$0x2] =	wrdreg s2  }
0xa9: {  	[dreg:$0x3] =	wrdreg s4  }
0xaa: {  	[dreg:$0x4] =	wrdreg $0xC0  }
0xab: {  	_ =	task [dreg:s6], $0x5FFFF  }
0xac: {  	[dreg:$0x1] =	wrdreg $0xFFFFFFFF  }
0xad: {  	[dreg:$0x0] =	wrdreg $0x60  }
0xae: {  	[dreg:$0x2] =	wrdreg s24  }
0xaf: {  	[dreg:$0x3] =	wrdreg $0x9  }
0xb0: {  	_ =	task.clear_ibuf [dreg:s6], $0x4FFFF;
	_ =	strace $0x90000046  }
0xb1: {  	s29 =	simm.s32 $0x9;
	_ =	strace $0x80000048  }
0xb2: {  	_ =	swait.ge [sflag:s29], $0x1  }
0xb3: {  	[sflag:s29] =	ssyncadd.s32 $0xFFFFFFFF  }
0xb4: {  	_ =	strace $0x90000048  }
0xb5: {  	_ =	sfence  }
0xb6: {  	s30 =	sld [smem:$0x0];
	_ =	sdelay $0x2  }
0xb7: {  	s31 =	sshll.u32 s1, $0xD;
	s1 =	sshrl.u32 s1, $0x2  }
0xb8: {  	s3 =	sand.u32 $0x4000, s31;
	s1 =	sadd.s32 s1, s30  }
0xb9: {  	s0 =	sor.u32 s3, s0;
	s1 =	sshll.u32 s1, $0x11  }
0xba: {  	s0 =	sor.u32 s1, s0  }
0xbb: {  	s0 =	sadd.s32 $0x8F2B, s0  }
0xbc: {  	[sflag:s0] =	ssyncadd.remote.s32 $0x1  }
0xbd: {  	_ =	sfence.sel $0xFFFF  }
0xbe: {  	[dreg:$0x0] =	wrdreg $0xFFFFFFFF;
	(pc) =	sbr.abs _section_cstart, $3  }
0xbf: {  	[dreg:$0x1] =	wrdreg $0xFFFFFFFF  }
0xc0: {  	_ =	task.clear_ibuf [dreg:s6], $0x2FFFF;
	_ =	strace $0x9FFFFFFF  }
0xc1: {  	(tm) =	ssettm $0x7FFFFFFF  }
tec
execute0_lowered:
.L_overlay_start_1:
0x0: {  	(tag) =	ssettag $0x1  }
0x1: {  	s0 =	rddreg [dreg:$0x0]  }
0x2: {  	s1 =	simm.s32 $0x0;
	s2 =	srdreg.scid;
	s5 =	stileid.u32  }
0x3: {  	s12 =	simm.s32 $0x1;
	s13 =	simm.s32 $0x4000;
	s15 =	simm.s32 $0x2  }
0x4: {  	s17 =	simm.s32 $0x3;
	s18 =	simm.s32 $0x4;
	s2 =	sand.u32 $0x1, s2  }
0x5: {  	s5 =	sshll.u32 s5, $0xE;
	s4 =	ssub.s32 $0x2, s2;
	s2 =	sshll.u32 s2, $0xD  }
0x6: {  	[smem:$0x7FF] =	sst s1;
	s3 =	sadd.s32 $0x400, s0;
	s2 =	sor.u32 s2, s5  }
0x7: {  	s0 =	sadd.s32 $0x40400, s0;
	_ =	strace $0x80000047;
	s5 =	sadd.s32 s3, s2  }
0x8: {  	s26 =	sor.u32 $0x800, s2;
	s29 =	sadd.s32 s0, s2;
	[dreg:$0x2] =	wrdreg s5  }
0x9: {  	s30 =	sor.u32 $0x1000, s2;
	s28 =	sadd.s32 s3, s26;
	[dreg:$0x4] =	wrdreg s29  }
0xa: {  	s19 =	simm.s32 $0x0;
	s7 =	sadd.s32 s3, s30;
	[dreg:$0x3] =	wrdreg s28  }
0xb: {  	v0 =	vlaneseq.u32;
	s2 =	sor.u32 $0x1800, s2;
	s5 =	sadd.s32 s0, s26;
	[dreg:$0x5] =	wrdreg s7  }
0xc: {  	v0 =	vshrl.u32 v0, $0x2;
	s6 =	sshrl.u32 s4, $0x1;
	s3 =	sadd.s32 s3, s2;
	[dreg:$0x6] =	wrdreg s5  }
0xd: {  	v1 =	vor.u32 $0x4, v0;
	s4 =	ssub.s32 s4, s6;
	s31 =	sadd.s32 s0, s30;
	[dreg:$0x7] =	wrdreg s3  }
0xe: {  	v2 =	vor.u32 $0x8, v0;
	v3 =	vor.u32 $0xC, v0;
	v4 =	vor.u32 $0x10, v0;
	s10 =	sadd.s32 s0, s2;
	s11 =	smax.u32 s4, $0x1;
	[dreg:$0x8] =	wrdreg s31  }
.LBB2_1:
0xf: {  	s0 =	rddreg [dreg:$0x2];
	s26 =	simm.s32 $0x200  }
0x10: {  	[tilespmem:s1], [sflag:$0x1] =	stream.linear.gather [hbm4b:s0+s1], $0x4000, $0x38;
	v5 =	vor.u32 s26, v0;
	[tilespmem:$0x10000] =	vst v63  }
0x11: {  	_ =	swait.ge [sflag:s12], $0x4000  }
0x12: {  	s7 =	simm.s32 $0x0;
	s20 =	simm.s32 $0x300;
	[sflag:s12] =	ssyncset.done $0x0  }
0x13: {  	s3 =	simm.s32 $0x180;
	v10 =	vor.u32 s20, v0;
	s2 =	rddreg [dreg:$0x3];
	[sflag:s12] =	ssyncadd.s32 $0xFFFFC000  }
0x14: {  	v6 =	vor.u32 s7, v0;
	[tilespmem:s13], [sflag:$0x2] =	stream.linear.gather [hbm4b:s2+s1], $0x4000, $0x38;
	[tilespmem:$0x10000] =	vst v63  }
0x15: {  	s24 =	simm.s32 $0x280;
	v11 =	vor.u32 s3, v0;
	v5 =	vld.idx.msk [tilespmem:v5+s1+$0x0], $0xffff  }
0x16: {  	v9 =	vor.u32 s24, v0;
	_ =	sdelay $0x1  }
0x17: {  	s5 =	simm.s32 $0x80;
	v12 =	vor.u32 s26, v1;
	v10 =	vld.idx.msk [tilespmem:v10+s1+$0x0], $0xffff  }
0x18: {  	s14 =	simm.s32 $0x100;
	v7 =	vor.u32 s5, v0;
	v6 =	vld.idx.msk [tilespmem:v6+s1+$0x0], $0xffff  }
0x19: {  	s8 =	simm.s32 $0x380;
	v8 =	vor.u32 s14, v0;
	v11 =	vld.idx.msk [tilespmem:v11+s1+$0x0], $0xffff;
	v5 =	vmax.f32 v5, $-1.000000000e+00  }
0x1a: {  	s22 =	simm.s32 $0x8200;
	v14 =	vor.u32 s8, v0;
	v9 =	vld.idx.msk [tilespmem:v9+s1+$0x0], $0xffff;
	v13 =	vmin.f32 v5, $1.000000000e+00  }
0x1b: {  	v18 =	vor.u32 s20, v1;
	[tilespmem:s22+$0x0] =	vst v13  }
0x1c: {  	v22 =	vor.u32 s7, v1;
	v10 =	vmax.f32 v10, $-1.000000000e+00;
	v12 =	vld.idx.msk [tilespmem:v12+s1+$0x0], $0xffff  }
0x1d: {  	v17 =	vor.u32 s24, v1;
	v7 =	vld.idx.msk [tilespmem:v7+s1+$0x0], $0xffff;
	v6 =	vmax.f32 v6, $-1.000000000e+00;
	v10 =	vmin.f32 v10, $1.000000000e+00  }
0x1e: {  	v15 =	vor.u32 s3, v1;
	v8 =	vld.idx.msk [tilespmem:v8+s1+$0x0], $0xffff;
	v11 =	vmax.f32 v11, $-1.000000000e+00;
	v6 =	vmin.f32 v6, $1.000000000e+00;
	[tilespmem:s22+$0x100] =	vst v10  }
0x1f: {  	v21 =	vor.u32 s26, v2;
	s2 =	simm.s32 $0x600;
	v14 =	vld.idx.msk [tilespmem:v14+s1+$0x0], $0xffff;
	v9 =	vmax.f32 v9, $-1.000000000e+00;
	v10 =	vmin.f32 v11, $1.000000000e+00;
	[tilespmem:s22+$0xFFFFFE00] =	vst v6  }
0x20: {  	s16 =	simm.s32 $0x680;
	v16 =	vor.u32 s5, v1;
	v26 =	vor.u32 s2, v0;
	v6 =	vmin.f32 v9, $1.000000000e+00;
	[tilespmem:s22+$0xFFFFFF80] =	vst v10;
	v10 =	vld.idx.msk [tilespmem:v18+s1+$0x0], $0xffff  }
0x21: {  	s25 =	simm.s32 $0x780;
	v20 =	vor.u32 s3, v2;
	v27 =	vor.u32 s16, v0;
	[tilespmem:s22+$0x80] =	vst v6;
	v18 =	vld.idx.msk [tilespmem:v22+s1+$0x0], $0xffff;
	v11 =	vmax.f32 v12, $-1.000000000e+00  }
0x22: {  	s9 =	simm.s32 $0x700;
	v23 =	vor.u32 s5, v2;
	v30 =	vor.u32 s25, v0;
	v17 =	vld.idx.msk [tilespmem:v17+s1+$0x0], $0xffff;
	v11 =	vmin.f32 v11, $1.000000000e+00  }
0x23: {  	v37 =	vor.u32 s9, v0;
	v22 =	vor.u32 s8, v4;
	[tilespmem:s22+$0x10] =	vst v11;
	v11 =	vld.idx.msk [tilespmem:v15+s1+$0x0], $0xffff  }
0x24: {  	v28 =	vor.u32 s24, v2;
	v19 =	vor.u32 s8, v3;
	v33 =	vor.u32 s20, v2;
	v9 =	vld.idx.msk [tilespmem:v21+s1+$0x0], $0xffff;
	[tilespmem:$0x1FFF0] =	vst v22  }
0x25: {  	v25 =	vor.u32 s5, v3;
	v38 =	vor.u32 s7, v2;
	v12 =	vor.u32 s14, v1;
	v26 =	vld.idx.msk [tilespmem:v26+s1+$0x0], $0xffff  }
0x26: {  	v39 =	vor.u32 s7, v3;
	v7 =	vmax.f32 v7, $-1.000000000e+00;
	v8 =	vmax.f32 v8, $-1.000000000e+00;
	v41 =	vld.idx.msk [tilespmem:v27+s1+$0x0], $0xffff  }
0x27: {  	v5 =	vor.u32 s8, v1;
	v7 =	vmin.f32 v7, $1.000000000e+00;
	v10 =	vmax.f32 v10, $-1.000000000e+00;
	v43 =	vld.idx.msk [tilespmem:v30+s1+$0x0], $0xffff  }
0x28: {  	s4 =	simm.s32 $0x400;
	v24 =	vmin.f32 v8, $1.000000000e+00;
	v34 =	vmin.f32 v10, $1.000000000e+00;
	v10 =	vmax.f32 v18, $-1.000000000e+00;
	[tilespmem:s22+$0xFFFFFE80] =	vst v7;
	v57 =	vld.idx.msk [tilespmem:v37+s1+$0x0], $0xffff  }
0x29: {  	s6 =	simm.s32 $0x480;
	v35 =	vor.u32 s25, v1;
	v15 =	vor.u32 s4, v0;
	v10 =	vmin.f32 v10, $1.000000000e+00;
	[tilespmem:s22+$0xFFFFFF00] =	vst v24;
	v16 =	vld.idx.msk [tilespmem:v16+s1+$0x0], $0xffff  }
0x2a: {  	s23 =	simm.s32 $0x500;
	v42 =	vor.u32 s26, v3;
	v8 =	vmax.f32 v14, $-1.000000000e+00;
	v21 =	vor.u32 s6, v0;
	[tilespmem:s22+$0xFFFFFE10] =	vst v10;
	v12 =	vld.idx.msk [tilespmem:v12+s1+$0x0], $0xffff  }
0x2b: {  	s21 =	simm.s32 $0x580;
	v44 =	vor.u32 s16, v1;
	v29 =	vmin.f32 v8, $1.000000000e+00;
	v22 =	vor.u32 s23, v0;
	[tilespmem:s22+$0x110] =	vst v34;
	v58 =	vld.idx.msk [tilespmem:v38+s1+$0x0], $0xffff  }
0x2c: {  	s28 =	simm.s32 $0xA80;
	v40 =	vor.u32 s21, v1;
	v47 =	vor.u32 s24, v3;
	v7 =	vor.u32 s21, v0;
	[tilespmem:s22+$0x180] =	vst v29;
	v60 =	vld.idx.msk [tilespmem:v33+s1+$0x0], $0xffff  }
0x2d: {  	s31 =	simm.s32 $0xB80;
	s29 =	simm.s32 $0x980;
	v48 =	vor.u32 s4, v1;
	v56 =	vor.u32 s26, v4;
	v50 =	vor.u32 s28, v0;
	v54 =	vld.idx.msk [tilespmem:v5+s1+$0x0], $0xffff  }
0x2e: {  	v51 =	vor.u32 s31, v0;
	v53 =	vor.u32 s29, v0;
	v17 =	vmax.f32 v17, $-1.000000000e+00;
	v32 =	vld.idx.msk [tilespmem:v15+s1+$0x0], $0xffff  }
0x2f: {  	v45 =	vor.u32 s2, v1;
	v17 =	vmin.f32 v17, $1.000000000e+00;
	v11 =	vmax.f32 v11, $-1.000000000e+00;
	v36 =	vld.idx.msk [tilespmem:v21+s1+$0x0], $0xffff  }
0x30: {  	v14 =	vor.u32 s14, v2;
	[tilespmem:s22+$0x90] =	vst v17;
	v9 =	vmax.f32 v9, $-1.000000000e+00;
	v22 =	vld.idx.msk [tilespmem:v22+s1+$0x0], $0xffff;
	v11 =	vmin.f32 v11, $1.000000000e+00  }
0x31: {  	v13 =	vor.u32 s8, v2;
	v9 =	vmin.f32 v9, $1.000000000e+00;
	v7 =	vld.idx.msk [tilespmem:v7+s1+$0x0], $0xffff;
	[tilespmem:s22+$0xFFFFFF90] =	vst v11;
	v16 =	vmax.f32 v16, $-1.000000000e+00  }
0x32: {  	v8 =	vor.u32 s3, v3;
	v20 =	vld.idx.msk [tilespmem:v20+s1+$0x0], $0xffff;
	[tilespmem:s22+$0x20] =	vst v9;
	v9 =	vmax.f32 v58, $-1.000000000e+00;
	v16 =	vmin.f32 v16, $1.000000000e+00  }
0x33: {  	v6 =	vor.u32 s5, v4;
	v12 =	vmax.f32 v12, $-1.000000000e+00;
	v62 =	vld.idx.msk [tilespmem:v42+s1+$0x0], $0xffff;
	v9 =	vmin.f32 v9, $1.000000000e+00;
	[tilespmem:s22+$0xFFFFFE90] =	vst v16  }
0x34: {  	v30 =	vor.u32 s20, v4;
	v61 =	vmax.f32 v43, $-1.000000000e+00;
	v12 =	vmin.f32 v12, $1.000000000e+00;
	[tilespmem:s22+$0xFFFFFE20] =	vst v9;
	v23 =	vld.idx.msk [tilespmem:v23+s1+$0x0], $0xffff  }
0x35: {  	v15 =	vor.u32 s20, v3;
	s20 =	simm.s32 $0x8600;
	v33 =	vmin.f32 v61, $1.000000000e+00;
	v16 =	vmax.f32 v26, $-1.000000000e+00;
	[tilespmem:s22+$0xFFFFFF10] =	vst v12;
	v55 =	vld.idx.msk [tilespmem:v39+s1+$0x0], $0xffff  }
0x36: {  	v18 =	vor.u32 s6, v1;
	[tilespmem:s20+$0x180] =	vst v33;
	v17 =	vmax.f32 v32, $-1.000000000e+00;
	v16 =	vmin.f32 v16, $1.000000000e+00;
	v14 =	vld.idx.msk [tilespmem:v14+s1+$0x0], $0xffff  }
0x37: {  	v27 =	vmax.f32 v36, $-1.000000000e+00;
	v46 =	vmin.f32 v17, $1.000000000e+00;
	v36 =	vmax.f32 v54, $-1.000000000e+00;
	[tilespmem:s20+$0x0] =	vst v16;
	v16 =	vld.idx.msk [tilespmem:v28+s1+$0x0], $0xffff  }
0x38: {  	v10 =	vor.u32 s25, v2;
	v17 =	vor.u32 s9, v1;
	[tilespmem:s20+$0xFFFFFE00] =	vst v46;
	v36 =	vmin.f32 v36, $1.000000000e+00;
	v59 =	vld.idx.msk [tilespmem:v45+s1+$0x0], $0xffff  }
0x39: {  	v41 =	vmax.f32 v41, $-1.000000000e+00;
	v22 =	vmax.f32 v22, $-1.000000000e+00;
	v38 =	vmin.f32 v27, $1.000000000e+00;
	v58 =	vld.idx.msk [tilespmem:v48+s1+$0x0], $0xffff;
	[tilespmem:s22+$0x190] =	vst v36  }
0x3a: {  	v39 =	vor.u32 s24, v4;
	s24 =	simm.s32 $0x880;
	v28 =	vmax.f32 v57, $-1.000000000e+00;
	v22 =	vmin.f32 v22, $1.000000000e+00;
	[tilespmem:s20+$0xFFFFFE80] =	vst v38;
	v48 =	vld.idx.msk [tilespmem:v50+s1+$0x0], $0xffff  }
0x3b: {  	v7 =	vmax.f32 v7, $-1.000000000e+00;
	v57 =	vor.u32 s24, v0;
	v11 =	vmin.f32 v28, $1.000000000e+00;
	[tilespmem:s20+$0xFFFFFF00] =	vst v22;
	v50 =	vld.idx.msk [tilespmem:v51+s1+$0x0], $0xffff  }
0x3c: {  	v28 =	vor.u32 s2, v2;
	v29 =	vmin.f32 v7, $1.000000000e+00;
	[tilespmem:s20+$0x100] =	vst v11;
	v42 =	vld.idx.msk [tilespmem:v13+s1+$0x0], $0xffff;
	v16 =	vmax.f32 v16, $-1.000000000e+00  }
0x3d: {  	v20 =	vmax.f32 v20, $-1.000000000e+00;
	[tilespmem:s20+$0xFFFFFF80] =	vst v29;
	v37 =	vmax.f32 v62, $-1.000000000e+00;
	v63 =	vld.idx.msk [tilespmem:v17+s1+$0x0], $0xffff;
	v9 =	vmin.f32 v16, $1.000000000e+00  }
0x3e: {  	v11 =	vor.u32 s25, v3;
	v40 =	vld.idx.msk [tilespmem:v40+s1+$0x0], $0xffff;
	v37 =	vmin.f32 v37, $1.000000000e+00;
	v17 =	vmax.f32 v59, $-1.000000000e+00;
	[tilespmem:s22+$0xA0] =	vst v9  }
0x3f: {  	v29 =	vor.u32 s9, v2;
	v23 =	vmax.f32 v23, $-1.000000000e+00;
	[tilespmem:s22+$0x30] =	vst v37;
	v5 =	vmin.f32 v17, $1.000000000e+00;
	v46 =	vld.idx.msk [tilespmem:v47+s1+$0x0], $0xffff  }
0x40: {  	v23 =	vmin.f32 v23, $1.000000000e+00;
	v9 =	vor.u32 s25, v4;
	s25 =	simm.s32 $0x900;
	[tilespmem:s20+$0x10] =	vst v5;
	v5 =	vmin.f32 v41, $1.000000000e+00;
	v41 =	vld.idx.msk [tilespmem:v56+s1+$0x0], $0xffff  }
0x41: {  	s26 =	simm.s32 $0x800;
	v61 =	vmax.f32 v58, $-1.000000000e+00;
	[tilespmem:s22+$0xFFFFFEA0] =	vst v23;
	v58 =	vmin.f32 v20, $1.000000000e+00;
	v49 =	vor.u32 s25, v0;
	v47 =	vld.idx.msk [tilespmem:v57+s1+$0x0], $0xffff  }
0x42: {  	s30 =	simm.s32 $0xA00;
	v45 =	vmax.f32 v60, $-1.000000000e+00;
	[tilespmem:s22+$0xFFFFFFA0] =	vst v58;
	v16 =	vld.idx.msk [tilespmem:v28+s1+$0x0], $0xffff;
	v28 =	vor.u32 s26, v0;
	v60 =	vmax.f32 v63, $-1.000000000e+00  }
0x43: {  	v24 =	vor.u32 s7, v4;
	v59 =	vor.u32 s30, v0;
	[tilespmem:s20+$0x80] =	vst v5;
	v63 =	vld.idx.msk [tilespmem:v18+s1+$0x0], $0xffff;
	v13 =	vmin.f32 v60, $1.000000000e+00  }
0x44: {  	v34 =	vor.u32 s23, v1;
	v36 =	vmin.f32 v61, $1.000000000e+00;
	v62 =	vmax.f32 v40, $-1.000000000e+00;
	v44 =	vld.idx.msk [tilespmem:v44+s1+$0x0], $0xffff;
	[tilespmem:s20+$0x110] =	vst v13  }
0x45: {  	v21 =	vor.u32 s14, v3;
	[tilespmem:s20+$0xFFFFFE10] =	vst v36;
	v37 =	vmin.f32 v62, $1.000000000e+00;
	v60 =	vmax.f32 v14, $-1.000000000e+00;
	v57 =	vld.idx.msk [tilespmem:v29+s1+$0x0], $0xffff  }
0x46: {  	v26 =	vor.u32 s6, v2;
	v43 =	vmax.f32 v55, $-1.000000000e+00;
	[tilespmem:s20+$0xFFFFFF90] =	vst v37;
	v29 =	vmin.f32 v60, $1.000000000e+00;
	v38 =	vld.idx.msk [tilespmem:v49+s1+$0x0], $0xffff  }
0x47: {  	s0 =	simm.s32 $0xB00;
	v49 =	vor.u32 s4, v2;
	v22 =	vmax.f32 v41, $-1.000000000e+00;
	[tilespmem:s22+$0xFFFFFF20] =	vst v29;
	v52 =	vld.idx.msk [tilespmem:v28+s1+$0x0], $0xffff;
	v28 =	vmin.f32 v45, $1.000000000e+00  }
0x48: {  	v45 =	vor.u32 s0, v0;
	v22 =	vmin.f32 v22, $1.000000000e+00;
	[tilespmem:s22+$0x120] =	vst v28;
	v28 =	vmin.f32 v43, $1.000000000e+00;
	v43 =	vld.idx.msk [tilespmem:v59+s1+$0x0], $0xffff  }
0x49: {  	v32 =	vor.u32 s16, v2;
	v20 =	vmax.f32 v46, $-1.000000000e+00;
	v40 =	vmax.f32 v44, $-1.000000000e+00;
	v44 =	vld.idx.msk [tilespmem:v34+s1+$0x0], $0xffff;
	[tilespmem:s22+$0x40] =	vst v22  }
0x4a: {  	v54 =	vmax.f32 v16, $-1.000000000e+00;
	v62 =	vmax.f32 v63, $-1.000000000e+00;
	v46 =	vmin.f32 v20, $1.000000000e+00;
	[tilespmem:s22+$0xFFFFFE30] =	vst v28;
	v63 =	vld.idx.msk [tilespmem:v15+s1+$0x0], $0xffff  }
0x4b: {  	v60 =	vmax.f32 v47, $-1.000000000e+00;
	v29 =	vmin.f32 v62, $1.000000000e+00;
	v47 =	vmin.f32 v54, $1.000000000e+00;
	[tilespmem:s22+$0xB0] =	vst v46;
	v54 =	vld.idx.msk [tilespmem:v24+s1+$0x0], $0xffff  }
0x4c: {  	v12 =	vor.u32 s6, v3;
	v61 =	vmax.f32 v42, $-1.000000000e+00;
	v41 =	vor.u32 s30, v1;
	[tilespmem:s20+$0xFFFFFE90] =	vst v29;
	v49 =	vld.idx.msk [tilespmem:v49+s1+$0x0], $0xffff  }
0x4d: {  	v27 =	vor.u32 s21, v2;
	v7 =	vor.u32 s21, v3;
	v15 =	vmin.f32 v61, $1.000000000e+00;
	[tilespmem:s20+$0x20] =	vst v47;
	v45 =	vld.idx.msk [tilespmem:v45+s1+$0x0], $0xffff  }
0x4e: {  	v51 =	vor.u32 s2, v3;
	[tilespmem:s22+$0x1A0] =	vst v15;
	v24 =	vmax.f32 v43, $-1.000000000e+00;
	v43 =	vld.idx.msk [tilespmem:v26+s1+$0x0], $0xffff;
	v26 =	vmin.f32 v40, $1.000000000e+00  }
0x4f: {  	v34 =	vor.u32 s14, v4;
	s14 =	simm.s32 $0x8A00;
	[tilespmem:s20+$0x90] =	vst v26;
	v26 =	vmax.f32 v52, $-1.000000000e+00;
	v52 =	vld.idx.msk [tilespmem:v53+s1+$0x0], $0xffff;
	v24 =	vmin.f32 v24, $1.000000000e+00  }
0x50: {  	v55 =	vor.u32 s4, v3;
	v46 =	vmin.f32 v60, $1.000000000e+00;
	v37 =	vmax.f32 v44, $-1.000000000e+00;
	v44 =	vld.idx.msk [tilespmem:v19+s1+$0x0], $0xffff;
	[tilespmem:s14+$0x0] =	vst v24  }
0x51: {  	[tilespmem:s14+$0xFFFFFE80] =	vst v46;
	v53 =	vor.u32 s0, v1;
	v63 =	vmax.f32 v63, $-1.000000000e+00;
	v62 =	vmin.f32 v26, $1.000000000e+00;
	v41 =	vld.idx.msk [tilespmem:v41+s1+$0x0], $0xffff  }
0x52: {  	v61 =	vmax.f32 v38, $-1.000000000e+00;
	[tilespmem:s14+$0xFFFFFE00] =	vst v62;
	v19 =	vmax.f32 v45, $-1.000000000e+00;
	v45 =	vld.idx.msk [tilespmem:v32+s1+$0x0], $0xffff;
	v32 =	vmin.f32 v63, $1.000000000e+00  }
0x53: {  	v36 =	vmin.f32 v61, $1.000000000e+00;
	v46 =	vmax.f32 v49, $-1.000000000e+00;
	v19 =	vmin.f32 v19, $1.000000000e+00;
	[tilespmem:s22+$0x130] =	vst v32  }
0x54: {  	v62 =	vld.idx.msk [tilespmem:v25+s1+$0x0], $0xffff;
	v32 =	vmax.f32 v50, $-1.000000000e+00;
	v50 =	vmax.f32 v52, $-1.000000000e+00;
	[tilespmem:s14+$0x100] =	vst v19;
	v52 =	vmin.f32 v46, $1.000000000e+00  }
0x55: {  	v61 =	vmax.f32 v43, $-1.000000000e+00;
	v25 =	vmax.f32 v44, $-1.000000000e+00;
	v43 =	vld.idx.msk [tilespmem:v30+s1+$0x0], $0xffff;
	v30 =	vmin.f32 v50, $1.000000000e+00;
	[tilespmem:s20+$0xFFFFFE20] =	vst v52  }
0x56: {  	v59 =	vmax.f32 v48, $-1.000000000e+00;
	v58 =	vmax.f32 v54, $-1.000000000e+00;
	v42 =	vld.idx.msk [tilespmem:v53+s1+$0x0], $0xffff;
	v53 =	vmin.f32 v25, $1.000000000e+00;
	[tilespmem:s14+$0xFFFFFF80] =	vst v30  }
0x57: {  	v50 =	vmin.f32 v59, $1.000000000e+00;
	v59 =	vmin.f32 v58, $1.000000000e+00;
	v30 =	vmax.f32 v41, $-1.000000000e+00;
	[tilespmem:s22+$0x1B0] =	vst v53  }
0x58: {  	v23 =	vor.u32 s24, v1;
	v56 =	vor.u32 s29, v1;
	v48 =	vld.idx.msk [tilespmem:v21+s1+$0x0], $0xffff;
	[tilespmem:s22+$0xFFFFFE40] =	vst v59;
	v25 =	vmin.f32 v30, $1.000000000e+00  }
0x59: {  	v17 =	vor.u32 s23, v2;
	v5 =	vor.u32 s6, v4;
	v18 =	vor.u32 s23, v3;
	v31 =	vld.idx.msk [tilespmem:v51+s1+$0x0], $0xffff;
	[tilespmem:s14+$0x10] =	vst v25  }
0x5a: {  	v14 =	vor.u32 s9, v4;
	v13 =	vor.u32 s31, v1;
	v16 =	vor.u32 s9, v3;
	v41 =	vld [tilespmem:$0x1FFF0]  }
0x5b: {  	v20 =	vor.u32 s4, v4;
	v22 =	vor.u32 s31, v2;
	v21 =	vor.u32 s24, v2  }
0x5c: {  	v60 =	vor.u32 s30, v2;
	v28 =	vor.u32 s28, v1;
	v29 =	vor.u32 s3, v4  }
0x5d: {  	v33 =	vld.idx.msk [tilespmem:v27+s1+$0x0], $0xffff;
	v47 =	vor.u32 s26, v1;
	v15 =	vor.u32 s29, v2;
	v38 =	vor.u32 s16, v3  }
0x5e: {  	v40 =	vld.idx.msk [tilespmem:v39+s1+$0x0], $0xffff;
	v48 =	vmax.f32 v48, $-1.000000000e+00;
	v26 =	vor.u32 s25, v1;
	v24 =	vor.u32 s28, v2  }
0x5f: {  	v54 =	vmax.f32 v31, $-1.000000000e+00;
	v63 =	vmin.f32 v48, $1.000000000e+00;
	v48 =	vld.idx.msk [tilespmem:v35+s1+$0x0], $0xffff;
	v35 =	vor.u32 s25, v2  }
0x60: {  	v27 =	vmin.f32 v32, $1.000000000e+00;
	v19 =	vor.u32 s31, v3;
	v32 =	vor.u32 s29, v3;
	v44 =	vld.idx.msk [tilespmem:v55+s1+$0x0], $0xffff  }
0x61: {  	v53 =	vmax.f32 v62, $-1.000000000e+00;
	v51 =	vmax.f32 v45, $-1.000000000e+00;
	v30 =	vor.u32 s0, v2;
	v39 =	vld.idx.msk [tilespmem:v56+s1+$0x0], $0xffff  }
0x62: {  	v45 =	vmax.f32 v57, $-1.000000000e+00;
	v25 =	vor.u32 s16, v4;
	v52 =	vmin.f32 v51, $1.000000000e+00;
	v46 =	vld.idx.msk [tilespmem:v41+s1+$0x0], $0xffff  }
0x63: {  	s16 =	simm.s32 $0x18;
	v51 =	vmin.f32 v61, $1.000000000e+00;
	v49 =	vmax.f32 v43, $-1.000000000e+00;
	v43 =	vor.u32 s2, v4;
	[tilespmem:s22+$0xFFFFFF30] =	vst v63;
	s2 =	simm.s32 $0x8A00;
	v41 =	vld.idx.msk [tilespmem:v60+s1+$0x0], $0xffff  }
.LBB2_2:
0x64: {  	s5 =	sshll.u32 s16, $0x7;
	p0 =	slt.u32 s16, $0x78;
	s16 =	sadd.s32 $0x8, s16;
	v55 =	vor.u32 s24, v4;
	[tilespmem:s14+$0x80] =	vst v50;
	v31 =	vor.u32 s31, v4;
	v50 =	vld.idx.msk [tilespmem:v8+s1+$0x0], $0xffff;
	v40 =	vmax.f32 v40, $-1.000000000e+00;
	v8 =	vmovc v7;
	v7 =	vmovc v32  }
0x65: {  	v32 =	vmin.f32 v54, $1.000000000e+00;
	v48 =	vmax.f32 v48, $-1.000000000e+00;
	v56 =	vor.u32 s5, v0;
	s9 =	sadd.s32 $0x80, s5;
	s6 =	sadd.s32 $0x100, s5;
	s7 =	sadd.s32 $0x180, s5;
	v28 =	vld.idx.msk [tilespmem:v28+s1+$0x0], $0xffff;
	[tilespmem:s20+$0xA0] =	vst v52  }
0x66: {  	s3 =	sadd.s32 $0x200, s5;
	s4 =	sadd.s32 $0x280, s5;
	s8 =	sadd.s32 $0x300, s5;
	v52 =	vor.u32 s9, v0;
	v54 =	vor.u32 s6, v0;
	[tilespmem:s20+$0x30] =	vst v32;
	v57 =	vld.idx.msk [tilespmem:v38+s1+$0x0], $0xffff;
	v38 =	vmin.f32 v53, $1.000000000e+00  }
0x67: {  	s31 =	sadd.s32 $0x380, s5;
	v44 =	vmax.f32 v44, $-1.000000000e+00;
	v53 =	vor.u32 s3, v0;
	v58 =	vor.u32 s4, v0;
	v47 =	vld.idx.msk [tilespmem:v47+s1+$0x0], $0xffff;
	[tilespmem:s20+$0xFFFFFEA0] =	vst v51  }
0x68: {  	v49 =	vmin.f32 v49, $1.000000000e+00;
	v32 =	vor.u32 s24, v3;
	s24 =	smov.u32 s9;
	v51 =	vor.u32 s31, v0;
	[tilespmem:s22+$0xFFFFFEB0] =	vst v38;
	v34 =	vld.idx.msk [tilespmem:v34+s1+$0x0], $0xffff  }
0x69: {  	v37 =	vmin.f32 v37, $1.000000000e+00;
	v48 =	vmin.f32 v48, $1.000000000e+00;
	v38 =	vor.u32 s7, v0;
	v59 =	vld.idx.msk [tilespmem:v6+s1+$0x0], $0xffff;
	[tilespmem:s22+$0x140] =	vst v49;
	v6 =	vmovc v5;
	v5 =	vmovc v55  }
0x6a: {  	v49 =	vmax.f32 v41, $-1.000000000e+00;
	v41 =	vmin.f32 v45, $1.000000000e+00;
	[tilespmem:s20+$0xFFFFFF10] =	vst v37;
	v37 =	vld.idx.msk [tilespmem:v43+s1+$0x0], $0xffff;
	v43 =	vmax.f32 v50, $-1.000000000e+00  }
0x6b: {  	v42 =	vmax.f32 v42, $-1.000000000e+00;
	v50 =	vor.u32 s0, v3;
	v45 =	vld.idx.msk [tilespmem:v56+s1+$0x0], $0xffff;
	[tilespmem:s20+$0x190] =	vst v48;
	v43 =	vmin.f32 v43, $1.000000000e+00  }
0x6c: {  	v42 =	vmin.f32 v42, $1.000000000e+00;
	v40 =	vmin.f32 v40, $1.000000000e+00;
	v48 =	vld.idx.msk [tilespmem:v17+s1+$0x0], $0xffff;
	[tilespmem:s22+$0xFFFFFFB0] =	vst v43;
	v43 =	vmax.f32 v46, $-1.000000000e+00;
	v17 =	vmovc v35  }
0x6d: {  	v33 =	vmax.f32 v33, $-1.000000000e+00;
	v39 =	vmax.f32 v39, $-1.000000000e+00;
	v35 =	vmax.f32 v47, $-1.000000000e+00;
	[tilespmem:s14+$0x110] =	vst v42;
	v29 =	vld.idx.msk [tilespmem:v29+s1+$0x0], $0xffff  }
0x6e: {  	v46 =	vmax.f32 v28, $-1.000000000e+00;
	v42 =	vmin.f32 v35, $1.000000000e+00;
	v28 =	vmin.f32 v43, $1.000000000e+00;
	[tilespmem:s20+$0x120] =	vst v41;
	v47 =	vld.idx.msk [tilespmem:v10+s1+$0x0], $0xffff;
	v10 =	vmovc v22  }
0x6f: {  	v34 =	vmax.f32 v34, $-1.000000000e+00;
	v22 =	vor.u32 s8, v0;
	v54 =	vld.idx.msk [tilespmem:v54+s1+$0x0], $0xffff;
	[tilespmem:s14+$0xFFFFFF00] =	vst v36;
	v36 =	vmin.f32 v39, $1.000000000e+00  }
0x70: {  	v55 =	vor.u32 s26, v2;
	v35 =	vor.u32 s26, v3;
	v56 =	vld.idx.msk [tilespmem:v23+s1+$0x0], $0xffff;
	v23 =	vmin.f32 v34, $1.000000000e+00;
	[tilespmem:s22+$0x1C0] =	vst v28  }
0x71: {  	v39 =	vor.u32 s31, v1;
	v37 =	vmax.f32 v37, $-1.000000000e+00;
	v28 =	vmin.f32 v44, $1.000000000e+00;
	v34 =	vld.idx.msk [tilespmem:v52+s1+$0x0], $0xffff;
	[tilespmem:s22+$0xFFFFFF40] =	vst v23  }
0x72: {  	v23 =	vor.u32 s24, v1;
	v48 =	vmax.f32 v48, $-1.000000000e+00;
	v52 =	vmax.f32 v59, $-1.000000000e+00;
	v44 =	vld.idx.msk [tilespmem:v53+s1+$0x0], $0xffff;
	[tilespmem:s22+$0xC0] =	vst v40  }
0x73: {  	v41 =	vor.u32 s7, v1;
	v53 =	vor.u32 s25, v3;
	v40 =	vld.idx.msk [tilespmem:v58+s1+$0x0], $0xffff;
	[tilespmem:s20+$0xFFFFFE30] =	vst v28;
	v28 =	vmax.f32 v29, $-1.000000000e+00  }
0x74: {  	s14 =	sadd.s32 $0x400, s14;
	v58 =	vor.u32 s0, v4;
	s0 =	smov.u32 s8;
	v51 =	vld.idx.msk [tilespmem:v51+s1+$0x0], $0xffff;
	[tilespmem:s2+$0xFFFFFE10] =	vst v42;
	v42 =	vor.u32 s30, v3;
	v29 =	vmin.f32 v28, $1.000000000e+00  }
0x75: {  	v47 =	vmax.f32 v47, $-1.000000000e+00;
	v28 =	vor.u32 s4, v1;
	v43 =	vld.idx.msk [tilespmem:v30+s1+$0x0], $0xffff;
	v30 =	vmin.f32 v48, $1.000000000e+00;
	[tilespmem:s22+$0xFFFFFFC0] =	vst v29  }
0x76: {  	v48 =	vor.u32 s3, v1;
	v29 =	vmax.f32 v56, $-1.000000000e+00;
	v26 =	vld.idx.msk [tilespmem:v26+s1+$0x0], $0xffff;
	[tilespmem:s20+$0xFFFFFF20] =	vst v30;
	v30 =	vmin.f32 v52, $1.000000000e+00  }
0x77: {  	v37 =	vmin.f32 v37, $1.000000000e+00;
	v47 =	vmin.f32 v47, $1.000000000e+00;
	v29 =	vmin.f32 v29, $1.000000000e+00;
	v52 =	vld.idx.msk [tilespmem:v16+s1+$0x0], $0xffff;
	[tilespmem:s22+$0xFFFFFEC0] =	vst v30;
	v16 =	vmovc v50;
	s22 =	smov.u32 s20;
	s20 =	smov.u32 s2;
	s2 =	smov.u32 s14  }
0x78: {  	v50 =	vmin.f32 v33, $1.000000000e+00;
	v33 =	vmax.f32 v57, $-1.000000000e+00;
	v30 =	vld.idx.msk [tilespmem:v55+s1+$0x0], $0xffff;
	[tilespmem:s20+$0xFFFFFE90] =	vst v29;
	v29 =	vor.u32 s21, v4;
	s21 =	smov.u32 s29;
	s29 =	smov.u32 s7  }
0x79: {  	v55 =	vmax.f32 v34, $-1.000000000e+00;
	v34 =	vor.u32 s23, v4;
	v33 =	vmin.f32 v33, $1.000000000e+00;
	s23 =	smov.u32 s25;
	s25 =	smov.u32 s6;
	v56 =	vld.idx.msk [tilespmem:v22+s1+$0x0], $0xffff;
	[tilespmem:s22+$0x40] =	vst v37  }
0x7a: {  	v49 =	vmin.f32 v49, $1.000000000e+00;
	v22 =	vor.u32 s31, v2;
	v57 =	vld.idx.msk [tilespmem:v20+s1+$0x0], $0xffff;
	v20 =	vor.u32 s26, v4;
	[tilespmem:s22+$0xB0] =	vst v33;
	s26 =	smov.u32 s5  }
0x7b: {  	v55 =	vmin.f32 v55, $1.000000000e+00;
	v33 =	vmax.f32 v44, $-1.000000000e+00;
	v44 =	vld.idx.msk [tilespmem:v21+s1+$0x0], $0xffff;
	v21 =	vmin.f32 v46, $1.000000000e+00;
	[tilespmem:s22+$0x1A0] =	vst v47  }
0x7c: {  	v46 =	vmax.f32 v54, $-1.000000000e+00;
	v47 =	vor.u32 s29, v2;
	v54 =	vmax.f32 v40, $-1.000000000e+00;
	[tilespmem:s20+$0x90] =	vst v21;
	v59 =	vld.idx.msk [tilespmem:v18+s1+$0x0], $0xffff;
	v18 =	vmovc v53  }
0x7d: {  	v37 =	vmax.f32 v45, $-1.000000000e+00;
	v33 =	vmin.f32 v33, $1.000000000e+00;
	v21 =	vor.u32 s24, v2;
	v45 =	vld.idx.msk [tilespmem:v38+s1+$0x0], $0xffff;
	[tilespmem:s20+$0xFFFFFF90] =	vst v36  }
0x7e: {  	v53 =	vor.u32 s0, v1;
	v36 =	vmin.f32 v37, $1.000000000e+00;
	v37 =	vmax.f32 v26, $-1.000000000e+00;
	[tilespmem:s20+$0x180] =	vst v27;
	v60 =	vld.idx.msk [tilespmem:v11+s1+$0x0], $0xffff;
	v11 =	vmovc v19  }
0x7f: {  	v26 =	vor.u32 s25, v1;
	v19 =	vmax.f32 v56, $-1.000000000e+00;
	v27 =	vmax.f32 v52, $-1.000000000e+00;
	[tilespmem:s14+$0x0] =	vst v33;
	v56 =	vld.idx.msk [tilespmem:v24+s1+$0x0], $0xffff  }
0x80: {  	v24 =	vor.u32 s4, v2;
	v19 =	vmin.f32 v19, $1.000000000e+00;
	v27 =	vmin.f32 v27, $1.000000000e+00;
	[tilespmem:s14+$0xFFFFFE00] =	vst v36;
	v48 =	vld.idx.msk [tilespmem:v48+s1+$0x0], $0xffff  }
0x81: {  	v61 =	vor.u32 s3, v2;
	v38 =	vor.u32 s28, v3;
	v36 =	vmin.f32 v46, $1.000000000e+00;
	v40 =	vld.idx.msk [tilespmem:v25+s1+$0x0], $0xffff;
	[tilespmem:s22+$0x130] =	vst v27  }
0x82: {  	v25 =	vmax.f32 v51, $-1.000000000e+00;
	v51 =	vmax.f32 v44, $-1.000000000e+00;
	v44 =	vmax.f32 v59, $-1.000000000e+00;
	v33 =	vld.idx.msk [tilespmem:v15+s1+$0x0], $0xffff;
	[tilespmem:s20+$0x20] =	vst v49;
	v15 =	vmovc v47  }
0x83: {  	v45 =	vmax.f32 v45, $-1.000000000e+00;
	v27 =	vmin.f32 v25, $1.000000000e+00;
	[tilespmem:s14+$0x100] =	vst v19;
	v19 =	vor.u32 s31, v3;
	v46 =	vld.idx.msk [tilespmem:v14+s1+$0x0], $0xffff;
	v14 =	vmovc v58  }
0x84: {  	v30 =	vmax.f32 v30, $-1.000000000e+00;
	v25 =	vmin.f32 v45, $1.000000000e+00;
	v58 =	vmin.f32 v44, $1.000000000e+00;
	[tilespmem:s14+$0xFFFFFE80] =	vst v55;
	v55 =	vld.idx.msk [tilespmem:v12+s1+$0x0], $0xffff;
	v12 =	vmovc v32  }
0x85: {  	v32 =	vor.u32 s29, v3;
	v52 =	vmax.f32 v56, $-1.000000000e+00;
	[tilespmem:s14+$0xFFFFFF80] =	vst v25;
	v59 =	vld.idx.msk [tilespmem:v42+s1+$0x0], $0xffff;
	v25 =	vmax.f32 v60, $-1.000000000e+00  }
0x86: {  	v45 =	vmin.f32 v30, $1.000000000e+00;
	v44 =	vmax.f32 v48, $-1.000000000e+00;
	v42 =	vld.idx.msk [tilespmem:v53+s1+$0x0], $0xffff;
	[tilespmem:s22+$0xFFFFFFA0] =	vst v50;
	v53 =	vmin.f32 v25, $1.000000000e+00  }
.Ltmp0:
0x87: {  	v30 =	vor.u32 s0, v2;
	v25 =	vmin.f32 v44, $1.000000000e+00;
	[tilespmem:s20+$0xFFFFFE20] =	vst v45;
	v48 =	vld.idx.msk [tilespmem:v13+s1+$0x0], $0xffff;
	v45 =	vmax.f32 v57, $-1.000000000e+00;
	v13 =	vmovc v39;
	(pc) =	sbr.rel @p0 .LBB2_2-.Ltmp0, $4  }
0x88: {  	v50 =	vmin.f32 v54, $1.000000000e+00;
	[tilespmem:s14+$0x10] =	vst v25;
	v44 =	vld.idx.msk [tilespmem:v35+s1+$0x0], $0xffff;
	v25 =	vor.u32 s28, v4;
	v54 =	vmin.f32 v45, $1.000000000e+00;
	s28 =	smov.u32 s4  }
0x89: {  	v47 =	vor.u32 s26, v1;
	v45 =	vmax.f32 v43, $-1.000000000e+00;
	v49 =	vmax.f32 v46, $-1.000000000e+00;
	v39 =	vld.idx.msk [tilespmem:v41+s1+$0x0], $0xffff;
	[tilespmem:s22+$0x1B0] =	vst v53  }
0x8a: {  	v52 =	vmin.f32 v52, $1.000000000e+00;
	v35 =	vor.u32 s25, v2;
	v43 =	vor.u32 s30, v4;
	s30 =	smov.u32 s3;
	[tilespmem:s22+$0xFFFFFE40] =	vst v54;
	v46 =	vld.idx.msk [tilespmem:v9+s1+$0x0], $0xffff;
	v9 =	vmovc v31  }
0x8b: {  	v51 =	vmin.f32 v51, $1.000000000e+00;
	v53 =	vmax.f32 v55, $-1.000000000e+00;
	v54 =	vmax.f32 v59, $-1.000000000e+00;
	v41 =	vld.idx.msk [tilespmem:v61+s1+$0x0], $0xffff;
	[tilespmem:s22+$0xFFFFFF30] =	vst v58  }
0x8c: {  	_ = 	snop  }
0x8d: {  	[tilespmem:s14+$0x80] =	vst v50  }
0x8e: {  	[tilespmem:s20+$0xA0] =	vst v52  }
0x8f: {  	[tilespmem:s20+$0xFFFFFEA0] =	vst v51  }
0x90: {  	v8 =	vld.idx.msk [tilespmem:v8+s1+$0x0], $0xffff;
	[tilespmem:s14+$0xFFFFFF00] =	vst v36  }
0x91: {  	v31 =	vmin.f32 v54, $1.000000000e+00;
	[tilespmem:s2+$0x180] =	vst v27  }
0x92: {  	v37 =	vmin.f32 v37, $1.000000000e+00;
	[tilespmem:s20+$0x30] =	vst v31  }
0x93: {  	v50 =	vmin.f32 v45, $1.000000000e+00;
	[tilespmem:s20+$0xFFFFFF10] =	vst v37  }
0x94: {  	v31 =	vmin.f32 v53, $1.000000000e+00;
	[tilespmem:s20+$0x120] =	vst v50  }
0x95: {  	v23 =	vld.idx.msk [tilespmem:v23+s1+$0x0], $0xffff;
	[tilespmem:s22+$0xFFFFFEB0] =	vst v31;
	v31 =	vmin.f32 v49, $1.000000000e+00;
	v8 =	vmax.f32 v8, $-1.000000000e+00  }
0x96: {  	v48 =	vmax.f32 v48, $-1.000000000e+00;
	[tilespmem:s22+$0x140] =	vst v31;
	v31 =	vld.idx.msk [tilespmem:v34+s1+$0x0], $0xffff;
	v8 =	vmin.f32 v8, $1.000000000e+00  }
0x97: {  	v63 =	vmin.f32 v48, $1.000000000e+00;
	v48 =	vmax.f32 v42, $-1.000000000e+00;
	[tilespmem:s22+$0xFFFFFFB0] =	vst v8;
	v8 =	vld.idx.msk [tilespmem:v47+s1+$0x0], $0xffff  }
0x98: {  	[tilespmem:s20+$0x190] =	vst v63;
	v49 =	vmin.f32 v48, $1.000000000e+00;
	v51 =	vmax.f32 v46, $-1.000000000e+00;
	v29 =	vld.idx.msk [tilespmem:v29+s1+$0x0], $0xffff  }
0x99: {  	v53 =	vmax.f32 v44, $-1.000000000e+00;
	v12 =	vld.idx.msk [tilespmem:v12+s1+$0x0], $0xffff;
	[tilespmem:s14+$0x110] =	vst v49;
	v34 =	vmin.f32 v51, $1.000000000e+00  }
0x9a: {  	v17 =	vld.idx.msk [tilespmem:v17+s1+$0x0], $0xffff;
	[tilespmem:s22+$0x1C0] =	vst v34;
	v34 =	vmin.f32 v53, $1.000000000e+00;
	v23 =	vmax.f32 v23, $-1.000000000e+00  }
0x9b: {  	v6 =	vld.idx.msk [tilespmem:v6+s1+$0x0], $0xffff;
	[tilespmem:s20+$0xFFFFFE30] =	vst v34;
	v23 =	vmin.f32 v23, $1.000000000e+00;
	v31 =	vmax.f32 v31, $-1.000000000e+00  }
0x9c: {  	v10 =	vld.idx.msk [tilespmem:v10+s1+$0x0], $0xffff;
	[tilespmem:s2+$0xFFFFFE90] =	vst v23;
	v31 =	vmin.f32 v31, $1.000000000e+00;
	v8 =	vmax.f32 v8, $-1.000000000e+00  }
0x9d: {  	[tilespmem:s22+$0xFFFFFF40] =	vst v31;
	v31 =	vld.idx.msk [tilespmem:v43+s1+$0x0], $0xffff;
	v8 =	vmin.f32 v8, $1.000000000e+00;
	v29 =	vmax.f32 v29, $-1.000000000e+00  }
0x9e: {  	v54 =	vld.idx.msk [tilespmem:v38+s1+$0x0], $0xffff;
	v12 =	vmax.f32 v12, $-1.000000000e+00;
	[tilespmem:s2+$0xFFFFFE10] =	vst v8;
	v8 =	vmin.f32 v29, $1.000000000e+00  }
0x9f: {  	v28 =	vld.idx.msk [tilespmem:v28+s1+$0x0], $0xffff;
	v17 =	vmax.f32 v17, $-1.000000000e+00;
	v12 =	vmin.f32 v12, $1.000000000e+00;
	[tilespmem:s22+$0xFFFFFFC0] =	vst v8;
	v8 =	vor.u32 s26, v2  }
0xa0: {  	v6 =	vmax.f32 v6, $-1.000000000e+00;
	v17 =	vmin.f32 v17, $1.000000000e+00;
	[tilespmem:s20+$0xFFFFFEB0] =	vst v12  }
0xa1: {  	v10 =	vmax.f32 v10, $-1.000000000e+00;
	[tilespmem:s20+$0xFFFFFF20] =	vst v17;
	v6 =	vmin.f32 v6, $1.000000000e+00  }
0xa2: {  	v16 =	vld.idx.msk [tilespmem:v16+s1+$0x0], $0xffff;
	v10 =	vmin.f32 v10, $1.000000000e+00;
	[tilespmem:s22+$0xFFFFFEC0] =	vst v6;
	v17 =	vmax.f32 v31, $-1.000000000e+00  }
0xa3: {  	[tilespmem:s20+$0x1A0] =	vst v10;
	v6 =	vmin.f32 v17, $1.000000000e+00;
	v17 =	vmax.f32 v54, $-1.000000000e+00  }
0xa4: {  	v23 =	vor.u32 s30, v3;
	[tilespmem:s20+$0x40] =	vst v6;
	v6 =	vmin.f32 v17, $1.000000000e+00;
	v17 =	vmax.f32 v28, $-1.000000000e+00;
	v8 =	vld.idx.msk [tilespmem:v8+s1+$0x0], $0xffff  }
0xa5: {  	v10 =	vld.idx.msk [tilespmem:v11+s1+$0x0], $0xffff;
	[tilespmem:s20+$0xB0] =	vst v6;
	v6 =	vmax.f32 v39, $-1.000000000e+00;
	v17 =	vmin.f32 v17, $1.000000000e+00  }
0xa6: {  	v11 =	vmax.f32 v41, $-1.000000000e+00;
	v6 =	vmin.f32 v6, $1.000000000e+00;
	[tilespmem:s2+$0x90] =	vst v17;
	v17 =	vld.idx.msk [tilespmem:v20+s1+$0x0], $0xffff  }
0xa7: {  	v16 =	vmax.f32 v16, $-1.000000000e+00;
	[tilespmem:s2+$0xFFFFFF90] =	vst v6;
	v6 =	vmin.f32 v11, $1.000000000e+00;
	v11 =	vld.idx.msk [tilespmem:v18+s1+$0x0], $0xffff  }
0xa8: {  	v16 =	vmin.f32 v16, $1.000000000e+00;
	v18 =	vmax.f32 v33, $-1.000000000e+00;
	v20 =	vld.idx.msk [tilespmem:v24+s1+$0x0], $0xffff;
	[tilespmem:s2+$0x20] =	vst v6  }
0xa9: {  	[tilespmem:s20+$0x130] =	vst v16;
	v6 =	vmin.f32 v18, $1.000000000e+00;
	v16 =	vld.idx.msk [tilespmem:v23+s1+$0x0], $0xffff;
	v8 =	vmax.f32 v8, $-1.000000000e+00  }
0xaa: {  	v10 =	vmax.f32 v10, $-1.000000000e+00;
	v18 =	vld.idx.msk [tilespmem:v21+s1+$0x0], $0xffff;
	[tilespmem:s20+$0xFFFFFFA0] =	vst v6;
	v8 =	vmin.f32 v8, $1.000000000e+00  }
0xab: {  	v6 =	vmin.f32 v10, $1.000000000e+00;
	v10 =	vmax.f32 v17, $-1.000000000e+00;
	[tilespmem:s2+$0xFFFFFE20] =	vst v8;
	v8 =	vld.idx.msk [tilespmem:v13+s1+$0x0], $0xffff  }
0xac: {  	[tilespmem:s20+$0x1B0] =	vst v6;
	v11 =	vmax.f32 v11, $-1.000000000e+00;
	v10 =	vmin.f32 v10, $1.000000000e+00;
	v13 =	vld.idx.msk [tilespmem:v26+s1+$0x0], $0xffff  }
0xad: {  	v6 =	vor.u32 s23, v4;
	v7 =	vld.idx.msk [tilespmem:v7+s1+$0x0], $0xffff;
	v17 =	vmax.f32 v20, $-1.000000000e+00;
	v11 =	vmin.f32 v11, $1.000000000e+00;
	[tilespmem:s20+$0xFFFFFE40] =	vst v10  }
0xae: {  	v10 =	vld.idx.msk [tilespmem:v14+s1+$0x0], $0xffff;
	v14 =	vmin.f32 v17, $1.000000000e+00;
	v16 =	vmax.f32 v16, $-1.000000000e+00;
	[tilespmem:s20+$0xFFFFFF30] =	vst v11  }
0xaf: {  	v11 =	vmax.f32 v18, $-1.000000000e+00;
	[tilespmem:s2+$0xA0] =	vst v14;
	v16 =	vmin.f32 v16, $1.000000000e+00  }
0xb0: {  	v9 =	vld.idx.msk [tilespmem:v9+s1+$0x0], $0xffff;
	v11 =	vmin.f32 v11, $1.000000000e+00;
	[tilespmem:s2+$0x30] =	vst v16;
	v8 =	vmax.f32 v8, $-1.000000000e+00  }
0xb1: {  	v14 =	vld.idx.msk [tilespmem:v30+s1+$0x0], $0xffff;
	[tilespmem:s2+$0xFFFFFEA0] =	vst v11;
	v13 =	vmax.f32 v13, $-1.000000000e+00;
	v8 =	vmin.f32 v8, $1.000000000e+00  }
0xb2: {  	v6 =	vld.idx.msk [tilespmem:v6+s1+$0x0], $0xffff;
	v7 =	vmax.f32 v7, $-1.000000000e+00;
	v11 =	vor.u32 s26, v3;
	v13 =	vmin.f32 v13, $1.000000000e+00;
	[tilespmem:s2+$0x190] =	vst v8  }
0xb3: {  	v7 =	vmin.f32 v7, $1.000000000e+00;
	v10 =	vmax.f32 v10, $-1.000000000e+00;
	v8 =	vor.u32 s21, v4;
	[tilespmem:s2+$0xFFFFFF10] =	vst v13;
	v13 =	vld.idx.msk [tilespmem:v22+s1+$0x0], $0xffff  }
0xb4: {  	v52 =	vmax.f32 v40, $-1.000000000e+00;
	[tilespmem:s20+$0xFFFFFFB0] =	vst v7;
	v10 =	vmin.f32 v10, $1.000000000e+00;
	v12 =	vld.idx.msk [tilespmem:v35+s1+$0x0], $0xffff  }
0xb5: {  	v36 =	vmin.f32 v52, $1.000000000e+00;
	v16 =	vor.u32 s0, v3;
	v7 =	vmax.f32 v9, $-1.000000000e+00;
	[tilespmem:s20+$0x140] =	vst v10;
	v10 =	vld.idx.msk [tilespmem:v15+s1+$0x0], $0xffff  }
0xb6: {  	[tilespmem:s22+$0xC0] =	vst v36;
	v17 =	vld.idx.msk [tilespmem:v25+s1+$0x0], $0xffff;
	v7 =	vmin.f32 v7, $1.000000000e+00;
	v14 =	vmax.f32 v14, $-1.000000000e+00  }
0xb7: {  	v9 =	vor.u32 s25, v3;
	[tilespmem:s20+$0x1C0] =	vst v7;
	v14 =	vmin.f32 v14, $1.000000000e+00;
	v6 =	vmax.f32 v6, $-1.000000000e+00;
	v11 =	vld.idx.msk [tilespmem:v11+s1+$0x0], $0xffff  }
0xb8: {  	[tilespmem:s2+$0x120] =	vst v14;
	v14 =	vor.u32 s28, v3;
	v6 =	vmin.f32 v6, $1.000000000e+00;
	v8 =	vld.idx.msk [tilespmem:v8+s1+$0x0], $0xffff;
	v7 =	vmax.f32 v13, $-1.000000000e+00  }
0xb9: {  	v5 =	vld.idx.msk [tilespmem:v5+s1+$0x0], $0xffff;
	[tilespmem:s20+$0xFFFFFF40] =	vst v6;
	v6 =	vmax.f32 v12, $-1.000000000e+00;
	v7 =	vmin.f32 v7, $1.000000000e+00  }
0xba: {  	v15 =	vld.idx.msk [tilespmem:v16+s1+$0x0], $0xffff;
	v10 =	vmax.f32 v10, $-1.000000000e+00;
	v12 =	vor.u32 s24, v3;
	v6 =	vmin.f32 v6, $1.000000000e+00;
	[tilespmem:s2+$0x1A0] =	vst v7  }
0xbb: {  	v10 =	vmin.f32 v10, $1.000000000e+00;
	v13 =	vmax.f32 v17, $-1.000000000e+00;
	v7 =	vor.u32 s30, v4;
	[tilespmem:s2+$0xFFFFFF20] =	vst v6;
	v6 =	vld.idx.msk [tilespmem:v19+s1+$0x0], $0xffff  }
0xbc: {  	v16 =	vor.u32 s26, v4;
	v11 =	vmax.f32 v11, $-1.000000000e+00;
	[tilespmem:s2+$0xFFFFFFA0] =	vst v10;
	v13 =	vmin.f32 v13, $1.000000000e+00;
	v9 =	vld.idx.msk [tilespmem:v9+s1+$0x0], $0xffff  }
0xbd: {  	v14 =	vld.idx.msk [tilespmem:v14+s1+$0x0], $0xffff;
	v11 =	vmin.f32 v11, $1.000000000e+00;
	[tilespmem:s20+$0xC0] =	vst v13;
	v13 =	vor.u32 s0, v4;
	v8 =	vmax.f32 v8, $-1.000000000e+00  }
0xbe: {  	v5 =	vmax.f32 v5, $-1.000000000e+00;
	v10 =	vor.u32 s31, v4;
	[tilespmem:s2+$0xFFFFFE30] =	vst v11;
	v11 =	vld.idx.msk [tilespmem:v32+s1+$0x0], $0xffff;
	v8 =	vmin.f32 v8, $1.000000000e+00  }
0xbf: {  	v5 =	vmin.f32 v5, $1.000000000e+00;
	v15 =	vmax.f32 v15, $-1.000000000e+00;
	v12 =	vld.idx.msk [tilespmem:v12+s1+$0x0], $0xffff;
	[tilespmem:s20+$0xFFFFFFC0] =	vst v8;
	v8 =	vor.u32 s25, v4  }
0xc0: {  	[tilespmem:s20+$0xFFFFFEC0] =	vst v5;
	v17 =	vor.u32 s28, v4;
	v5 =	vmin.f32 v15, $1.000000000e+00;
	v7 =	vld.idx.msk [tilespmem:v7+s1+$0x0], $0xffff;
	v6 =	vmax.f32 v6, $-1.000000000e+00  }
0xc1: {  	v15 =	vor.u32 s29, v4;
	v16 =	vld.idx.msk [tilespmem:v16+s1+$0x0], $0xffff;
	[tilespmem:s2+$0x130] =	vst v5;
	v5 =	vmax.f32 v9, $-1.000000000e+00;
	v6 =	vmin.f32 v6, $1.000000000e+00  }
0xc2: {  	v14 =	vmax.f32 v14, $-1.000000000e+00;
	v13 =	vld.idx.msk [tilespmem:v13+s1+$0x0], $0xffff;
	v9 =	vor.u32 s24, v4;
	v5 =	vmin.f32 v5, $1.000000000e+00;
	[tilespmem:s2+$0x1B0] =	vst v6  }
0xc3: {  	v6 =	vmin.f32 v14, $1.000000000e+00;
	[tilespmem:s2+$0xFFFFFF30] =	vst v5;
	v5 =	vmax.f32 v11, $-1.000000000e+00;
	v10 =	vld.idx.msk [tilespmem:v10+s1+$0x0], $0xffff  }
0xc4: {  	[tilespmem:s2+$0xB0] =	vst v6;
	v6 =	vmax.f32 v12, $-1.000000000e+00;
	v8 =	vld.idx.msk [tilespmem:v8+s1+$0x0], $0xffff;
	v5 =	vmin.f32 v5, $1.000000000e+00  }
0xc5: {  	v7 =	vmax.f32 v7, $-1.000000000e+00;
	v11 =	vld.idx.msk [tilespmem:v17+s1+$0x0], $0xffff;
	v6 =	vmin.f32 v6, $1.000000000e+00;
	[tilespmem:s2+$0xFFFFFFB0] =	vst v5  }
0xc6: {  	v5 =	vmin.f32 v7, $1.000000000e+00;
	v7 =	vmax.f32 v16, $-1.000000000e+00;
	[tilespmem:s2+$0xFFFFFEB0] =	vst v6;
	v6 =	vld.idx.msk [tilespmem:v15+s1+$0x0], $0xffff  }
0xc7: {  	[tilespmem:s2+$0x40] =	vst v5;
	v5 =	vmin.f32 v7, $1.000000000e+00;
	v7 =	vmax.f32 v13, $-1.000000000e+00;
	v9 =	vld.idx.msk [tilespmem:v9+s1+$0x0], $0xffff  }
0xc8: {  	[tilespmem:s2+$0xFFFFFE40] =	vst v5;
	v5 =	vmin.f32 v7, $1.000000000e+00;
	v7 =	vmax.f32 v10, $-1.000000000e+00  }
0xc9: {  	[tilespmem:s2+$0x140] =	vst v5;
	v5 =	vmin.f32 v7, $1.000000000e+00;
	v7 =	vmax.f32 v8, $-1.000000000e+00  }
0xca: {  	v8 =	vmax.f32 v11, $-1.000000000e+00;
	v7 =	vmin.f32 v7, $1.000000000e+00;
	[tilespmem:s2+$0x1C0] =	vst v5  }
0xcb: {  	v5 =	vmin.f32 v8, $1.000000000e+00;
	v6 =	vmax.f32 v6, $-1.000000000e+00;
	[tilespmem:s2+$0xFFFFFF40] =	vst v7  }
0xcc: {  	v7 =	vmax.f32 v9, $-1.000000000e+00;
	[tilespmem:s2+$0xC0] =	vst v5;
	v5 =	vmin.f32 v6, $1.000000000e+00  }
0xcd: {  	[tilespmem:s2+$0xFFFFFFC0] =	vst v5;
	v5 =	vmin.f32 v7, $1.000000000e+00  }
0xce: {  	s3 =	simm.s32 $0x8000;
	[tilespmem:s2+$0xFFFFFEC0] =	vst v5  }
0xcf: {  	s22 =	simm.s32 $0x0;
	s0 =	simm.s32 $0x200;
	s23 =	rddreg [dreg:$0x4]  }
0xd0: {  	v5 =	vor.u32 s0, v0;
	[hbm4b:s23+s22] =	stream.linear.scatter [tilespmem:s3], [sflag:$0x3], $0x4000, $0x38;
	[tilespmem:$0x10000] =	vst v63  }
0xd1: {  	_ =	swait.ge [sflag:s15], $0x4000  }
0xd2: {  	s7 =	simm.s32 $0x0;
	s26 =	simm.s32 $0x300;
	[sflag:s15] =	ssyncset.done $0x0  }
0xd3: {  	v10 =	vor.u32 s26, v0;
	s3 =	simm.s32 $0x180;
	s24 =	rddreg [dreg:$0x5];
	[sflag:s15] =	ssyncadd.s32 $0xFFFFC000  }
0xd4: {  	v6 =	vor.u32 s7, v0;
	[tilespmem:s22], [sflag:$0x1] =	stream.linear.gather [hbm4b:s24+s22], $0x4000, $0x38;
	[tilespmem:$0x10000] =	vst v63  }
0xd5: {  	s25 =	simm.s32 $0x280;
	v11 =	vor.u32 s3, v0;
	v5 =	vld.idx.msk [tilespmem:v5+s13+$0x0], $0xffff  }
0xd6: {  	v9 =	vor.u32 s25, v0;
	_ =	sdelay $0x1  }
0xd7: {  	s5 =	simm.s32 $0x80;
	v12 =	vor.u32 s0, v1;
	v10 =	vld.idx.msk [tilespmem:v10+s13+$0x0], $0xffff  }
0xd8: {  	s14 =	simm.s32 $0x100;
	v7 =	vor.u32 s5, v0;
	v6 =	vld.idx.msk [tilespmem:v6+s13+$0x0], $0xffff  }
0xd9: {  	s8 =	simm.s32 $0x380;
	v8 =	vor.u32 s14, v0;
	v11 =	vld.idx.msk [tilespmem:v11+s13+$0x0], $0xffff;
	v5 =	vmax.f32 v5, $-1.000000000e+00  }
0xda: {  	s16 =	simm.s32 $0x680;
	v14 =	vor.u32 s8, v0;
	s22 =	simm.s32 $0xC200;
	v9 =	vld.idx.msk [tilespmem:v9+s13+$0x0], $0xffff;
	v13 =	vmin.f32 v5, $1.000000000e+00  }
0xdb: {  	v27 =	vor.u32 s16, v0;
	v18 =	vor.u32 s26, v1;
	[tilespmem:s22+$0x0] =	vst v13  }
0xdc: {  	v22 =	vor.u32 s7, v1;
	v21 =	vor.u32 s0, v2;
	v10 =	vmax.f32 v10, $-1.000000000e+00;
	v12 =	vld.idx.msk [tilespmem:v12+s13+$0x0], $0xffff  }
0xdd: {  	v17 =	vor.u32 s25, v1;
	v7 =	vld.idx.msk [tilespmem:v7+s13+$0x0], $0xffff;
	v6 =	vmax.f32 v6, $-1.000000000e+00;
	v10 =	vmin.f32 v10, $1.000000000e+00  }
0xde: {  	v15 =	vor.u32 s3, v1;
	v8 =	vld.idx.msk [tilespmem:v8+s13+$0x0], $0xffff;
	v11 =	vmax.f32 v11, $-1.000000000e+00;
	v6 =	vmin.f32 v6, $1.000000000e+00;
	[tilespmem:s22+$0x100] =	vst v10  }
0xdf: {  	v19 =	vor.u32 s8, v3;
	s2 =	simm.s32 $0x600;
	v14 =	vld.idx.msk [tilespmem:v14+s13+$0x0], $0xffff;
	v9 =	vmax.f32 v9, $-1.000000000e+00;
	v10 =	vmin.f32 v11, $1.000000000e+00;
	[tilespmem:s22+$0xFFFFFE00] =	vst v6  }
0xe0: {  	v26 =	vor.u32 s2, v0;
	v5 =	vor.u32 s8, v1;
	v6 =	vmin.f32 v9, $1.000000000e+00;
	[tilespmem:s22+$0xFFFFFF80] =	vst v10;
	v10 =	vld.idx.msk [tilespmem:v18+s13+$0x0], $0xffff  }
0xe1: {  	v13 =	vor.u32 s8, v2;
	[tilespmem:s22+$0x80] =	vst v6;
	v18 =	vld.idx.msk [tilespmem:v22+s13+$0x0], $0xffff;
	v22 =	vor.u32 s8, v4;
	s8 =	simm.s32 $0x780;
	v11 =	vmax.f32 v12, $-1.000000000e+00  }
0xe2: {  	s9 =	simm.s32 $0x700;
	v17 =	vld.idx.msk [tilespmem:v17+s13+$0x0], $0xffff;
	v30 =	vor.u32 s8, v0;
	v11 =	vmin.f32 v11, $1.000000000e+00  }
0xe3: {  	v59 =	vor.u32 s9, v0;
	s24 =	simm.s32 $0x880;
	[tilespmem:s22+$0x10] =	vst v11;
	v11 =	vld.idx.msk [tilespmem:v15+s13+$0x0], $0xffff  }
0xe4: {  	v47 =	vor.u32 s24, v0;
	v9 =	vld.idx.msk [tilespmem:v21+s13+$0x0], $0xffff;
	[tilespmem:$0x1FFE0] =	vst v22  }
0xe5: {  	v48 =	vor.u32 s7, v2;
	v63 =	vor.u32 s16, v1;
	v16 =	vor.u32 s5, v1;
	v26 =	vld.idx.msk [tilespmem:v26+s13+$0x0], $0xffff  }
0xe6: {  	v49 =	vor.u32 s7, v3;
	v23 =	vor.u32 s5, v2;
	v12 =	vor.u32 s14, v1;
	v60 =	vld.idx.msk [tilespmem:v27+s13+$0x0], $0xffff  }
0xe7: {  	v25 =	vor.u32 s5, v3;
	v55 =	vor.u32 s26, v2;
	v7 =	vmax.f32 v7, $-1.000000000e+00;
	v62 =	vld.idx.msk [tilespmem:v30+s13+$0x0], $0xffff  }
0xe8: {  	v8 =	vmax.f32 v8, $-1.000000000e+00;
	v7 =	vmin.f32 v7, $1.000000000e+00;
	v10 =	vmax.f32 v10, $-1.000000000e+00;
	v51 =	vld.idx.msk [tilespmem:v59+s13+$0x0], $0xffff  }
0xe9: {  	s4 =	simm.s32 $0x400;
	s21 =	simm.s32 $0x580;
	v24 =	vmin.f32 v8, $1.000000000e+00;
	v57 =	vmin.f32 v10, $1.000000000e+00;
	v10 =	vmax.f32 v18, $-1.000000000e+00;
	[tilespmem:s22+$0xFFFFFE80] =	vst v7;
	v47 =	vld.idx.msk [tilespmem:v47+s13+$0x0], $0xffff  }
0xea: {  	s6 =	simm.s32 $0x480;
	v40 =	vor.u32 s21, v1;
	v15 =	vor.u32 s4, v0;
	v10 =	vmin.f32 v10, $1.000000000e+00;
	[tilespmem:s22+$0xFFFFFF00] =	vst v24;
	v16 =	vld.idx.msk [tilespmem:v16+s13+$0x0], $0xffff  }
0xeb: {  	v32 =	vor.u32 s16, v2;
	s23 =	simm.s32 $0x500;
	v8 =	vmax.f32 v14, $-1.000000000e+00;
	v21 =	vor.u32 s6, v0;
	[tilespmem:s22+$0xFFFFFE10] =	vst v10;
	v12 =	vld.idx.msk [tilespmem:v12+s13+$0x0], $0xffff  }
0xec: {  	v61 =	vor.u32 s0, v3;
	v29 =	vmin.f32 v8, $1.000000000e+00;
	v22 =	vor.u32 s23, v0;
	[tilespmem:s22+$0x110] =	vst v57;
	v52 =	vld.idx.msk [tilespmem:v48+s13+$0x0], $0xffff  }
0xed: {  	v28 =	vor.u32 s25, v2;
	v39 =	vor.u32 s25, v4;
	v7 =	vor.u32 s21, v0;
	[tilespmem:s22+$0x180] =	vst v29;
	v55 =	vld.idx.msk [tilespmem:v55+s13+$0x0], $0xffff  }
0xee: {  	v50 =	vor.u32 s2, v1;
	v20 =	vor.u32 s3, v2;
	v34 =	vor.u32 s23, v1;
	v59 =	vld.idx.msk [tilespmem:v5+s13+$0x0], $0xffff  }
0xef: {  	v14 =	vor.u32 s14, v2;
	v8 =	vor.u32 s3, v3;
	v56 =	vld.idx.msk [tilespmem:v15+s13+$0x0], $0xffff;
	v11 =	vmax.f32 v11, $-1.000000000e+00  }
0xf0: {  	v6 =	vor.u32 s5, v4;
	v9 =	vmax.f32 v9, $-1.000000000e+00;
	v58 =	vld.idx.msk [tilespmem:v21+s13+$0x0], $0xffff;
	v11 =	vmin.f32 v11, $1.000000000e+00  }
0xf1: {  	v17 =	vmax.f32 v17, $-1.000000000e+00;
	v22 =	vld.idx.msk [tilespmem:v22+s13+$0x0], $0xffff;
	v9 =	vmin.f32 v9, $1.000000000e+00;
	[tilespmem:s22+$0xFFFFFF90] =	vst v11;
	v16 =	vmax.f32 v16, $-1.000000000e+00  }
0xf2: {  	v35 =	vor.u32 s8, v1;
	v17 =	vmin.f32 v17, $1.000000000e+00;
	v7 =	vld.idx.msk [tilespmem:v7+s13+$0x0], $0xffff;
	[tilespmem:s22+$0x20] =	vst v9;
	v16 =	vmin.f32 v16, $1.000000000e+00  }
0xf3: {  	s28 =	simm.s32 $0xA80;
	v41 =	vmax.f32 v60, $-1.000000000e+00;
	v12 =	vmax.f32 v12, $-1.000000000e+00;
	v20 =	vld.idx.msk [tilespmem:v20+s13+$0x0], $0xffff;
	v9 =	vmax.f32 v52, $-1.000000000e+00;
	[tilespmem:s22+$0xFFFFFE90] =	vst v16  }
0xf4: {  	[tilespmem:s22+$0x90] =	vst v17;
	v36 =	vmax.f32 v59, $-1.000000000e+00;
	v59 =	vor.u32 s28, v0;
	v9 =	vmin.f32 v9, $1.000000000e+00;
	v23 =	vld.idx.msk [tilespmem:v23+s13+$0x0], $0xffff  }
0xf5: {  	v12 =	vmin.f32 v12, $1.000000000e+00;
	v16 =	vmax.f32 v26, $-1.000000000e+00;
	[tilespmem:s22+$0xFFFFFE20] =	vst v9;
	v27 =	vmax.f32 v58, $-1.000000000e+00;
	v58 =	vld.idx.msk [tilespmem:v61+s13+$0x0], $0xffff  }
0xf6: {  	s20 =	simm.s32 $0xC600;
	v57 =	vmax.f32 v62, $-1.000000000e+00;
	v17 =	vmax.f32 v56, $-1.000000000e+00;
	[tilespmem:s22+$0xFFFFFF10] =	vst v12;
	v16 =	vmin.f32 v16, $1.000000000e+00;
	v60 =	vld.idx.msk [tilespmem:v49+s13+$0x0], $0xffff  }
0xf7: {  	v33 =	vmin.f32 v57, $1.000000000e+00;
	v53 =	vmin.f32 v17, $1.000000000e+00;
	v17 =	vor.u32 s9, v1;
	v14 =	vld.idx.msk [tilespmem:v14+s13+$0x0], $0xffff;
	[tilespmem:s20+$0x0] =	vst v16  }
0xf8: {  	s31 =	simm.s32 $0xB80;
	v36 =	vmin.f32 v36, $1.000000000e+00;
	[tilespmem:s20+$0x180] =	vst v33;
	v61 =	vor.u32 s4, v1;
	v7 =	vmax.f32 v7, $-1.000000000e+00;
	v54 =	vld.idx.msk [tilespmem:v50+s13+$0x0], $0xffff  }
0xf9: {  	[tilespmem:s22+$0x190] =	vst v36;
	v16 =	vld.idx.msk [tilespmem:v28+s13+$0x0], $0xffff;
	v28 =	vmax.f32 v51, $-1.000000000e+00;
	v51 =	vor.u32 s31, v0;
	v29 =	vmin.f32 v7, $1.000000000e+00  }
0xfa: {  	v18 =	vor.u32 s6, v1;
	v62 =	vor.u32 s0, v4;
	v11 =	vmin.f32 v28, $1.000000000e+00;
	v48 =	vld.idx.msk [tilespmem:v59+s13+$0x0], $0xffff;
	[tilespmem:s20+$0xFFFFFF80] =	vst v29  }
0xfb: {  	v30 =	vor.u32 s26, v4;
	v28 =	vor.u32 s2, v2;
	[tilespmem:s20+$0x100] =	vst v11;
	v40 =	vld.idx.msk [tilespmem:v40+s13+$0x0], $0xffff  }
0xfc: {  	v10 =	vor.u32 s8, v2;
	v38 =	vmin.f32 v27, $1.000000000e+00;
	[tilespmem:s20+$0xFFFFFE00] =	vst v53;
	v42 =	vld.idx.msk [tilespmem:v17+s13+$0x0], $0xffff;
	v37 =	vmax.f32 v58, $-1.000000000e+00  }
0xfd: {  	v15 =	vor.u32 s26, v3;
	[tilespmem:s20+$0xFFFFFE80] =	vst v38;
	v57 =	vld.idx.msk [tilespmem:v61+s13+$0x0], $0xffff;
	v37 =	vmin.f32 v37, $1.000000000e+00;
	v17 =	vmax.f32 v54, $-1.000000000e+00  }
0xfe: {  	v56 =	vor.u32 s25, v3;
	v22 =	vmax.f32 v22, $-1.000000000e+00;
	v50 =	vld.idx.msk [tilespmem:v51+s13+$0x0], $0xffff;
	[tilespmem:s22+$0x30] =	vst v37;
	v5 =	vmin.f32 v17, $1.000000000e+00  }
0xff: {  	s26 =	simm.s32 $0x800;
	v29 =	vor.u32 s9, v2;
	v16 =	vmax.f32 v16, $-1.000000000e+00;
	[tilespmem:s20+$0x10] =	vst v5;
	v5 =	vmin.f32 v41, $1.000000000e+00;
	v41 =	vld.idx.msk [tilespmem:v62+s13+$0x0], $0xffff  }
0x100: {  	s25 =	simm.s32 $0x900;
	v22 =	vmin.f32 v22, $1.000000000e+00;
	v9 =	vmin.f32 v16, $1.000000000e+00;
	v16 =	vld.idx.msk [tilespmem:v28+s13+$0x0], $0xffff;
	[tilespmem:s20+$0x80] =	vst v5;
	v28 =	vor.u32 s26, v0  }
0x101: {  	[tilespmem:s20+$0xFFFFFF00] =	vst v22;
	v43 =	vmax.f32 v60, $-1.000000000e+00;
	v60 =	vmax.f32 v42, $-1.000000000e+00;
	v44 =	vld.idx.msk [tilespmem:v63+s13+$0x0], $0xffff;
	v63 =	vor.u32 s25, v0  }
0x102: {  	v24 =	vor.u32 s7, v4;
	v23 =	vmax.f32 v23, $-1.000000000e+00;
	[tilespmem:s22+$0xA0] =	vst v9;
	v42 =	vld.idx.msk [tilespmem:v13+s13+$0x0], $0xffff;
	v13 =	vmin.f32 v60, $1.000000000e+00  }
0x103: {  	v49 =	vor.u32 s4, v2;
	v23 =	vmin.f32 v23, $1.000000000e+00;
	v46 =	vld.idx.msk [tilespmem:v56+s13+$0x0], $0xffff;
	v62 =	vmax.f32 v40, $-1.000000000e+00;
	[tilespmem:s20+$0x110] =	vst v13  }
0x104: {  	s30 =	simm.s32 $0xA00;
	v21 =	vor.u32 s14, v3;
	[tilespmem:s22+$0xFFFFFEA0] =	vst v23;
	v61 =	vmax.f32 v57, $-1.000000000e+00;
	v37 =	vmin.f32 v62, $1.000000000e+00;
	v57 =	vld.idx.msk [tilespmem:v29+s13+$0x0], $0xffff  }
0x105: {  	v58 =	vor.u32 s30, v0;
	v36 =	vmin.f32 v61, $1.000000000e+00;
	v60 =	vmax.f32 v14, $-1.000000000e+00;
	[tilespmem:s20+$0xFFFFFF90] =	vst v37;
	v52 =	vld.idx.msk [tilespmem:v28+s13+$0x0], $0xffff  }
0x106: {  	v45 =	vmax.f32 v55, $-1.000000000e+00;
	v55 =	vor.u32 s4, v3;
	[tilespmem:s20+$0xFFFFFE10] =	vst v36;
	v29 =	vmin.f32 v60, $1.000000000e+00;
	v38 =	vld.idx.msk [tilespmem:v63+s13+$0x0], $0xffff  }
0x107: {  	s0 =	simm.s32 $0xB00;
	v26 =	vor.u32 s6, v2;
	v22 =	vmax.f32 v41, $-1.000000000e+00;
	[tilespmem:s22+$0xFFFFFF20] =	vst v29;
	v28 =	vmin.f32 v45, $1.000000000e+00;
	v63 =	vld.idx.msk [tilespmem:v18+s13+$0x0], $0xffff  }
0x108: {  	v27 =	vor.u32 s21, v2;
	v49 =	vld.idx.msk [tilespmem:v49+s13+$0x0], $0xffff;
	v45 =	vor.u32 s0, v0;
	v22 =	vmin.f32 v22, $1.000000000e+00;
	[tilespmem:s22+$0x120] =	vst v28  }
0x109: {  	v54 =	vmax.f32 v16, $-1.000000000e+00;
	v40 =	vmax.f32 v44, $-1.000000000e+00;
	v28 =	vmin.f32 v43, $1.000000000e+00;
	v44 =	vld.idx.msk [tilespmem:v34+s13+$0x0], $0xffff;
	[tilespmem:s22+$0x40] =	vst v22  }
0x10a: {  	s29 =	simm.s32 $0x980;
	v20 =	vmax.f32 v20, $-1.000000000e+00;
	v60 =	vmax.f32 v47, $-1.000000000e+00;
	v43 =	vld.idx.msk [tilespmem:v58+s13+$0x0], $0xffff;
	v47 =	vmin.f32 v54, $1.000000000e+00;
	[tilespmem:s22+$0xFFFFFE30] =	vst v28  }
0x10b: {  	v53 =	vor.u32 s29, v0;
	v61 =	vmax.f32 v42, $-1.000000000e+00;
	v58 =	vmin.f32 v20, $1.000000000e+00;
	[tilespmem:s20+$0x20] =	vst v47;
	v54 =	vld.idx.msk [tilespmem:v24+s13+$0x0], $0xffff  }
0x10c: {  	v7 =	vor.u32 s21, v3;
	[tilespmem:s22+$0xFFFFFFA0] =	vst v58;
	v62 =	vmax.f32 v63, $-1.000000000e+00;
	v63 =	vld.idx.msk [tilespmem:v15+s13+$0x0], $0xffff;
	v15 =	vmin.f32 v61, $1.000000000e+00  }
0x10d: {  	v41 =	vor.u32 s30, v1;
	v20 =	vmax.f32 v46, $-1.000000000e+00;
	v45 =	vld.idx.msk [tilespmem:v45+s13+$0x0], $0xffff;
	v29 =	vmin.f32 v62, $1.000000000e+00;
	[tilespmem:s22+$0x1A0] =	vst v15  }
0x10e: {  	v11 =	vor.u32 s8, v3;
	v46 =	vmin.f32 v20, $1.000000000e+00;
	v37 =	vmax.f32 v44, $-1.000000000e+00;
	[tilespmem:s20+$0xFFFFFE90] =	vst v29;
	v44 =	vld.idx.msk [tilespmem:v19+s13+$0x0], $0xffff  }
0x10f: {  	v51 =	vor.u32 s2, v3;
	[tilespmem:s22+$0xB0] =	vst v46;
	v24 =	vmax.f32 v43, $-1.000000000e+00;
	v43 =	vld.idx.msk [tilespmem:v26+s13+$0x0], $0xffff;
	v26 =	vmin.f32 v40, $1.000000000e+00  }
0x110: {  	v34 =	vor.u32 s14, v4;
	s14 =	simm.s32 $0xCA00;
	v24 =	vmin.f32 v24, $1.000000000e+00;
	[tilespmem:s20+$0x90] =	vst v26;
	v26 =	vmax.f32 v52, $-1.000000000e+00;
	v52 =	vld.idx.msk [tilespmem:v53+s13+$0x0], $0xffff  }
0x111: {  	v23 =	vor.u32 s24, v1;
	v46 =	vmin.f32 v60, $1.000000000e+00;
	[tilespmem:s14+$0x0] =	vst v24;
	v53 =	vor.u32 s0, v1  }
0x112: {  	v59 =	vmax.f32 v48, $-1.000000000e+00;
	[tilespmem:s14+$0xFFFFFE80] =	vst v46;
	v41 =	vld.idx.msk [tilespmem:v41+s13+$0x0], $0xffff;
	v62 =	vmin.f32 v26, $1.000000000e+00;
	v63 =	vmax.f32 v63, $-1.000000000e+00  }
0x113: {  	v46 =	vmax.f32 v49, $-1.000000000e+00;
	v19 =	vmax.f32 v45, $-1.000000000e+00;
	v45 =	vld.idx.msk [tilespmem:v32+s13+$0x0], $0xffff;
	[tilespmem:s14+$0xFFFFFE00] =	vst v62;
	v32 =	vmin.f32 v63, $1.000000000e+00  }
0x114: {  	v61 =	vmax.f32 v38, $-1.000000000e+00;
	v19 =	vmin.f32 v19, $1.000000000e+00;
	[tilespmem:s22+$0x130] =	vst v32;
	v32 =	vmax.f32 v50, $-1.000000000e+00  }
0x115: {  	[tilespmem:s14+$0x100] =	vst v19;
	v62 =	vld.idx.msk [tilespmem:v25+s13+$0x0], $0xffff;
	v25 =	vmax.f32 v44, $-1.000000000e+00;
	v50 =	vmax.f32 v52, $-1.000000000e+00;
	v52 =	vmin.f32 v46, $1.000000000e+00  }
0x116: {  	v17 =	vor.u32 s23, v2;
	v36 =	vmin.f32 v61, $1.000000000e+00;
	v42 =	vld.idx.msk [tilespmem:v53+s13+$0x0], $0xffff;
	v53 =	vmin.f32 v25, $1.000000000e+00;
	[tilespmem:s20+$0xFFFFFE20] =	vst v52  }
0x117: {  	v58 =	vmax.f32 v54, $-1.000000000e+00;
	v61 =	vmax.f32 v43, $-1.000000000e+00;
	v43 =	vld.idx.msk [tilespmem:v30+s13+$0x0], $0xffff;
	v30 =	vmin.f32 v50, $1.000000000e+00;
	[tilespmem:s22+$0x1B0] =	vst v53  }
0x118: {  	v50 =	vmin.f32 v59, $1.000000000e+00;
	v59 =	vmin.f32 v58, $1.000000000e+00;
	[tilespmem:s14+$0xFFFFFF80] =	vst v30;
	v30 =	vmax.f32 v41, $-1.000000000e+00  }
0x119: {  	v9 =	vor.u32 s8, v4;
	v56 =	vor.u32 s29, v1;
	v48 =	vld.idx.msk [tilespmem:v21+s13+$0x0], $0xffff;
	[tilespmem:s22+$0xFFFFFE40] =	vst v59;
	v25 =	vmin.f32 v30, $1.000000000e+00  }
0x11a: {  	v12 =	vor.u32 s6, v3;
	v5 =	vor.u32 s6, v4;
	v14 =	vor.u32 s9, v4;
	v31 =	vld.idx.msk [tilespmem:v51+s13+$0x0], $0xffff;
	[tilespmem:s14+$0x10] =	vst v25  }
0x11b: {  	v13 =	vor.u32 s31, v1;
	v16 =	vor.u32 s9, v3;
	v21 =	vor.u32 s24, v2;
	v41 =	vld [tilespmem:$0x1FFE0]  }
0x11c: {  	v18 =	vor.u32 s23, v3;
	v22 =	vor.u32 s31, v2;
	v28 =	vor.u32 s28, v1  }
0x11d: {  	v20 =	vor.u32 s4, v4;
	v47 =	vor.u32 s26, v1;
	v60 =	vor.u32 s30, v2  }
0x11e: {  	v33 =	vld.idx.msk [tilespmem:v27+s13+$0x0], $0xffff;
	v48 =	vmax.f32 v48, $-1.000000000e+00;
	v38 =	vor.u32 s16, v3;
	v15 =	vor.u32 s29, v2  }
0x11f: {  	v29 =	vor.u32 s3, v4;
	v24 =	vor.u32 s28, v2;
	v54 =	vmax.f32 v31, $-1.000000000e+00;
	v40 =	vld.idx.msk [tilespmem:v39+s13+$0x0], $0xffff  }
0x120: {  	v26 =	vor.u32 s25, v1;
	v19 =	vor.u32 s31, v3;
	v63 =	vmin.f32 v48, $1.000000000e+00;
	v48 =	vld.idx.msk [tilespmem:v35+s13+$0x0], $0xffff  }
0x121: {  	v35 =	vor.u32 s25, v2;
	v27 =	vmin.f32 v32, $1.000000000e+00;
	v51 =	vmax.f32 v45, $-1.000000000e+00;
	v44 =	vld.idx.msk [tilespmem:v55+s13+$0x0], $0xffff  }
0x122: {  	v32 =	vor.u32 s29, v3;
	v45 =	vmax.f32 v57, $-1.000000000e+00;
	v52 =	vmin.f32 v51, $1.000000000e+00;
	v39 =	vld.idx.msk [tilespmem:v56+s13+$0x0], $0xffff  }
0x123: {  	v51 =	vmin.f32 v61, $1.000000000e+00;
	v53 =	vmax.f32 v62, $-1.000000000e+00;
	v30 =	vor.u32 s0, v2;
	v46 =	vld.idx.msk [tilespmem:v41+s13+$0x0], $0xffff  }
0x124: {  	v25 =	vor.u32 s16, v4;
	v49 =	vmax.f32 v43, $-1.000000000e+00;
	v43 =	vor.u32 s2, v4;
	s16 =	simm.s32 $0x18;
	s2 =	simm.s32 $0xCA00;
	[tilespmem:s22+$0xFFFFFF30] =	vst v63;
	v41 =	vld.idx.msk [tilespmem:v60+s13+$0x0], $0xffff  }
.LBB2_4:
0x125: {  	s5 =	sshll.u32 s16, $0x7;
	p0 =	slt.u32 s16, $0x78;
	s16 =	sadd.s32 $0x8, s16;
	v55 =	vor.u32 s24, v4;
	[tilespmem:s14+$0x80] =	vst v50;
	v31 =	vor.u32 s31, v4;
	v50 =	vld.idx.msk [tilespmem:v8+s13+$0x0], $0xffff;
	v40 =	vmax.f32 v40, $-1.000000000e+00;
	v8 =	vmovc v7;
	v7 =	vmovc v32  }
0x126: {  	v32 =	vmin.f32 v54, $1.000000000e+00;
	v48 =	vmax.f32 v48, $-1.000000000e+00;
	v56 =	vor.u32 s5, v0;
	s9 =	sadd.s32 $0x80, s5;
	s6 =	sadd.s32 $0x100, s5;
	s7 =	sadd.s32 $0x180, s5;
	v28 =	vld.idx.msk [tilespmem:v28+s13+$0x0], $0xffff;
	[tilespmem:s20+$0xA0] =	vst v52  }
0x127: {  	s3 =	sadd.s32 $0x200, s5;
	s4 =	sadd.s32 $0x280, s5;
	s8 =	sadd.s32 $0x300, s5;
	v52 =	vor.u32 s9, v0;
	v54 =	vor.u32 s6, v0;
	[tilespmem:s20+$0x30] =	vst v32;
	v57 =	vld.idx.msk [tilespmem:v38+s13+$0x0], $0xffff;
	v38 =	vmin.f32 v53, $1.000000000e+00  }
0x128: {  	s31 =	sadd.s32 $0x380, s5;
	v44 =	vmax.f32 v44, $-1.000000000e+00;
	v53 =	vor.u32 s3, v0;
	v58 =	vor.u32 s4, v0;
	v47 =	vld.idx.msk [tilespmem:v47+s13+$0x0], $0xffff;
	[tilespmem:s20+$0xFFFFFEA0] =	vst v51  }
0x129: {  	v49 =	vmin.f32 v49, $1.000000000e+00;
	v32 =	vor.u32 s24, v3;
	s24 =	smov.u32 s9;
	v51 =	vor.u32 s31, v0;
	[tilespmem:s22+$0xFFFFFEB0] =	vst v38;
	v34 =	vld.idx.msk [tilespmem:v34+s13+$0x0], $0xffff  }
0x12a: {  	v37 =	vmin.f32 v37, $1.000000000e+00;
	v48 =	vmin.f32 v48, $1.000000000e+00;
	v38 =	vor.u32 s7, v0;
	v59 =	vld.idx.msk [tilespmem:v6+s13+$0x0], $0xffff;
	[tilespmem:s22+$0x140] =	vst v49;
	v6 =	vmovc v5;
	v5 =	vmovc v55  }
0x12b: {  	v49 =	vmax.f32 v41, $-1.000000000e+00;
	v41 =	vmin.f32 v45, $1.000000000e+00;
	[tilespmem:s20+$0xFFFFFF10] =	vst v37;
	v37 =	vld.idx.msk [tilespmem:v43+s13+$0x0], $0xffff;
	v43 =	vmax.f32 v50, $-1.000000000e+00  }
0x12c: {  	v42 =	vmax.f32 v42, $-1.000000000e+00;
	v50 =	vor.u32 s0, v3;
	v45 =	vld.idx.msk [tilespmem:v56+s13+$0x0], $0xffff;
	[tilespmem:s20+$0x190] =	vst v48;
	v43 =	vmin.f32 v43, $1.000000000e+00  }
0x12d: {  	v42 =	vmin.f32 v42, $1.000000000e+00;
	v40 =	vmin.f32 v40, $1.000000000e+00;
	v48 =	vld.idx.msk [tilespmem:v17+s13+$0x0], $0xffff;
	[tilespmem:s22+$0xFFFFFFB0] =	vst v43;
	v43 =	vmax.f32 v46, $-1.000000000e+00;
	v17 =	vmovc v35  }
0x12e: {  	v33 =	vmax.f32 v33, $-1.000000000e+00;
	v39 =	vmax.f32 v39, $-1.000000000e+00;
	v35 =	vmax.f32 v47, $-1.000000000e+00;
	[tilespmem:s14+$0x110] =	vst v42;
	v29 =	vld.idx.msk [tilespmem:v29+s13+$0x0], $0xffff  }
0x12f: {  	v46 =	vmax.f32 v28, $-1.000000000e+00;
	v42 =	vmin.f32 v35, $1.000000000e+00;
	v28 =	vmin.f32 v43, $1.000000000e+00;
	[tilespmem:s20+$0x120] =	vst v41;
	v47 =	vld.idx.msk [tilespmem:v10+s13+$0x0], $0xffff;
	v10 =	vmovc v22  }
0x130: {  	v34 =	vmax.f32 v34, $-1.000000000e+00;
	v22 =	vor.u32 s8, v0;
	v54 =	vld.idx.msk [tilespmem:v54+s13+$0x0], $0xffff;
	[tilespmem:s14+$0xFFFFFF00] =	vst v36;
	v36 =	vmin.f32 v39, $1.000000000e+00  }
0x131: {  	v55 =	vor.u32 s26, v2;
	v35 =	vor.u32 s26, v3;
	v56 =	vld.idx.msk [tilespmem:v23+s13+$0x0], $0xffff;
	v23 =	vmin.f32 v34, $1.000000000e+00;
	[tilespmem:s22+$0x1C0] =	vst v28  }
0x132: {  	v39 =	vor.u32 s31, v1;
	v37 =	vmax.f32 v37, $-1.000000000e+00;
	v28 =	vmin.f32 v44, $1.000000000e+00;
	v34 =	vld.idx.msk [tilespmem:v52+s13+$0x0], $0xffff;
	[tilespmem:s22+$0xFFFFFF40] =	vst v23  }
0x133: {  	v23 =	vor.u32 s24, v1;
	v48 =	vmax.f32 v48, $-1.000000000e+00;
	v52 =	vmax.f32 v59, $-1.000000000e+00;
	v44 =	vld.idx.msk [tilespmem:v53+s13+$0x0], $0xffff;
	[tilespmem:s22+$0xC0] =	vst v40  }
0x134: {  	v41 =	vor.u32 s7, v1;
	v53 =	vor.u32 s25, v3;
	v40 =	vld.idx.msk [tilespmem:v58+s13+$0x0], $0xffff;
	[tilespmem:s20+$0xFFFFFE30] =	vst v28;
	v28 =	vmax.f32 v29, $-1.000000000e+00  }
0x135: {  	s14 =	sadd.s32 $0x400, s14;
	v58 =	vor.u32 s0, v4;
	s0 =	smov.u32 s8;
	v51 =	vld.idx.msk [tilespmem:v51+s13+$0x0], $0xffff;
	[tilespmem:s2+$0xFFFFFE10] =	vst v42;
	v42 =	vor.u32 s30, v3;
	v29 =	vmin.f32 v28, $1.000000000e+00  }
0x136: {  	v47 =	vmax.f32 v47, $-1.000000000e+00;
	v28 =	vor.u32 s4, v1;
	v43 =	vld.idx.msk [tilespmem:v30+s13+$0x0], $0xffff;
	v30 =	vmin.f32 v48, $1.000000000e+00;
	[tilespmem:s22+$0xFFFFFFC0] =	vst v29  }
0x137: {  	v48 =	vor.u32 s3, v1;
	v29 =	vmax.f32 v56, $-1.000000000e+00;
	v26 =	vld.idx.msk [tilespmem:v26+s13+$0x0], $0xffff;
	[tilespmem:s20+$0xFFFFFF20] =	vst v30;
	v30 =	vmin.f32 v52, $1.000000000e+00  }
0x138: {  	v37 =	vmin.f32 v37, $1.000000000e+00;
	v47 =	vmin.f32 v47, $1.000000000e+00;
	v29 =	vmin.f32 v29, $1.000000000e+00;
	v52 =	vld.idx.msk [tilespmem:v16+s13+$0x0], $0xffff;
	[tilespmem:s22+$0xFFFFFEC0] =	vst v30;
	v16 =	vmovc v50;
	s22 =	smov.u32 s20;
	s20 =	smov.u32 s2;
	s2 =	smov.u32 s14  }
0x139: {  	v50 =	vmin.f32 v33, $1.000000000e+00;
	v33 =	vmax.f32 v57, $-1.000000000e+00;
	v30 =	vld.idx.msk [tilespmem:v55+s13+$0x0], $0xffff;
	[tilespmem:s20+$0xFFFFFE90] =	vst v29;
	v29 =	vor.u32 s21, v4;
	s21 =	smov.u32 s29;
	s29 =	smov.u32 s7  }
0x13a: {  	v55 =	vmax.f32 v34, $-1.000000000e+00;
	v34 =	vor.u32 s23, v4;
	v33 =	vmin.f32 v33, $1.000000000e+00;
	s23 =	smov.u32 s25;
	s25 =	smov.u32 s6;
	v56 =	vld.idx.msk [tilespmem:v22+s13+$0x0], $0xffff;
	[tilespmem:s22+$0x40] =	vst v37  }
0x13b: {  	v49 =	vmin.f32 v49, $1.000000000e+00;
	v22 =	vor.u32 s31, v2;
	v57 =	vld.idx.msk [tilespmem:v20+s13+$0x0], $0xffff;
	v20 =	vor.u32 s26, v4;
	[tilespmem:s22+$0xB0] =	vst v33;
	s26 =	smov.u32 s5  }
0x13c: {  	v55 =	vmin.f32 v55, $1.000000000e+00;
	v33 =	vmax.f32 v44, $-1.000000000e+00;
	v44 =	vld.idx.msk [tilespmem:v21+s13+$0x0], $0xffff;
	v21 =	vmin.f32 v46, $1.000000000e+00;
	[tilespmem:s22+$0x1A0] =	vst v47  }
0x13d: {  	v46 =	vmax.f32 v54, $-1.000000000e+00;
	v47 =	vor.u32 s29, v2;
	v54 =	vmax.f32 v40, $-1.000000000e+00;
	[tilespmem:s20+$0x90] =	vst v21;
	v59 =	vld.idx.msk [tilespmem:v18+s13+$0x0], $0xffff;
	v18 =	vmovc v53  }
0x13e: {  	v37 =	vmax.f32 v45, $-1.000000000e+00;
	v33 =	vmin.f32 v33, $1.000000000e+00;
	v21 =	vor.u32 s24, v2;
	v45 =	vld.idx.msk [tilespmem:v38+s13+$0x0], $0xffff;
	[tilespmem:s20+$0xFFFFFF90] =	vst v36  }
0x13f: {  	v53 =	vor.u32 s0, v1;
	v36 =	vmin.f32 v37, $1.000000000e+00;
	v37 =	vmax.f32 v26, $-1.000000000e+00;
	[tilespmem:s20+$0x180] =	vst v27;
	v60 =	vld.idx.msk [tilespmem:v11+s13+$0x0], $0xffff;
	v11 =	vmovc v19  }
0x140: {  	v26 =	vor.u32 s25, v1;
	v19 =	vmax.f32 v56, $-1.000000000e+00;
	v27 =	vmax.f32 v52, $-1.000000000e+00;
	[tilespmem:s14+$0x0] =	vst v33;
	v56 =	vld.idx.msk [tilespmem:v24+s13+$0x0], $0xffff  }
0x141: {  	v24 =	vor.u32 s4, v2;
	v19 =	vmin.f32 v19, $1.000000000e+00;
	v27 =	vmin.f32 v27, $1.000000000e+00;
	[tilespmem:s14+$0xFFFFFE00] =	vst v36;
	v48 =	vld.idx.msk [tilespmem:v48+s13+$0x0], $0xffff  }
0x142: {  	v61 =	vor.u32 s3, v2;
	v38 =	vor.u32 s28, v3;
	v36 =	vmin.f32 v46, $1.000000000e+00;
	v40 =	vld.idx.msk [tilespmem:v25+s13+$0x0], $0xffff;
	[tilespmem:s22+$0x130] =	vst v27  }
0x143: {  	v25 =	vmax.f32 v51, $-1.000000000e+00;
	v51 =	vmax.f32 v44, $-1.000000000e+00;
	v44 =	vmax.f32 v59, $-1.000000000e+00;
	v33 =	vld.idx.msk [tilespmem:v15+s13+$0x0], $0xffff;
	[tilespmem:s20+$0x20] =	vst v49;
	v15 =	vmovc v47  }
0x144: {  	v45 =	vmax.f32 v45, $-1.000000000e+00;
	v27 =	vmin.f32 v25, $1.000000000e+00;
	[tilespmem:s14+$0x100] =	vst v19;
	v19 =	vor.u32 s31, v3;
	v46 =	vld.idx.msk [tilespmem:v14+s13+$0x0], $0xffff;
	v14 =	vmovc v58  }
0x145: {  	v30 =	vmax.f32 v30, $-1.000000000e+00;
	v25 =	vmin.f32 v45, $1.000000000e+00;
	v58 =	vmin.f32 v44, $1.000000000e+00;
	[tilespmem:s14+$0xFFFFFE80] =	vst v55;
	v55 =	vld.idx.msk [tilespmem:v12+s13+$0x0], $0xffff;
	v12 =	vmovc v32  }
0x146: {  	v32 =	vor.u32 s29, v3;
	v52 =	vmax.f32 v56, $-1.000000000e+00;
	[tilespmem:s14+$0xFFFFFF80] =	vst v25;
	v59 =	vld.idx.msk [tilespmem:v42+s13+$0x0], $0xffff;
	v25 =	vmax.f32 v60, $-1.000000000e+00  }
0x147: {  	v45 =	vmin.f32 v30, $1.000000000e+00;
	v44 =	vmax.f32 v48, $-1.000000000e+00;
	v42 =	vld.idx.msk [tilespmem:v53+s13+$0x0], $0xffff;
	[tilespmem:s22+$0xFFFFFFA0] =	vst v50;
	v53 =	vmin.f32 v25, $1.000000000e+00  }
.Ltmp1:
0x148: {  	v30 =	vor.u32 s0, v2;
	v25 =	vmin.f32 v44, $1.000000000e+00;
	[tilespmem:s20+$0xFFFFFE20] =	vst v45;
	v48 =	vld.idx.msk [tilespmem:v13+s13+$0x0], $0xffff;
	v45 =	vmax.f32 v57, $-1.000000000e+00;
	v13 =	vmovc v39;
	(pc) =	sbr.rel @p0 .LBB2_4-.Ltmp1, $4  }
0x149: {  	v50 =	vmin.f32 v54, $1.000000000e+00;
	[tilespmem:s14+$0x10] =	vst v25;
	v44 =	vld.idx.msk [tilespmem:v35+s13+$0x0], $0xffff;
	v25 =	vor.u32 s28, v4;
	v54 =	vmin.f32 v45, $1.000000000e+00;
	s28 =	smov.u32 s4  }
0x14a: {  	v47 =	vor.u32 s26, v1;
	v45 =	vmax.f32 v43, $-1.000000000e+00;
	v49 =	vmax.f32 v46, $-1.000000000e+00;
	v39 =	vld.idx.msk [tilespmem:v41+s13+$0x0], $0xffff;
	[tilespmem:s22+$0x1B0] =	vst v53  }
0x14b: {  	v52 =	vmin.f32 v52, $1.000000000e+00;
	v35 =	vor.u32 s25, v2;
	v43 =	vor.u32 s30, v4;
	s30 =	smov.u32 s3;
	[tilespmem:s22+$0xFFFFFE40] =	vst v54;
	v46 =	vld.idx.msk [tilespmem:v9+s13+$0x0], $0xffff;
	v9 =	vmovc v31  }
0x14c: {  	v51 =	vmin.f32 v51, $1.000000000e+00;
	v53 =	vmax.f32 v55, $-1.000000000e+00;
	v54 =	vmax.f32 v59, $-1.000000000e+00;
	v41 =	vld.idx.msk [tilespmem:v61+s13+$0x0], $0xffff;
	[tilespmem:s22+$0xFFFFFF30] =	vst v58  }
0x14d: {  	_ = 	snop  }
0x14e: {  	[tilespmem:s14+$0x80] =	vst v50  }
0x14f: {  	[tilespmem:s20+$0xA0] =	vst v52  }
0x150: {  	[tilespmem:s20+$0xFFFFFEA0] =	vst v51  }
0x151: {  	v8 =	vld.idx.msk [tilespmem:v8+s13+$0x0], $0xffff;
	[tilespmem:s14+$0xFFFFFF00] =	vst v36  }
0x152: {  	v31 =	vmin.f32 v54, $1.000000000e+00;
	[tilespmem:s2+$0x180] =	vst v27  }
0x153: {  	v37 =	vmin.f32 v37, $1.000000000e+00;
	[tilespmem:s20+$0x30] =	vst v31  }
0x154: {  	v62 =	vmin.f32 v45, $1.000000000e+00;
	[tilespmem:s20+$0xFFFFFF10] =	vst v37  }
0x155: {  	v31 =	vmin.f32 v53, $1.000000000e+00;
	[tilespmem:s20+$0x120] =	vst v62  }
0x156: {  	v23 =	vld.idx.msk [tilespmem:v23+s13+$0x0], $0xffff;
	[tilespmem:s22+$0xFFFFFEB0] =	vst v31;
	v31 =	vmin.f32 v49, $1.000000000e+00;
	v8 =	vmax.f32 v8, $-1.000000000e+00  }
0x157: {  	v48 =	vmax.f32 v48, $-1.000000000e+00;
	[tilespmem:s22+$0x140] =	vst v31;
	v31 =	vld.idx.msk [tilespmem:v34+s13+$0x0], $0xffff;
	v8 =	vmin.f32 v8, $1.000000000e+00  }
0x158: {  	v60 =	vmax.f32 v42, $-1.000000000e+00;
	v59 =	vmin.f32 v48, $1.000000000e+00;
	[tilespmem:s22+$0xFFFFFFB0] =	vst v8;
	v8 =	vld.idx.msk [tilespmem:v47+s13+$0x0], $0xffff  }
0x159: {  	v61 =	vmin.f32 v60, $1.000000000e+00;
	[tilespmem:s20+$0x190] =	vst v59;
	v63 =	vmax.f32 v46, $-1.000000000e+00;
	v29 =	vld.idx.msk [tilespmem:v29+s13+$0x0], $0xffff  }
0x15a: {  	v45 =	vmax.f32 v44, $-1.000000000e+00;
	v12 =	vld.idx.msk [tilespmem:v12+s13+$0x0], $0xffff;
	[tilespmem:s14+$0x110] =	vst v61;
	v34 =	vmin.f32 v63, $1.000000000e+00  }
0x15b: {  	v17 =	vld.idx.msk [tilespmem:v17+s13+$0x0], $0xffff;
	[tilespmem:s22+$0x1C0] =	vst v34;
	v34 =	vmin.f32 v45, $1.000000000e+00;
	v23 =	vmax.f32 v23, $-1.000000000e+00  }
0x15c: {  	v6 =	vld.idx.msk [tilespmem:v6+s13+$0x0], $0xffff;
	[tilespmem:s20+$0xFFFFFE30] =	vst v34;
	v23 =	vmin.f32 v23, $1.000000000e+00;
	v31 =	vmax.f32 v31, $-1.000000000e+00  }
0x15d: {  	v10 =	vld.idx.msk [tilespmem:v10+s13+$0x0], $0xffff;
	[tilespmem:s2+$0xFFFFFE90] =	vst v23;
	v31 =	vmin.f32 v31, $1.000000000e+00;
	v8 =	vmax.f32 v8, $-1.000000000e+00  }
0x15e: {  	[tilespmem:s22+$0xFFFFFF40] =	vst v31;
	v31 =	vld.idx.msk [tilespmem:v43+s13+$0x0], $0xffff;
	v8 =	vmin.f32 v8, $1.000000000e+00;
	v29 =	vmax.f32 v29, $-1.000000000e+00  }
0x15f: {  	v46 =	vld.idx.msk [tilespmem:v38+s13+$0x0], $0xffff;
	v12 =	vmax.f32 v12, $-1.000000000e+00;
	[tilespmem:s2+$0xFFFFFE10] =	vst v8;
	v8 =	vmin.f32 v29, $1.000000000e+00  }
0x160: {  	v28 =	vld.idx.msk [tilespmem:v28+s13+$0x0], $0xffff;
	v17 =	vmax.f32 v17, $-1.000000000e+00;
	v12 =	vmin.f32 v12, $1.000000000e+00;
	[tilespmem:s22+$0xFFFFFFC0] =	vst v8;
	v8 =	vor.u32 s26, v2  }
0x161: {  	v6 =	vmax.f32 v6, $-1.000000000e+00;
	v17 =	vmin.f32 v17, $1.000000000e+00;
	[tilespmem:s20+$0xFFFFFEB0] =	vst v12  }
0x162: {  	v10 =	vmax.f32 v10, $-1.000000000e+00;
	[tilespmem:s20+$0xFFFFFF20] =	vst v17;
	v6 =	vmin.f32 v6, $1.000000000e+00  }
0x163: {  	v16 =	vld.idx.msk [tilespmem:v16+s13+$0x0], $0xffff;
	v10 =	vmin.f32 v10, $1.000000000e+00;
	[tilespmem:s22+$0xFFFFFEC0] =	vst v6;
	v17 =	vmax.f32 v31, $-1.000000000e+00  }
0x164: {  	[tilespmem:s20+$0x1A0] =	vst v10;
	v6 =	vmin.f32 v17, $1.000000000e+00;
	v17 =	vmax.f32 v46, $-1.000000000e+00  }
0x165: {  	v23 =	vor.u32 s30, v3;
	[tilespmem:s20+$0x40] =	vst v6;
	v6 =	vmin.f32 v17, $1.000000000e+00;
	v17 =	vmax.f32 v28, $-1.000000000e+00;
	v8 =	vld.idx.msk [tilespmem:v8+s13+$0x0], $0xffff  }
0x166: {  	v10 =	vld.idx.msk [tilespmem:v11+s13+$0x0], $0xffff;
	[tilespmem:s20+$0xB0] =	vst v6;
	v6 =	vmax.f32 v39, $-1.000000000e+00;
	v17 =	vmin.f32 v17, $1.000000000e+00  }
0x167: {  	v11 =	vmax.f32 v41, $-1.000000000e+00;
	v6 =	vmin.f32 v6, $1.000000000e+00;
	[tilespmem:s2+$0x90] =	vst v17;
	v17 =	vld.idx.msk [tilespmem:v20+s13+$0x0], $0xffff  }
0x168: {  	v16 =	vmax.f32 v16, $-1.000000000e+00;
	[tilespmem:s2+$0xFFFFFF90] =	vst v6;
	v6 =	vmin.f32 v11, $1.000000000e+00;
	v11 =	vld.idx.msk [tilespmem:v18+s13+$0x0], $0xffff  }
0x169: {  	v16 =	vmin.f32 v16, $1.000000000e+00;
	v18 =	vmax.f32 v33, $-1.000000000e+00;
	v20 =	vld.idx.msk [tilespmem:v24+s13+$0x0], $0xffff;
	[tilespmem:s2+$0x20] =	vst v6  }
0x16a: {  	[tilespmem:s20+$0x130] =	vst v16;
	v6 =	vmin.f32 v18, $1.000000000e+00;
	v16 =	vld.idx.msk [tilespmem:v23+s13+$0x0], $0xffff;
	v8 =	vmax.f32 v8, $-1.000000000e+00  }
0x16b: {  	v10 =	vmax.f32 v10, $-1.000000000e+00;
	v18 =	vld.idx.msk [tilespmem:v21+s13+$0x0], $0xffff;
	[tilespmem:s20+$0xFFFFFFA0] =	vst v6;
	v8 =	vmin.f32 v8, $1.000000000e+00  }
0x16c: {  	v6 =	vmin.f32 v10, $1.000000000e+00;
	v10 =	vmax.f32 v17, $-1.000000000e+00;
	[tilespmem:s2+$0xFFFFFE20] =	vst v8;
	v8 =	vld.idx.msk [tilespmem:v13+s13+$0x0], $0xffff  }
0x16d: {  	[tilespmem:s20+$0x1B0] =	vst v6;
	v11 =	vmax.f32 v11, $-1.000000000e+00;
	v10 =	vmin.f32 v10, $1.000000000e+00;
	v13 =	vld.idx.msk [tilespmem:v26+s13+$0x0], $0xffff  }
0x16e: {  	v6 =	vor.u32 s23, v4;
	v7 =	vld.idx.msk [tilespmem:v7+s13+$0x0], $0xffff;
	v17 =	vmax.f32 v20, $-1.000000000e+00;
	v11 =	vmin.f32 v11, $1.000000000e+00;
	[tilespmem:s20+$0xFFFFFE40] =	vst v10  }
0x16f: {  	v10 =	vld.idx.msk [tilespmem:v14+s13+$0x0], $0xffff;
	v14 =	vmin.f32 v17, $1.000000000e+00;
	v16 =	vmax.f32 v16, $-1.000000000e+00;
	[tilespmem:s20+$0xFFFFFF30] =	vst v11  }
0x170: {  	v11 =	vmax.f32 v18, $-1.000000000e+00;
	[tilespmem:s2+$0xA0] =	vst v14;
	v16 =	vmin.f32 v16, $1.000000000e+00  }
0x171: {  	v9 =	vld.idx.msk [tilespmem:v9+s13+$0x0], $0xffff;
	v11 =	vmin.f32 v11, $1.000000000e+00;
	[tilespmem:s2+$0x30] =	vst v16;
	v8 =	vmax.f32 v8, $-1.000000000e+00  }
0x172: {  	v14 =	vld.idx.msk [tilespmem:v30+s13+$0x0], $0xffff;
	[tilespmem:s2+$0xFFFFFEA0] =	vst v11;
	v13 =	vmax.f32 v13, $-1.000000000e+00;
	v8 =	vmin.f32 v8, $1.000000000e+00  }
0x173: {  	v6 =	vld.idx.msk [tilespmem:v6+s13+$0x0], $0xffff;
	v7 =	vmax.f32 v7, $-1.000000000e+00;
	v11 =	vor.u32 s26, v3;
	v13 =	vmin.f32 v13, $1.000000000e+00;
	[tilespmem:s2+$0x190] =	vst v8  }
0x174: {  	v7 =	vmin.f32 v7, $1.000000000e+00;
	v10 =	vmax.f32 v10, $-1.000000000e+00;
	v8 =	vor.u32 s21, v4;
	[tilespmem:s2+$0xFFFFFF10] =	vst v13;
	v13 =	vld.idx.msk [tilespmem:v22+s13+$0x0], $0xffff  }
0x175: {  	v42 =	vmax.f32 v40, $-1.000000000e+00;
	[tilespmem:s20+$0xFFFFFFB0] =	vst v7;
	v10 =	vmin.f32 v10, $1.000000000e+00;
	v12 =	vld.idx.msk [tilespmem:v35+s13+$0x0], $0xffff  }
0x176: {  	v36 =	vmin.f32 v42, $1.000000000e+00;
	v16 =	vor.u32 s0, v3;
	v7 =	vmax.f32 v9, $-1.000000000e+00;
	[tilespmem:s20+$0x140] =	vst v10;
	v10 =	vld.idx.msk [tilespmem:v15+s13+$0x0], $0xffff  }
0x177: {  	[tilespmem:s22+$0xC0] =	vst v36;
	v17 =	vld.idx.msk [tilespmem:v25+s13+$0x0], $0xffff;
	v7 =	vmin.f32 v7, $1.000000000e+00;
	v14 =	vmax.f32 v14, $-1.000000000e+00  }
0x178: {  	v9 =	vor.u32 s25, v3;
	[tilespmem:s20+$0x1C0] =	vst v7;
	v14 =	vmin.f32 v14, $1.000000000e+00;
	v6 =	vmax.f32 v6, $-1.000000000e+00;
	v11 =	vld.idx.msk [tilespmem:v11+s13+$0x0], $0xffff  }
0x179: {  	[tilespmem:s2+$0x120] =	vst v14;
	v14 =	vor.u32 s28, v3;
	v6 =	vmin.f32 v6, $1.000000000e+00;
	v8 =	vld.idx.msk [tilespmem:v8+s13+$0x0], $0xffff;
	v7 =	vmax.f32 v13, $-1.000000000e+00  }
0x17a: {  	v5 =	vld.idx.msk [tilespmem:v5+s13+$0x0], $0xffff;
	[tilespmem:s20+$0xFFFFFF40] =	vst v6;
	v6 =	vmax.f32 v12, $-1.000000000e+00;
	v7 =	vmin.f32 v7, $1.000000000e+00  }
0x17b: {  	v15 =	vld.idx.msk [tilespmem:v16+s13+$0x0], $0xffff;
	v10 =	vmax.f32 v10, $-1.000000000e+00;
	v12 =	vor.u32 s24, v3;
	v6 =	vmin.f32 v6, $1.000000000e+00;
	[tilespmem:s2+$0x1A0] =	vst v7  }
0x17c: {  	v10 =	vmin.f32 v10, $1.000000000e+00;
	v13 =	vmax.f32 v17, $-1.000000000e+00;
	v7 =	vor.u32 s30, v4;
	[tilespmem:s2+$0xFFFFFF20] =	vst v6;
	v6 =	vld.idx.msk [tilespmem:v19+s13+$0x0], $0xffff  }
0x17d: {  	v16 =	vor.u32 s26, v4;
	v11 =	vmax.f32 v11, $-1.000000000e+00;
	[tilespmem:s2+$0xFFFFFFA0] =	vst v10;
	v13 =	vmin.f32 v13, $1.000000000e+00;
	v9 =	vld.idx.msk [tilespmem:v9+s13+$0x0], $0xffff  }
0x17e: {  	v14 =	vld.idx.msk [tilespmem:v14+s13+$0x0], $0xffff;
	v11 =	vmin.f32 v11, $1.000000000e+00;
	[tilespmem:s20+$0xC0] =	vst v13;
	v13 =	vor.u32 s0, v4;
	v8 =	vmax.f32 v8, $-1.000000000e+00  }
0x17f: {  	v5 =	vmax.f32 v5, $-1.000000000e+00;
	v10 =	vor.u32 s31, v4;
	[tilespmem:s2+$0xFFFFFE30] =	vst v11;
	v11 =	vld.idx.msk [tilespmem:v32+s13+$0x0], $0xffff;
	v8 =	vmin.f32 v8, $1.000000000e+00  }
0x180: {  	v5 =	vmin.f32 v5, $1.000000000e+00;
	v15 =	vmax.f32 v15, $-1.000000000e+00;
	v12 =	vld.idx.msk [tilespmem:v12+s13+$0x0], $0xffff;
	[tilespmem:s20+$0xFFFFFFC0] =	vst v8;
	v8 =	vor.u32 s25, v4  }
0x181: {  	[tilespmem:s20+$0xFFFFFEC0] =	vst v5;
	v17 =	vor.u32 s28, v4;
	v5 =	vmin.f32 v15, $1.000000000e+00;
	v7 =	vld.idx.msk [tilespmem:v7+s13+$0x0], $0xffff;
	v6 =	vmax.f32 v6, $-1.000000000e+00  }
0x182: {  	v15 =	vor.u32 s29, v4;
	v16 =	vld.idx.msk [tilespmem:v16+s13+$0x0], $0xffff;
	[tilespmem:s2+$0x130] =	vst v5;
	v5 =	vmax.f32 v9, $-1.000000000e+00;
	v6 =	vmin.f32 v6, $1.000000000e+00  }
0x183: {  	v14 =	vmax.f32 v14, $-1.000000000e+00;
	v13 =	vld.idx.msk [tilespmem:v13+s13+$0x0], $0xffff;
	v9 =	vor.u32 s24, v4;
	v5 =	vmin.f32 v5, $1.000000000e+00;
	[tilespmem:s2+$0x1B0] =	vst v6  }
0x184: {  	v6 =	vmin.f32 v14, $1.000000000e+00;
	[tilespmem:s2+$0xFFFFFF30] =	vst v5;
	v5 =	vmax.f32 v11, $-1.000000000e+00;
	v10 =	vld.idx.msk [tilespmem:v10+s13+$0x0], $0xffff  }
0x185: {  	[tilespmem:s2+$0xB0] =	vst v6;
	v6 =	vmax.f32 v12, $-1.000000000e+00;
	v8 =	vld.idx.msk [tilespmem:v8+s13+$0x0], $0xffff;
	v5 =	vmin.f32 v5, $1.000000000e+00  }
0x186: {  	v7 =	vmax.f32 v7, $-1.000000000e+00;
	v11 =	vld.idx.msk [tilespmem:v17+s13+$0x0], $0xffff;
	v6 =	vmin.f32 v6, $1.000000000e+00;
	[tilespmem:s2+$0xFFFFFFB0] =	vst v5  }
0x187: {  	v5 =	vmin.f32 v7, $1.000000000e+00;
	v7 =	vmax.f32 v16, $-1.000000000e+00;
	[tilespmem:s2+$0xFFFFFEB0] =	vst v6;
	v6 =	vld.idx.msk [tilespmem:v15+s13+$0x0], $0xffff  }
0x188: {  	[tilespmem:s2+$0x40] =	vst v5;
	v5 =	vmin.f32 v7, $1.000000000e+00;
	v7 =	vmax.f32 v13, $-1.000000000e+00;
	v9 =	vld.idx.msk [tilespmem:v9+s13+$0x0], $0xffff  }
0x189: {  	[tilespmem:s2+$0xFFFFFE40] =	vst v5;
	v5 =	vmin.f32 v7, $1.000000000e+00;
	v7 =	vmax.f32 v10, $-1.000000000e+00  }
0x18a: {  	[tilespmem:s2+$0x140] =	vst v5;
	v5 =	vmin.f32 v7, $1.000000000e+00;
	v7 =	vmax.f32 v8, $-1.000000000e+00  }
0x18b: {  	v8 =	vmax.f32 v11, $-1.000000000e+00;
	v7 =	vmin.f32 v7, $1.000000000e+00;
	[tilespmem:s2+$0x1C0] =	vst v5  }
0x18c: {  	v5 =	vmin.f32 v8, $1.000000000e+00;
	v6 =	vmax.f32 v6, $-1.000000000e+00;
	[tilespmem:s2+$0xFFFFFF40] =	vst v7  }
0x18d: {  	v7 =	vmax.f32 v9, $-1.000000000e+00;
	[tilespmem:s2+$0xC0] =	vst v5;
	v5 =	vmin.f32 v6, $1.000000000e+00  }
0x18e: {  	[tilespmem:s2+$0xFFFFFFC0] =	vst v5;
	v5 =	vmin.f32 v7, $1.000000000e+00  }
0x18f: {  	[tilespmem:s2+$0xFFFFFEC0] =	vst v5  }
0x190: {  	s3 =	simm.s32 $0xC000;
	s23 =	simm.s32 $0x0;
	s2 =	rddreg [dreg:$0x6]  }
0x191: {  	[hbm4b:s2+s23] =	stream.linear.scatter [tilespmem:s3], [sflag:$0x4], $0x4000, $0x38;
	[tilespmem:$0x10000] =	vst v63  }
0x192: {  	_ =	swait.ge [sflag:s12], $0x4000  }
0x193: {  	s6 =	simm.s32 $0x0;
	s14 =	simm.s32 $0x200;
	[sflag:s12] =	ssyncset.done $0x0  }
0x194: {  	s7 =	simm.s32 $0x80;
	v5 =	vor.u32 s14, v0;
	s24 =	rddreg [dreg:$0x7];
	[sflag:s12] =	ssyncadd.s32 $0xFFFFC000  }
0x195: {  	v6 =	vor.u32 s6, v0;
	[tilespmem:s13], [sflag:$0x2] =	stream.linear.gather [hbm4b:s24+s23], $0x4000, $0x38;
	[tilespmem:$0x10000] =	vst v63  }
0x196: {  	s9 =	simm.s32 $0x700;
	s26 =	simm.s32 $0x300;
	v7 =	vor.u32 s7, v0;
	_ =	swait.ge [sflag:s17], $0x4000  }
0x197: {  	v54 =	vor.u32 s9, v0;
	s0 =	simm.s32 $0x100;
	v10 =	vor.u32 s26, v0;
	[sflag:s17] =	ssyncset.done $0x0  }
0x198: {  	s4 =	simm.s32 $0x180;
	s16 =	simm.s32 $0x680;
	v55 =	vor.u32 s6, v2;
	v56 =	vor.u32 s6, v3;
	v8 =	vor.u32 s0, v0;
	[sflag:s17] =	ssyncadd.s32 $0xFFFFC000  }
0x199: {  	v53 =	vor.u32 s16, v1;
	v51 =	vor.u32 s14, v3;
	s25 =	simm.s32 $0x280;
	v11 =	vor.u32 s4, v0;
	v5 =	vld.idx.msk [tilespmem:v5+s1+$0x0], $0xffff  }
0x19a: {  	s8 =	simm.s32 $0x380;
	v31 =	vor.u32 s16, v0;
	v33 =	vor.u32 s16, v2;
	v9 =	vor.u32 s25, v0;
	v6 =	vld.idx.msk [tilespmem:v6+s1+$0x0], $0xffff  }
0x19b: {  	v21 =	vor.u32 s6, v1;
	v23 =	vor.u32 s7, v2;
	v13 =	vor.u32 s8, v0;
	s2 =	simm.s32 $0x600;
	v7 =	vld.idx.msk [tilespmem:v7+s1+$0x0], $0xffff  }
0x19c: {  	v20 =	vor.u32 s14, v2;
	v25 =	vor.u32 s7, v3;
	s21 =	simm.s32 $0x580;
	v28 =	vor.u32 s2, v0;
	v10 =	vld.idx.msk [tilespmem:v10+s1+$0x0], $0xffff  }
0x19d: {  	v22 =	vor.u32 s4, v2;
	v57 =	vor.u32 s21, v1;
	v18 =	vor.u32 s26, v1;
	s23 =	simm.s32 $0x500;
	v8 =	vld.idx.msk [tilespmem:v8+s1+$0x0], $0xffff  }
0x19e: {  	v30 =	vor.u32 s26, v2;
	v32 =	vor.u32 s8, v4;
	v27 =	vor.u32 s23, v0;
	v11 =	vld.idx.msk [tilespmem:v11+s1+$0x0], $0xffff  }
0x19f: {  	v19 =	vor.u32 s8, v3;
	v26 =	vor.u32 s25, v2;
	v12 =	vor.u32 s14, v1;
	v9 =	vld.idx.msk [tilespmem:v9+s1+$0x0], $0xffff  }
0x1a0: {  	v39 =	vor.u32 s25, v4;
	v17 =	vor.u32 s25, v1;
	v13 =	vld.idx.msk [tilespmem:v13+s1+$0x0], $0xffff;
	v5 =	vmax.f32 v5, $-1.000000000e+00  }
0x1a1: {  	s22 =	simm.s32 $0x8200;
	v16 =	vor.u32 s7, v1;
	v28 =	vld.idx.msk [tilespmem:v28+s1+$0x0], $0xffff;
	v10 =	vmax.f32 v10, $-1.000000000e+00;
	v14 =	vmin.f32 v5, $1.000000000e+00  }
0x1a2: {  	v15 =	vor.u32 s4, v1;
	v50 =	vld.idx.msk [tilespmem:v31+s1+$0x0], $0xffff;
	v6 =	vmax.f32 v6, $-1.000000000e+00;
	v10 =	vmin.f32 v10, $1.000000000e+00;
	[tilespmem:s22+$0x0] =	vst v14  }
0x1a3: {  	v27 =	vld.idx.msk [tilespmem:v27+s1+$0x0], $0xffff;
	v7 =	vmax.f32 v7, $-1.000000000e+00;
	v11 =	vmax.f32 v11, $-1.000000000e+00;
	v6 =	vmin.f32 v6, $1.000000000e+00;
	[tilespmem:s22+$0x100] =	vst v10  }
0x1a4: {  	s3 =	simm.s32 $0x400;
	v8 =	vmax.f32 v8, $-1.000000000e+00;
	v7 =	vmin.f32 v7, $1.000000000e+00;
	v10 =	vmin.f32 v11, $1.000000000e+00;
	[tilespmem:s22+$0xFFFFFE00] =	vst v6;
	v12 =	vld.idx.msk [tilespmem:v12+s1+$0x0], $0xffff  }
0x1a5: {  	v24 =	vmin.f32 v8, $1.000000000e+00;
	v8 =	vmax.f32 v13, $-1.000000000e+00;
	v13 =	vor.u32 s3, v0;
	[tilespmem:s22+$0xFFFFFF80] =	vst v10;
	v10 =	vld.idx.msk [tilespmem:v18+s1+$0x0], $0xffff  }
0x1a6: {  	s5 =	simm.s32 $0x480;
	v9 =	vmax.f32 v9, $-1.000000000e+00;
	v5 =	vor.u32 s8, v1;
	[tilespmem:s22+$0xFFFFFE80] =	vst v7;
	v7 =	vor.u32 s21, v0;
	v18 =	vld.idx.msk [tilespmem:v21+s1+$0x0], $0xffff  }
0x1a7: {  	v14 =	vor.u32 s8, v2;
	v6 =	vmin.f32 v9, $1.000000000e+00;
	s8 =	simm.s32 $0x780;
	v21 =	vor.u32 s5, v0;
	v16 =	vld.idx.msk [tilespmem:v16+s1+$0x0], $0xffff  }
0x1a8: {  	v61 =	vor.u32 s2, v1;
	v37 =	vld.idx.msk [tilespmem:v54+s1+$0x0], $0xffff;
	[tilespmem:s22+$0x80] =	vst v6;
	v47 =	vor.u32 s8, v0  }
0x1a9: {  	v31 =	vor.u32 s26, v4;
	v54 =	vor.u32 s25, v3;
	v41 =	vmax.f32 v50, $-1.000000000e+00;
	v17 =	vld.idx.msk [tilespmem:v17+s1+$0x0], $0xffff  }
0x1aa: {  	v29 =	vmin.f32 v8, $1.000000000e+00;
	v8 =	vor.u32 s4, v3;
	[tilespmem:s22+$0xFFFFFF00] =	vst v24;
	v24 =	vor.u32 s6, v4;
	v13 =	vld.idx.msk [tilespmem:v13+s1+$0x0], $0xffff  }
0x1ab: {  	v62 =	vmax.f32 v27, $-1.000000000e+00;
	v27 =	vor.u32 s5, v2;
	v7 =	vld.idx.msk [tilespmem:v7+s1+$0x0], $0xffff;
	v11 =	vmax.f32 v12, $-1.000000000e+00  }
0x1ac: {  	v6 =	vor.u32 s7, v4;
	[tilespmem:s22+$0x180] =	vst v29;
	v49 =	vld.idx.msk [tilespmem:v21+s1+$0x0], $0xffff;
	v16 =	vmax.f32 v16, $-1.000000000e+00;
	v11 =	vmin.f32 v11, $1.000000000e+00  }
0x1ad: {  	v12 =	vor.u32 s0, v1;
	v10 =	vmax.f32 v10, $-1.000000000e+00;
	v52 =	vld.idx.msk [tilespmem:v47+s1+$0x0], $0xffff;
	v16 =	vmin.f32 v16, $1.000000000e+00;
	[tilespmem:s22+$0x10] =	vst v11  }
0x1ae: {  	v35 =	vor.u32 s8, v1;
	v48 =	vmin.f32 v10, $1.000000000e+00;
	v10 =	vmax.f32 v18, $-1.000000000e+00;
	v11 =	vld.idx.msk [tilespmem:v15+s1+$0x0], $0xffff;
	[tilespmem:s22+$0xFFFFFE90] =	vst v16  }
0x1af: {  	v47 =	vor.u32 s23, v1;
	v17 =	vmax.f32 v17, $-1.000000000e+00;
	v10 =	vmin.f32 v10, $1.000000000e+00;
	[tilespmem:s22+$0x110] =	vst v48;
	v9 =	vld.idx.msk [tilespmem:v20+s1+$0x0], $0xffff  }
0x1b0: {  	v21 =	vor.u32 s0, v3;
	v16 =	vmax.f32 v28, $-1.000000000e+00;
	v17 =	vmin.f32 v17, $1.000000000e+00;
	[tilespmem:s22+$0xFFFFFE10] =	vst v10;
	v23 =	vld.idx.msk [tilespmem:v23+s1+$0x0], $0xffff  }
0x1b1: {  	s20 =	simm.s32 $0x8600;
	v18 =	vor.u32 s5, v1;
	[tilespmem:s22+$0x90] =	vst v17;
	v16 =	vmin.f32 v16, $1.000000000e+00;
	v38 =	vld.idx.msk [tilespmem:v55+s1+$0x0], $0xffff;
	v55 =	vor.u32 s3, v1  }
0x1b2: {  	[tilespmem:s20+$0x0] =	vst v16;
	v16 =	vmax.f32 v37, $-1.000000000e+00;
	v37 =	vmin.f32 v62, $1.000000000e+00;
	v7 =	vmax.f32 v7, $-1.000000000e+00;
	v12 =	vld.idx.msk [tilespmem:v12+s1+$0x0], $0xffff  }
0x1b3: {  	v15 =	vor.u32 s0, v2;
	v13 =	vmax.f32 v13, $-1.000000000e+00;
	v30 =	vld.idx.msk [tilespmem:v30+s1+$0x0], $0xffff;
	v29 =	vmin.f32 v7, $1.000000000e+00;
	[tilespmem:s20+$0xFFFFFF00] =	vst v37  }
0x1b4: {  	v28 =	vor.u32 s21, v2;
	v20 =	vor.u32 s26, v3;
	v13 =	vmin.f32 v13, $1.000000000e+00;
	[tilespmem:s20+$0xFFFFFF80] =	vst v29;
	v47 =	vld.idx.msk [tilespmem:v47+s1+$0x0], $0xffff  }
0x1b5: {  	v10 =	vor.u32 s8, v2;
	v17 =	vor.u32 s9, v1;
	v36 =	vmax.f32 v49, $-1.000000000e+00;
	[tilespmem:s20+$0xFFFFFE00] =	vst v13;
	v40 =	vld.idx.msk [tilespmem:v57+s1+$0x0], $0xffff  }
0x1b6: {  	v58 =	vmax.f32 v52, $-1.000000000e+00;
	v7 =	vor.u32 s21, v3;
	v11 =	vmax.f32 v11, $-1.000000000e+00;
	v48 =	vld.idx.msk [tilespmem:v55+s1+$0x0], $0xffff  }
0x1b7: {  	v9 =	vmax.f32 v9, $-1.000000000e+00;
	v11 =	vmin.f32 v11, $1.000000000e+00;
	v63 =	vmax.f32 v12, $-1.000000000e+00;
	v12 =	vld.idx.msk [tilespmem:v26+s1+$0x0], $0xffff  }
0x1b8: {  	s25 =	simm.s32 $0x900;
	v36 =	vmin.f32 v36, $1.000000000e+00;
	v34 =	vmin.f32 v58, $1.000000000e+00;
	v9 =	vmin.f32 v9, $1.000000000e+00;
	[tilespmem:s22+$0xFFFFFF90] =	vst v11;
	v26 =	vld.idx.msk [tilespmem:v61+s1+$0x0], $0xffff  }
0x1b9: {  	v11 =	vmin.f32 v16, $1.000000000e+00;
	v22 =	vld.idx.msk [tilespmem:v22+s1+$0x0], $0xffff;
	[tilespmem:s22+$0x20] =	vst v9;
	v9 =	vmax.f32 v38, $-1.000000000e+00;
	v61 =	vor.u32 s25, v0  }
0x1ba: {  	s30 =	simm.s32 $0xA00;
	v29 =	vor.u32 s9, v2;
	v23 =	vmax.f32 v23, $-1.000000000e+00;
	[tilespmem:s20+$0x100] =	vst v11;
	v59 =	vld.idx.msk [tilespmem:v51+s1+$0x0], $0xffff;
	v9 =	vmin.f32 v9, $1.000000000e+00  }
0x1bb: {  	s28 =	simm.s32 $0x980;
	v30 =	vmax.f32 v30, $-1.000000000e+00;
	v16 =	vor.u32 s2, v2;
	v42 =	vld.idx.msk [tilespmem:v17+s1+$0x0], $0xffff;
	v51 =	vor.u32 s30, v0;
	[tilespmem:s22+$0xFFFFFE20] =	vst v9  }
0x1bc: {  	s24 =	simm.s32 $0x880;
	v23 =	vmin.f32 v23, $1.000000000e+00;
	v55 =	vor.u32 s28, v0;
	v11 =	vor.u32 s8, v3;
	v60 =	vld.idx.msk [tilespmem:v56+s1+$0x0], $0xffff  }
0x1bd: {  	[tilespmem:s22+$0xFFFFFEA0] =	vst v23;
	v23 =	vor.u32 s24, v1;
	v40 =	vmax.f32 v40, $-1.000000000e+00;
	v17 =	vmax.f32 v26, $-1.000000000e+00;
	v26 =	vld.idx.msk [tilespmem:v5+s1+$0x0], $0xffff  }
0x1be: {  	[tilespmem:s20+$0xFFFFFE80] =	vst v36;
	v56 =	vor.u32 s14, v4;
	v40 =	vmin.f32 v40, $1.000000000e+00;
	v48 =	vmax.f32 v48, $-1.000000000e+00;
	v49 =	vld.idx.msk [tilespmem:v61+s1+$0x0], $0xffff  }
0x1bf: {  	v12 =	vmax.f32 v12, $-1.000000000e+00;
	v61 =	vld.idx.msk [tilespmem:v18+s1+$0x0], $0xffff;
	v22 =	vmax.f32 v22, $-1.000000000e+00;
	v5 =	vmin.f32 v17, $1.000000000e+00  }
0x1c0: {  	v18 =	vor.u32 s23, v3;
	v9 =	vmin.f32 v12, $1.000000000e+00;
	v17 =	vor.u32 s23, v2;
	v51 =	vld.idx.msk [tilespmem:v51+s1+$0x0], $0xffff;
	[tilespmem:s20+$0x10] =	vst v5  }
0x1c1: {  	s26 =	simm.s32 $0x800;
	v12 =	vmax.f32 v59, $-1.000000000e+00;
	v59 =	vor.u32 s24, v0;
	v5 =	vmin.f32 v41, $1.000000000e+00;
	[tilespmem:s22+$0xA0] =	vst v9;
	v57 =	vld.idx.msk [tilespmem:v16+s1+$0x0], $0xffff  }
0x1c2: {  	v9 =	vor.u32 s8, v4;
	v12 =	vmin.f32 v12, $1.000000000e+00;
	[tilespmem:s20+$0x80] =	vst v5;
	v16 =	vor.u32 s26, v0;
	v44 =	vld.idx.msk [tilespmem:v54+s1+$0x0], $0xffff  }
0x1c3: {  	s31 =	simm.s32 $0xB80;
	v5 =	vor.u32 s5, v4;
	[tilespmem:s22+$0x30] =	vst v12;
	v43 =	vmax.f32 v60, $-1.000000000e+00;
	v60 =	vmin.f32 v30, $1.000000000e+00;
	v58 =	vld.idx.msk [tilespmem:v53+s1+$0x0], $0xffff  }
0x1c4: {  	v48 =	vmin.f32 v48, $1.000000000e+00;
	v54 =	vor.u32 s31, v0;
	v30 =	vor.u32 s0, v4;
	s0 =	simm.s32 $0xB00;
	v41 =	vld.idx.msk [tilespmem:v56+s1+$0x0], $0xffff;
	[tilespmem:s22+$0x120] =	vst v60  }
0x1c5: {  	s29 =	simm.s32 $0xA80;
	v56 =	vor.u32 s0, v0;
	v13 =	vmax.f32 v26, $-1.000000000e+00;
	v26 =	vmin.f32 v63, $1.000000000e+00;
	v60 =	vld.idx.msk [tilespmem:v20+s1+$0x0], $0xffff  }
0x1c6: {  	v12 =	vor.u32 s5, v3;
	v63 =	vor.u32 s29, v0;
	v62 =	vmin.f32 v13, $1.000000000e+00;
	[tilespmem:s22+$0xFFFFFF10] =	vst v26;
	v45 =	vld.idx.msk [tilespmem:v59+s1+$0x0], $0xffff  }
0x1c7: {  	v13 =	vor.u32 s9, v4;
	v26 =	vor.u32 s4, v4;
	v59 =	vmax.f32 v61, $-1.000000000e+00;
	v46 =	vld.idx.msk [tilespmem:v15+s1+$0x0], $0xffff  }
0x1c8: {  	[tilespmem:s22+$0x190] =	vst v62;
	v15 =	vmax.f32 v42, $-1.000000000e+00;
	v62 =	vmin.f32 v43, $1.000000000e+00;
	v42 =	vor.u32 s2, v3;
	v52 =	vld.idx.msk [tilespmem:v16+s1+$0x0], $0xffff  }
0x1c9: {  	[tilespmem:s20+$0xFFFFFE10] =	vst v48;
	v48 =	vmin.f32 v59, $1.000000000e+00;
	v16 =	vor.u32 s9, v3;
	v36 =	vmax.f32 v57, $-1.000000000e+00;
	v53 =	vld.idx.msk [tilespmem:v54+s1+$0x0], $0xffff  }
0x1ca: {  	v15 =	vmin.f32 v15, $1.000000000e+00;
	v57 =	vor.u32 s3, v2;
	[tilespmem:s22+$0xFFFFFE30] =	vst v62;
	v61 =	vmax.f32 v44, $-1.000000000e+00;
	v62 =	vld.idx.msk [tilespmem:v56+s1+$0x0], $0xffff  }
0x1cb: {  	[tilespmem:s20+$0xFFFFFE90] =	vst v48;
	v44 =	vmin.f32 v22, $1.000000000e+00;
	v22 =	vor.u32 s31, v2;
	v38 =	vmax.f32 v58, $-1.000000000e+00;
	v59 =	vld.idx.msk [tilespmem:v24+s1+$0x0], $0xffff  }
0x1cc: {  	[tilespmem:s20+$0x110] =	vst v15;
	v58 =	vor.u32 s3, v3;
	v15 =	vor.u32 s31, v1;
	v24 =	vmax.f32 v51, $-1.000000000e+00;
	v51 =	vld.idx.msk [tilespmem:v27+s1+$0x0], $0xffff  }
0x1cd: {  	[tilespmem:s20+$0x180] =	vst v34;
	v37 =	vmin.f32 v61, $1.000000000e+00;
	v56 =	vmin.f32 v36, $1.000000000e+00;
	v43 =	vld.idx.msk [tilespmem:v63+s1+$0x0], $0xffff;
	v63 =	vmax.f32 v41, $-1.000000000e+00  }
0x1ce: {  	[tilespmem:s20+$0xFFFFFF90] =	vst v40;
	v41 =	vor.u32 s28, v1;
	v54 =	vld.idx.msk [tilespmem:v29+s1+$0x0], $0xffff;
	v29 =	vor.u32 s29, v1;
	v27 =	vmin.f32 v38, $1.000000000e+00  }
0x1cf: {  	v14 =	vld.idx.msk [tilespmem:v14+s1+$0x0], $0xffff;
	[tilespmem:s22+$0xB0] =	vst v37;
	v24 =	vmin.f32 v24, $1.000000000e+00;
	v37 =	vmax.f32 v47, $-1.000000000e+00;
	v60 =	vmax.f32 v60, $-1.000000000e+00  }
0x1d0: {  	s14 =	simm.s32 $0x8A00;
	v38 =	vor.u32 s16, v3;
	v20 =	vmin.f32 v63, $1.000000000e+00;
	v45 =	vmax.f32 v45, $-1.000000000e+00;
	[tilespmem:s20+$0x90] =	vst v27  }
0x1d1: {  	v34 =	vld.idx.msk [tilespmem:v28+s1+$0x0], $0xffff;
	v63 =	vmax.f32 v49, $-1.000000000e+00;
	[tilespmem:s14+$0x0] =	vst v24;
	v24 =	vor.u32 s29, v2;
	v46 =	vmax.f32 v46, $-1.000000000e+00  }
0x1d2: {  	[tilespmem:s22+$0x40] =	vst v20;
	v20 =	vor.u32 s3, v4;
	v45 =	vmin.f32 v45, $1.000000000e+00;
	v48 =	vld.idx.msk [tilespmem:v33+s1+$0x0], $0xffff;
	v33 =	vmin.f32 v60, $1.000000000e+00  }
0x1d3: {  	v36 =	vmin.f32 v63, $1.000000000e+00;
	v60 =	vor.u32 s30, v2;
	v46 =	vmin.f32 v46, $1.000000000e+00;
	v57 =	vld.idx.msk [tilespmem:v57+s1+$0x0], $0xffff  }
0x1d4: {  	v14 =	vmax.f32 v14, $-1.000000000e+00;
	v27 =	vmax.f32 v52, $-1.000000000e+00;
	v52 =	vld.idx.msk [tilespmem:v55+s1+$0x0], $0xffff;
	[tilespmem:s22+$0xFFFFFF20] =	vst v46;
	v46 =	vor.u32 s30, v1  }
0x1d5: {  	v55 =	vor.u32 s0, v1;
	[tilespmem:s22+$0x130] =	vst v33;
	v61 =	vmax.f32 v53, $-1.000000000e+00;
	v53 =	vld.idx.msk [tilespmem:v25+s1+$0x0], $0xffff;
	v14 =	vmin.f32 v14, $1.000000000e+00  }
0x1d6: {  	v33 =	vor.u32 s28, v3;
	v40 =	vmin.f32 v27, $1.000000000e+00;
	v27 =	vor.u32 s25, v1;
	[tilespmem:s22+$0x1A0] =	vst v14;
	v49 =	vld.idx.msk [tilespmem:v21+s1+$0x0], $0xffff  }
0x1d7: {  	[tilespmem:s22+$0xFFFFFFA0] =	vst v44;
	v51 =	vmax.f32 v51, $-1.000000000e+00;
	v28 =	vmin.f32 v61, $1.000000000e+00;
	v14 =	vor.u32 s28, v2;
	v47 =	vld.idx.msk [tilespmem:v19+s1+$0x0], $0xffff  }
0x1d8: {  	[tilespmem:s20+$0x20] =	vst v56;
	v43 =	vmax.f32 v43, $-1.000000000e+00;
	v21 =	vor.u32 s24, v2;
	v61 =	vmax.f32 v48, $-1.000000000e+00;
	v48 =	vld.idx.msk [tilespmem:v35+s1+$0x0], $0xffff  }
0x1d9: {  	[tilespmem:s14+$0xFFFFFE80] =	vst v45;
	v45 =	vmax.f32 v54, $-1.000000000e+00;
	v51 =	vmin.f32 v51, $1.000000000e+00;
	v19 =	vmax.f32 v62, $-1.000000000e+00;
	v46 =	vld.idx.msk [tilespmem:v46+s1+$0x0], $0xffff  }
0x1da: {  	[tilespmem:s14+$0xFFFFFE00] =	vst v40;
	v19 =	vmin.f32 v19, $1.000000000e+00;
	v35 =	vor.u32 s25, v2;
	v63 =	vmax.f32 v52, $-1.000000000e+00;
	v52 =	vld.idx.msk [tilespmem:v31+s1+$0x0], $0xffff  }
0x1db: {  	[tilespmem:s14+$0x100] =	vst v19;
	v19 =	vor.u32 s31, v3;
	v50 =	vmax.f32 v57, $-1.000000000e+00;
	v57 =	vld.idx.msk [tilespmem:v42+s1+$0x0], $0xffff;
	v31 =	vmin.f32 v63, $1.000000000e+00  }
0x1dc: {  	v53 =	vmax.f32 v53, $-1.000000000e+00;
	v42 =	vld.idx.msk [tilespmem:v55+s1+$0x0], $0xffff;
	v55 =	vmin.f32 v50, $1.000000000e+00;
	v62 =	vmax.f32 v49, $-1.000000000e+00;
	[tilespmem:s14+$0xFFFFFF80] =	vst v31  }
0x1dd: {  	v40 =	vld.idx.msk [tilespmem:v39+s1+$0x0], $0xffff;
	v50 =	vmin.f32 v43, $1.000000000e+00;
	[tilespmem:s20+$0xFFFFFE20] =	vst v55;
	v56 =	vmin.f32 v62, $1.000000000e+00;
	v25 =	vmax.f32 v47, $-1.000000000e+00  }
0x1de: {  	v43 =	vor.u32 s2, v4;
	v44 =	vld.idx.msk [tilespmem:v58+s1+$0x0], $0xffff;
	[tilespmem:s22+$0xFFFFFF30] =	vst v56;
	v31 =	vmax.f32 v46, $-1.000000000e+00;
	v46 =	vmin.f32 v25, $1.000000000e+00  }
0x1df: {  	v62 =	vmax.f32 v59, $-1.000000000e+00;
	v47 =	vor.u32 s26, v1;
	v39 =	vld.idx.msk [tilespmem:v41+s1+$0x0], $0xffff;
	v25 =	vmin.f32 v31, $1.000000000e+00;
	[tilespmem:s22+$0x1B0] =	vst v46  }
0x1e0: {  	v63 =	vmin.f32 v62, $1.000000000e+00;
	v49 =	vmax.f32 v52, $-1.000000000e+00;
	v52 =	vmin.f32 v61, $1.000000000e+00;
	[tilespmem:s14+$0x10] =	vst v25;
	v46 =	vld.idx.msk [tilespmem:v32+s1+$0x0], $0xffff  }
0x1e1: {  	s2 =	simm.s32 $0x8A00;
	[tilespmem:s22+$0xFFFFFE40] =	vst v63;
	v54 =	vmax.f32 v57, $-1.000000000e+00;
	v31 =	vor.u32 s0, v2;
	v25 =	vor.u32 s16, v4;
	s16 =	simm.s32 $0x18;
	v41 =	vld.idx.msk [tilespmem:v60+s1+$0x0], $0xffff  }
.LBB2_6:
0x1e2: {  	s5 =	sshll.u32 s16, $0x7;
	p0 =	slt.u32 s16, $0x78;
	s16 =	sadd.s32 $0x8, s16;
	v55 =	vor.u32 s24, v4;
	[tilespmem:s14+$0x80] =	vst v50;
	v32 =	vor.u32 s31, v4;
	v50 =	vld.idx.msk [tilespmem:v8+s1+$0x0], $0xffff;
	v40 =	vmax.f32 v40, $-1.000000000e+00;
	v8 =	vmovc v7;
	v7 =	vmovc v33  }
0x1e3: {  	v33 =	vmin.f32 v54, $1.000000000e+00;
	v48 =	vmax.f32 v48, $-1.000000000e+00;
	v56 =	vor.u32 s5, v0;
	s9 =	sadd.s32 $0x80, s5;
	s6 =	sadd.s32 $0x100, s5;
	s7 =	sadd.s32 $0x180, s5;
	v29 =	vld.idx.msk [tilespmem:v29+s1+$0x0], $0xffff;
	[tilespmem:s20+$0xA0] =	vst v52  }
0x1e4: {  	s3 =	sadd.s32 $0x200, s5;
	s4 =	sadd.s32 $0x280, s5;
	s8 =	sadd.s32 $0x300, s5;
	v52 =	vor.u32 s9, v0;
	v54 =	vor.u32 s6, v0;
	[tilespmem:s20+$0x30] =	vst v33;
	v57 =	vld.idx.msk [tilespmem:v38+s1+$0x0], $0xffff;
	v38 =	vmin.f32 v53, $1.000000000e+00  }
0x1e5: {  	s31 =	sadd.s32 $0x380, s5;
	v44 =	vmax.f32 v44, $-1.000000000e+00;
	v53 =	vor.u32 s3, v0;
	v58 =	vor.u32 s4, v0;
	v47 =	vld.idx.msk [tilespmem:v47+s1+$0x0], $0xffff;
	[tilespmem:s20+$0xFFFFFEA0] =	vst v51  }
0x1e6: {  	v49 =	vmin.f32 v49, $1.000000000e+00;
	v33 =	vor.u32 s24, v3;
	s24 =	smov.u32 s9;
	v51 =	vor.u32 s31, v0;
	[tilespmem:s22+$0xFFFFFEB0] =	vst v38;
	v30 =	vld.idx.msk [tilespmem:v30+s1+$0x0], $0xffff  }
0x1e7: {  	v37 =	vmin.f32 v37, $1.000000000e+00;
	v48 =	vmin.f32 v48, $1.000000000e+00;
	v38 =	vor.u32 s7, v0;
	v59 =	vld.idx.msk [tilespmem:v6+s1+$0x0], $0xffff;
	[tilespmem:s22+$0x140] =	vst v49;
	v6 =	vmovc v5;
	v5 =	vmovc v55  }
0x1e8: {  	v49 =	vmax.f32 v41, $-1.000000000e+00;
	v41 =	vmin.f32 v45, $1.000000000e+00;
	[tilespmem:s20+$0xFFFFFF10] =	vst v37;
	v37 =	vld.idx.msk [tilespmem:v43+s1+$0x0], $0xffff;
	v43 =	vmax.f32 v50, $-1.000000000e+00  }
0x1e9: {  	v42 =	vmax.f32 v42, $-1.000000000e+00;
	v50 =	vor.u32 s0, v3;
	v45 =	vld.idx.msk [tilespmem:v56+s1+$0x0], $0xffff;
	[tilespmem:s20+$0x190] =	vst v48;
	v43 =	vmin.f32 v43, $1.000000000e+00  }
0x1ea: {  	v42 =	vmin.f32 v42, $1.000000000e+00;
	v40 =	vmin.f32 v40, $1.000000000e+00;
	v48 =	vld.idx.msk [tilespmem:v17+s1+$0x0], $0xffff;
	[tilespmem:s22+$0xFFFFFFB0] =	vst v43;
	v43 =	vmax.f32 v46, $-1.000000000e+00;
	v17 =	vmovc v35  }
0x1eb: {  	v34 =	vmax.f32 v34, $-1.000000000e+00;
	v39 =	vmax.f32 v39, $-1.000000000e+00;
	v35 =	vmax.f32 v47, $-1.000000000e+00;
	[tilespmem:s14+$0x110] =	vst v42;
	v26 =	vld.idx.msk [tilespmem:v26+s1+$0x0], $0xffff  }
0x1ec: {  	v46 =	vmax.f32 v29, $-1.000000000e+00;
	v42 =	vmin.f32 v35, $1.000000000e+00;
	v29 =	vmin.f32 v43, $1.000000000e+00;
	[tilespmem:s20+$0x120] =	vst v41;
	v47 =	vld.idx.msk [tilespmem:v10+s1+$0x0], $0xffff;
	v10 =	vmovc v22  }
0x1ed: {  	v30 =	vmax.f32 v30, $-1.000000000e+00;
	v22 =	vor.u32 s8, v0;
	v54 =	vld.idx.msk [tilespmem:v54+s1+$0x0], $0xffff;
	[tilespmem:s14+$0xFFFFFF00] =	vst v36;
	v36 =	vmin.f32 v39, $1.000000000e+00  }
0x1ee: {  	v55 =	vor.u32 s26, v2;
	v35 =	vor.u32 s26, v3;
	v56 =	vld.idx.msk [tilespmem:v23+s1+$0x0], $0xffff;
	v23 =	vmin.f32 v30, $1.000000000e+00;
	[tilespmem:s22+$0x1C0] =	vst v29  }
0x1ef: {  	v39 =	vor.u32 s31, v1;
	v37 =	vmax.f32 v37, $-1.000000000e+00;
	v29 =	vmin.f32 v44, $1.000000000e+00;
	v30 =	vld.idx.msk [tilespmem:v52+s1+$0x0], $0xffff;
	[tilespmem:s22+$0xFFFFFF40] =	vst v23  }
0x1f0: {  	v23 =	vor.u32 s24, v1;
	v48 =	vmax.f32 v48, $-1.000000000e+00;
	v52 =	vmax.f32 v59, $-1.000000000e+00;
	v44 =	vld.idx.msk [tilespmem:v53+s1+$0x0], $0xffff;
	[tilespmem:s22+$0xC0] =	vst v40  }
0x1f1: {  	v41 =	vor.u32 s7, v1;
	v53 =	vor.u32 s25, v3;
	v26 =	vmax.f32 v26, $-1.000000000e+00;
	v40 =	vld.idx.msk [tilespmem:v58+s1+$0x0], $0xffff;
	[tilespmem:s20+$0xFFFFFE30] =	vst v29  }
0x1f2: {  	s14 =	sadd.s32 $0x400, s14;
	v58 =	vor.u32 s0, v4;
	v26 =	vmin.f32 v26, $1.000000000e+00;
	s0 =	smov.u32 s8;
	v51 =	vld.idx.msk [tilespmem:v51+s1+$0x0], $0xffff;
	[tilespmem:s2+$0xFFFFFE10] =	vst v42;
	v42 =	vor.u32 s30, v3  }
0x1f3: {  	v29 =	vor.u32 s4, v1;
	v47 =	vmax.f32 v47, $-1.000000000e+00;
	v43 =	vld.idx.msk [tilespmem:v31+s1+$0x0], $0xffff;
	v31 =	vmin.f32 v48, $1.000000000e+00;
	[tilespmem:s22+$0xFFFFFFC0] =	vst v26  }
0x1f4: {  	v48 =	vor.u32 s3, v1;
	v26 =	vmax.f32 v56, $-1.000000000e+00;
	v27 =	vld.idx.msk [tilespmem:v27+s1+$0x0], $0xffff;
	[tilespmem:s20+$0xFFFFFF20] =	vst v31;
	v31 =	vmin.f32 v52, $1.000000000e+00  }
0x1f5: {  	v37 =	vmin.f32 v37, $1.000000000e+00;
	v47 =	vmin.f32 v47, $1.000000000e+00;
	v26 =	vmin.f32 v26, $1.000000000e+00;
	v52 =	vld.idx.msk [tilespmem:v16+s1+$0x0], $0xffff;
	[tilespmem:s22+$0xFFFFFEC0] =	vst v31;
	v16 =	vmovc v50;
	s22 =	smov.u32 s20;
	s20 =	smov.u32 s2;
	s2 =	smov.u32 s14  }
0x1f6: {  	v50 =	vmin.f32 v34, $1.000000000e+00;
	v34 =	vmax.f32 v57, $-1.000000000e+00;
	v31 =	vld.idx.msk [tilespmem:v55+s1+$0x0], $0xffff;
	[tilespmem:s20+$0xFFFFFE90] =	vst v26;
	v26 =	vor.u32 s21, v4;
	s21 =	smov.u32 s28;
	s28 =	smov.u32 s7  }
0x1f7: {  	v55 =	vmax.f32 v30, $-1.000000000e+00;
	v30 =	vor.u32 s23, v4;
	v34 =	vmin.f32 v34, $1.000000000e+00;
	s23 =	smov.u32 s25;
	s25 =	smov.u32 s6;
	v56 =	vld.idx.msk [tilespmem:v22+s1+$0x0], $0xffff;
	[tilespmem:s22+$0x40] =	vst v37  }
0x1f8: {  	v49 =	vmin.f32 v49, $1.000000000e+00;
	v22 =	vor.u32 s31, v2;
	v57 =	vld.idx.msk [tilespmem:v20+s1+$0x0], $0xffff;
	v20 =	vor.u32 s26, v4;
	[tilespmem:s22+$0xB0] =	vst v34;
	s26 =	smov.u32 s5  }
0x1f9: {  	v55 =	vmin.f32 v55, $1.000000000e+00;
	v34 =	vmax.f32 v44, $-1.000000000e+00;
	v44 =	vld.idx.msk [tilespmem:v21+s1+$0x0], $0xffff;
	v21 =	vmin.f32 v46, $1.000000000e+00;
	[tilespmem:s22+$0x1A0] =	vst v47  }
0x1fa: {  	v46 =	vmax.f32 v54, $-1.000000000e+00;
	v47 =	vor.u32 s28, v2;
	v54 =	vmax.f32 v40, $-1.000000000e+00;
	[tilespmem:s20+$0x90] =	vst v21;
	v59 =	vld.idx.msk [tilespmem:v18+s1+$0x0], $0xffff;
	v18 =	vmovc v53  }
0x1fb: {  	v37 =	vmax.f32 v45, $-1.000000000e+00;
	v34 =	vmin.f32 v34, $1.000000000e+00;
	v21 =	vor.u32 s24, v2;
	v45 =	vld.idx.msk [tilespmem:v38+s1+$0x0], $0xffff;
	[tilespmem:s20+$0xFFFFFF90] =	vst v36  }
0x1fc: {  	v53 =	vor.u32 s0, v1;
	v36 =	vmin.f32 v37, $1.000000000e+00;
	v37 =	vmax.f32 v27, $-1.000000000e+00;
	[tilespmem:s20+$0x180] =	vst v28;
	v60 =	vld.idx.msk [tilespmem:v11+s1+$0x0], $0xffff;
	v11 =	vmovc v19  }
0x1fd: {  	v27 =	vor.u32 s25, v1;
	v19 =	vmax.f32 v56, $-1.000000000e+00;
	v28 =	vmax.f32 v52, $-1.000000000e+00;
	[tilespmem:s14+$0x0] =	vst v34;
	v56 =	vld.idx.msk [tilespmem:v24+s1+$0x0], $0xffff  }
0x1fe: {  	v24 =	vor.u32 s4, v2;
	v19 =	vmin.f32 v19, $1.000000000e+00;
	v28 =	vmin.f32 v28, $1.000000000e+00;
	[tilespmem:s14+$0xFFFFFE00] =	vst v36;
	v48 =	vld.idx.msk [tilespmem:v48+s1+$0x0], $0xffff  }
0x1ff: {  	v61 =	vor.u32 s3, v2;
	v38 =	vor.u32 s29, v3;
	v36 =	vmin.f32 v46, $1.000000000e+00;
	v40 =	vld.idx.msk [tilespmem:v25+s1+$0x0], $0xffff;
	[tilespmem:s22+$0x130] =	vst v28  }
0x200: {  	v25 =	vmax.f32 v51, $-1.000000000e+00;
	v51 =	vmax.f32 v44, $-1.000000000e+00;
	v44 =	vmax.f32 v59, $-1.000000000e+00;
	v34 =	vld.idx.msk [tilespmem:v14+s1+$0x0], $0xffff;
	[tilespmem:s20+$0x20] =	vst v49;
	v14 =	vmovc v47  }
0x201: {  	v45 =	vmax.f32 v45, $-1.000000000e+00;
	v28 =	vmin.f32 v25, $1.000000000e+00;
	[tilespmem:s14+$0x100] =	vst v19;
	v19 =	vor.u32 s31, v3;
	v46 =	vld.idx.msk [tilespmem:v13+s1+$0x0], $0xffff;
	v13 =	vmovc v58  }
0x202: {  	v31 =	vmax.f32 v31, $-1.000000000e+00;
	v25 =	vmin.f32 v45, $1.000000000e+00;
	v58 =	vmin.f32 v44, $1.000000000e+00;
	[tilespmem:s14+$0xFFFFFE80] =	vst v55;
	v55 =	vld.idx.msk [tilespmem:v12+s1+$0x0], $0xffff;
	v12 =	vmovc v33  }
0x203: {  	v33 =	vor.u32 s28, v3;
	v52 =	vmax.f32 v56, $-1.000000000e+00;
	[tilespmem:s14+$0xFFFFFF80] =	vst v25;
	v59 =	vld.idx.msk [tilespmem:v42+s1+$0x0], $0xffff;
	v25 =	vmax.f32 v60, $-1.000000000e+00  }
0x204: {  	v45 =	vmin.f32 v31, $1.000000000e+00;
	v44 =	vmax.f32 v48, $-1.000000000e+00;
	v42 =	vld.idx.msk [tilespmem:v53+s1+$0x0], $0xffff;
	[tilespmem:s22+$0xFFFFFFA0] =	vst v50;
	v53 =	vmin.f32 v25, $1.000000000e+00  }
.Ltmp2:
0x205: {  	v31 =	vor.u32 s0, v2;
	v25 =	vmin.f32 v44, $1.000000000e+00;
	[tilespmem:s20+$0xFFFFFE20] =	vst v45;
	v48 =	vld.idx.msk [tilespmem:v15+s1+$0x0], $0xffff;
	v45 =	vmax.f32 v57, $-1.000000000e+00;
	v15 =	vmovc v39;
	(pc) =	sbr.rel @p0 .LBB2_6-.Ltmp2, $4  }
0x206: {  	v50 =	vmin.f32 v54, $1.000000000e+00;
	[tilespmem:s14+$0x10] =	vst v25;
	v44 =	vld.idx.msk [tilespmem:v35+s1+$0x0], $0xffff;
	v25 =	vor.u32 s29, v4;
	v54 =	vmin.f32 v45, $1.000000000e+00;
	s29 =	smov.u32 s4  }
0x207: {  	v47 =	vor.u32 s26, v1;
	v45 =	vmax.f32 v43, $-1.000000000e+00;
	v49 =	vmax.f32 v46, $-1.000000000e+00;
	v39 =	vld.idx.msk [tilespmem:v41+s1+$0x0], $0xffff;
	[tilespmem:s22+$0x1B0] =	vst v53  }
0x208: {  	v52 =	vmin.f32 v52, $1.000000000e+00;
	v35 =	vor.u32 s25, v2;
	v43 =	vor.u32 s30, v4;
	s30 =	smov.u32 s3;
	[tilespmem:s22+$0xFFFFFE40] =	vst v54;
	v46 =	vld.idx.msk [tilespmem:v9+s1+$0x0], $0xffff;
	v9 =	vmovc v32  }
0x209: {  	v51 =	vmin.f32 v51, $1.000000000e+00;
	v53 =	vmax.f32 v55, $-1.000000000e+00;
	v54 =	vmax.f32 v59, $-1.000000000e+00;
	v41 =	vld.idx.msk [tilespmem:v61+s1+$0x0], $0xffff;
	[tilespmem:s22+$0xFFFFFF30] =	vst v58  }
0x20a: {  	_ = 	snop  }
0x20b: {  	[tilespmem:s14+$0x80] =	vst v50  }
0x20c: {  	[tilespmem:s20+$0xA0] =	vst v52  }
0x20d: {  	[tilespmem:s20+$0xFFFFFEA0] =	vst v51  }
0x20e: {  	v8 =	vld.idx.msk [tilespmem:v8+s1+$0x0], $0xffff;
	[tilespmem:s14+$0xFFFFFF00] =	vst v36  }
0x20f: {  	v32 =	vmin.f32 v54, $1.000000000e+00;
	[tilespmem:s2+$0x180] =	vst v28  }
0x210: {  	v61 =	vmin.f32 v53, $1.000000000e+00;
	[tilespmem:s20+$0x30] =	vst v32  }
0x211: {  	v62 =	vmin.f32 v49, $1.000000000e+00;
	[tilespmem:s22+$0xFFFFFEB0] =	vst v61  }
0x212: {  	v37 =	vmin.f32 v37, $1.000000000e+00;
	[tilespmem:s22+$0x140] =	vst v62  }
0x213: {  	v50 =	vmin.f32 v45, $1.000000000e+00;
	[tilespmem:s20+$0xFFFFFF10] =	vst v37;
	v8 =	vmax.f32 v8, $-1.000000000e+00  }
0x214: {  	v48 =	vmax.f32 v48, $-1.000000000e+00;
	v30 =	vld.idx.msk [tilespmem:v30+s1+$0x0], $0xffff;
	[tilespmem:s20+$0x120] =	vst v50;
	v8 =	vmin.f32 v8, $1.000000000e+00  }
0x215: {  	v52 =	vmax.f32 v40, $-1.000000000e+00;
	v63 =	vmin.f32 v48, $1.000000000e+00;
	[tilespmem:s22+$0xFFFFFFB0] =	vst v8;
	v8 =	vld.idx.msk [tilespmem:v47+s1+$0x0], $0xffff  }
0x216: {  	v48 =	vmax.f32 v42, $-1.000000000e+00;
	v36 =	vmin.f32 v52, $1.000000000e+00;
	[tilespmem:s20+$0x190] =	vst v63;
	v26 =	vld.idx.msk [tilespmem:v26+s1+$0x0], $0xffff  }
0x217: {  	v23 =	vld.idx.msk [tilespmem:v23+s1+$0x0], $0xffff;
	v49 =	vmin.f32 v48, $1.000000000e+00;
	[tilespmem:s22+$0xC0] =	vst v36;
	v51 =	vmax.f32 v46, $-1.000000000e+00  }
0x218: {  	v53 =	vmax.f32 v44, $-1.000000000e+00;
	v17 =	vld.idx.msk [tilespmem:v17+s1+$0x0], $0xffff;
	[tilespmem:s14+$0x110] =	vst v49;
	v32 =	vmin.f32 v51, $1.000000000e+00  }
0x219: {  	v6 =	vld.idx.msk [tilespmem:v6+s1+$0x0], $0xffff;
	v30 =	vmax.f32 v30, $-1.000000000e+00;
	[tilespmem:s22+$0x1C0] =	vst v32;
	v32 =	vmin.f32 v53, $1.000000000e+00  }
0x21a: {  	v10 =	vld.idx.msk [tilespmem:v10+s1+$0x0], $0xffff;
	v30 =	vmin.f32 v30, $1.000000000e+00;
	[tilespmem:s20+$0xFFFFFE30] =	vst v32;
	v8 =	vmax.f32 v8, $-1.000000000e+00  }
0x21b: {  	[tilespmem:s22+$0xFFFFFF40] =	vst v30;
	v30 =	vld.idx.msk [tilespmem:v43+s1+$0x0], $0xffff;
	v8 =	vmin.f32 v8, $1.000000000e+00;
	v26 =	vmax.f32 v26, $-1.000000000e+00  }
0x21c: {  	v54 =	vld.idx.msk [tilespmem:v38+s1+$0x0], $0xffff;
	v23 =	vmax.f32 v23, $-1.000000000e+00;
	[tilespmem:s2+$0xFFFFFE10] =	vst v8;
	v8 =	vmin.f32 v26, $1.000000000e+00  }
0x21d: {  	v12 =	vld.idx.msk [tilespmem:v12+s1+$0x0], $0xffff;
	v23 =	vmin.f32 v23, $1.000000000e+00;
	v17 =	vmax.f32 v17, $-1.000000000e+00;
	[tilespmem:s22+$0xFFFFFFC0] =	vst v8;
	v8 =	vor.u32 s26, v2  }
0x21e: {  	v6 =	vmax.f32 v6, $-1.000000000e+00;
	[tilespmem:s2+$0xFFFFFE90] =	vst v23;
	v17 =	vmin.f32 v17, $1.000000000e+00  }
0x21f: {  	v6 =	vmin.f32 v6, $1.000000000e+00;
	v10 =	vmax.f32 v10, $-1.000000000e+00;
	[tilespmem:s20+$0xFFFFFF20] =	vst v17;
	v26 =	vld.idx.msk [tilespmem:v29+s1+$0x0], $0xffff  }
0x220: {  	[tilespmem:s22+$0xFFFFFEC0] =	vst v6;
	v10 =	vmin.f32 v10, $1.000000000e+00;
	v17 =	vmax.f32 v30, $-1.000000000e+00  }
0x221: {  	v16 =	vld.idx.msk [tilespmem:v16+s1+$0x0], $0xffff;
	[tilespmem:s20+$0x1A0] =	vst v10;
	v6 =	vmin.f32 v17, $1.000000000e+00;
	v17 =	vmax.f32 v54, $-1.000000000e+00  }
0x222: {  	v12 =	vmax.f32 v12, $-1.000000000e+00;
	[tilespmem:s20+$0x40] =	vst v6;
	v6 =	vmin.f32 v17, $1.000000000e+00;
	v8 =	vld.idx.msk [tilespmem:v8+s1+$0x0], $0xffff  }
0x223: {  	v12 =	vmin.f32 v12, $1.000000000e+00;
	[tilespmem:s20+$0xB0] =	vst v6;
	v6 =	vmax.f32 v39, $-1.000000000e+00  }
0x224: {  	[tilespmem:s20+$0xFFFFFEB0] =	vst v12;
	v10 =	vld.idx.msk [tilespmem:v11+s1+$0x0], $0xffff;
	v11 =	vmax.f32 v41, $-1.000000000e+00;
	v6 =	vmin.f32 v6, $1.000000000e+00;
	v17 =	vmax.f32 v26, $-1.000000000e+00  }
0x225: {  	[tilespmem:s2+$0xFFFFFF90] =	vst v6;
	v6 =	vmin.f32 v11, $1.000000000e+00;
	v11 =	vld.idx.msk [tilespmem:v18+s1+$0x0], $0xffff;
	v17 =	vmin.f32 v17, $1.000000000e+00  }
0x226: {  	v23 =	vor.u32 s30, v3;
	v16 =	vmax.f32 v16, $-1.000000000e+00;
	v18 =	vmax.f32 v34, $-1.000000000e+00;
	[tilespmem:s2+$0x90] =	vst v17;
	v17 =	vld.idx.msk [tilespmem:v20+s1+$0x0], $0xffff  }
0x227: {  	v16 =	vmin.f32 v16, $1.000000000e+00;
	[tilespmem:s2+$0x20] =	vst v6;
	v6 =	vmin.f32 v18, $1.000000000e+00;
	v18 =	vld.idx.msk [tilespmem:v21+s1+$0x0], $0xffff;
	v8 =	vmax.f32 v8, $-1.000000000e+00  }
0x228: {  	[tilespmem:s20+$0x130] =	vst v16;
	v20 =	vld.idx.msk [tilespmem:v24+s1+$0x0], $0xffff;
	v8 =	vmin.f32 v8, $1.000000000e+00  }
0x229: {  	v10 =	vmax.f32 v10, $-1.000000000e+00;
	[tilespmem:s2+$0xFFFFFE20] =	vst v8;
	v8 =	vld.idx.msk [tilespmem:v15+s1+$0x0], $0xffff  }
0x22a: {  	[tilespmem:s20+$0xFFFFFFA0] =	vst v6;
	v6 =	vmin.f32 v10, $1.000000000e+00;
	v11 =	vmax.f32 v11, $-1.000000000e+00;
	v15 =	vld.idx.msk [tilespmem:v27+s1+$0x0], $0xffff  }
0x22b: {  	v16 =	vld.idx.msk [tilespmem:v23+s1+$0x0], $0xffff;
	[tilespmem:s20+$0x1B0] =	vst v6;
	v6 =	vor.u32 s23, v4;
	v11 =	vmin.f32 v11, $1.000000000e+00;
	v10 =	vmax.f32 v17, $-1.000000000e+00  }
0x22c: {  	v7 =	vld.idx.msk [tilespmem:v7+s1+$0x0], $0xffff;
	[tilespmem:s20+$0xFFFFFF30] =	vst v11;
	v11 =	vmax.f32 v18, $-1.000000000e+00;
	v10 =	vmin.f32 v10, $1.000000000e+00  }
0x22d: {  	v11 =	vmin.f32 v11, $1.000000000e+00;
	v17 =	vmax.f32 v20, $-1.000000000e+00;
	[tilespmem:s20+$0xFFFFFE40] =	vst v10;
	v10 =	vld.idx.msk [tilespmem:v13+s1+$0x0], $0xffff  }
0x22e: {  	v9 =	vld.idx.msk [tilespmem:v9+s1+$0x0], $0xffff;
	[tilespmem:s2+$0xFFFFFEA0] =	vst v11;
	v13 =	vmin.f32 v17, $1.000000000e+00;
	v8 =	vmax.f32 v8, $-1.000000000e+00  }
0x22f: {  	[tilespmem:s2+$0xA0] =	vst v13;
	v13 =	vld.idx.msk [tilespmem:v31+s1+$0x0], $0xffff;
	v15 =	vmax.f32 v15, $-1.000000000e+00;
	v8 =	vmin.f32 v8, $1.000000000e+00  }
0x230: {  	v16 =	vmax.f32 v16, $-1.000000000e+00;
	v6 =	vld.idx.msk [tilespmem:v6+s1+$0x0], $0xffff;
	v11 =	vor.u32 s26, v3;
	v15 =	vmin.f32 v15, $1.000000000e+00;
	[tilespmem:s2+$0x190] =	vst v8  }
0x231: {  	v16 =	vmin.f32 v16, $1.000000000e+00;
	v7 =	vmax.f32 v7, $-1.000000000e+00;
	v8 =	vor.u32 s21, v4;
	[tilespmem:s2+$0xFFFFFF10] =	vst v15;
	v15 =	vld.idx.msk [tilespmem:v22+s1+$0x0], $0xffff  }
0x232: {  	[tilespmem:s2+$0x30] =	vst v16;
	v7 =	vmin.f32 v7, $1.000000000e+00;
	v10 =	vmax.f32 v10, $-1.000000000e+00;
	v12 =	vld.idx.msk [tilespmem:v35+s1+$0x0], $0xffff  }
0x233: {  	v16 =	vor.u32 s0, v3;
	[tilespmem:s20+$0xFFFFFFB0] =	vst v7;
	v7 =	vmax.f32 v9, $-1.000000000e+00;
	v17 =	vld.idx.msk [tilespmem:v25+s1+$0x0], $0xffff;
	v10 =	vmin.f32 v10, $1.000000000e+00  }
0x234: {  	v7 =	vmin.f32 v7, $1.000000000e+00;
	v13 =	vmax.f32 v13, $-1.000000000e+00;
	[tilespmem:s20+$0x140] =	vst v10;
	v10 =	vld.idx.msk [tilespmem:v14+s1+$0x0], $0xffff  }
0x235: {  	v9 =	vor.u32 s25, v3;
	[tilespmem:s20+$0x1C0] =	vst v7;
	v6 =	vmax.f32 v6, $-1.000000000e+00;
	v11 =	vld.idx.msk [tilespmem:v11+s1+$0x0], $0xffff;
	v13 =	vmin.f32 v13, $1.000000000e+00  }
0x236: {  	v6 =	vmin.f32 v6, $1.000000000e+00;
	[tilespmem:s2+$0x120] =	vst v13;
	v13 =	vor.u32 s29, v3;
	v8 =	vld.idx.msk [tilespmem:v8+s1+$0x0], $0xffff;
	v7 =	vmax.f32 v15, $-1.000000000e+00  }
0x237: {  	v5 =	vld.idx.msk [tilespmem:v5+s1+$0x0], $0xffff;
	[tilespmem:s20+$0xFFFFFF40] =	vst v6;
	v6 =	vmax.f32 v12, $-1.000000000e+00;
	v7 =	vmin.f32 v7, $1.000000000e+00  }
0x238: {  	v14 =	vmax.f32 v17, $-1.000000000e+00;
	v12 =	vor.u32 s24, v3;
	v15 =	vld.idx.msk [tilespmem:v16+s1+$0x0], $0xffff;
	v6 =	vmin.f32 v6, $1.000000000e+00;
	[tilespmem:s2+$0x1A0] =	vst v7  }
0x239: {  	v14 =	vmin.f32 v14, $1.000000000e+00;
	v10 =	vmax.f32 v10, $-1.000000000e+00;
	v7 =	vor.u32 s30, v4;
	[tilespmem:s2+$0xFFFFFF20] =	vst v6;
	v6 =	vld.idx.msk [tilespmem:v19+s1+$0x0], $0xffff  }
0x23a: {  	v11 =	vmax.f32 v11, $-1.000000000e+00;
	[tilespmem:s20+$0xC0] =	vst v14;
	v16 =	vor.u32 s26, v4;
	v10 =	vmin.f32 v10, $1.000000000e+00;
	v9 =	vld.idx.msk [tilespmem:v9+s1+$0x0], $0xffff  }
0x23b: {  	v14 =	vor.u32 s0, v4;
	v11 =	vmin.f32 v11, $1.000000000e+00;
	v13 =	vld.idx.msk [tilespmem:v13+s1+$0x0], $0xffff;
	[tilespmem:s2+$0xFFFFFFA0] =	vst v10;
	v8 =	vmax.f32 v8, $-1.000000000e+00  }
0x23c: {  	v5 =	vmax.f32 v5, $-1.000000000e+00;
	[tilespmem:s2+$0xFFFFFE30] =	vst v11;
	v10 =	vor.u32 s31, v4;
	v11 =	vld.idx.msk [tilespmem:v33+s1+$0x0], $0xffff;
	v8 =	vmin.f32 v8, $1.000000000e+00  }
0x23d: {  	v5 =	vmin.f32 v5, $1.000000000e+00;
	v15 =	vmax.f32 v15, $-1.000000000e+00;
	v12 =	vld.idx.msk [tilespmem:v12+s1+$0x0], $0xffff;
	[tilespmem:s20+$0xFFFFFFC0] =	vst v8;
	v8 =	vor.u32 s25, v4  }
0x23e: {  	[tilespmem:s20+$0xFFFFFEC0] =	vst v5;
	v17 =	vor.u32 s29, v4;
	v5 =	vmin.f32 v15, $1.000000000e+00;
	v7 =	vld.idx.msk [tilespmem:v7+s1+$0x0], $0xffff;
	v6 =	vmax.f32 v6, $-1.000000000e+00  }
0x23f: {  	v16 =	vld.idx.msk [tilespmem:v16+s1+$0x0], $0xffff;
	v15 =	vor.u32 s28, v4;
	[tilespmem:s2+$0x130] =	vst v5;
	v5 =	vmax.f32 v9, $-1.000000000e+00;
	v6 =	vmin.f32 v6, $1.000000000e+00  }
0x240: {  	v13 =	vmax.f32 v13, $-1.000000000e+00;
	v9 =	vor.u32 s24, v4;
	v14 =	vld.idx.msk [tilespmem:v14+s1+$0x0], $0xffff;
	v5 =	vmin.f32 v5, $1.000000000e+00;
	[tilespmem:s2+$0x1B0] =	vst v6  }
0x241: {  	v6 =	vmin.f32 v13, $1.000000000e+00;
	[tilespmem:s2+$0xFFFFFF30] =	vst v5;
	v5 =	vmax.f32 v11, $-1.000000000e+00;
	v10 =	vld.idx.msk [tilespmem:v10+s1+$0x0], $0xffff  }
0x242: {  	[tilespmem:s2+$0xB0] =	vst v6;
	v6 =	vmax.f32 v12, $-1.000000000e+00;
	v8 =	vld.idx.msk [tilespmem:v8+s1+$0x0], $0xffff;
	v5 =	vmin.f32 v5, $1.000000000e+00  }
0x243: {  	v7 =	vmax.f32 v7, $-1.000000000e+00;
	v11 =	vld.idx.msk [tilespmem:v17+s1+$0x0], $0xffff;
	v6 =	vmin.f32 v6, $1.000000000e+00;
	[tilespmem:s2+$0xFFFFFFB0] =	vst v5  }
0x244: {  	v5 =	vmin.f32 v7, $1.000000000e+00;
	v7 =	vmax.f32 v16, $-1.000000000e+00;
	[tilespmem:s2+$0xFFFFFEB0] =	vst v6;
	v6 =	vld.idx.msk [tilespmem:v15+s1+$0x0], $0xffff  }
0x245: {  	[tilespmem:s2+$0x40] =	vst v5;
	v5 =	vmin.f32 v7, $1.000000000e+00;
	v7 =	vmax.f32 v14, $-1.000000000e+00;
	v9 =	vld.idx.msk [tilespmem:v9+s1+$0x0], $0xffff  }
0x246: {  	[tilespmem:s2+$0xFFFFFE40] =	vst v5;
	v5 =	vmin.f32 v7, $1.000000000e+00;
	v7 =	vmax.f32 v10, $-1.000000000e+00  }
0x247: {  	[tilespmem:s2+$0x140] =	vst v5;
	v5 =	vmin.f32 v7, $1.000000000e+00;
	v7 =	vmax.f32 v8, $-1.000000000e+00  }
0x248: {  	v8 =	vmax.f32 v11, $-1.000000000e+00;
	v7 =	vmin.f32 v7, $1.000000000e+00;
	[tilespmem:s2+$0x1C0] =	vst v5  }
0x249: {  	v5 =	vmin.f32 v8, $1.000000000e+00;
	v6 =	vmax.f32 v6, $-1.000000000e+00;
	[tilespmem:s2+$0xFFFFFF40] =	vst v7  }
0x24a: {  	v7 =	vmax.f32 v9, $-1.000000000e+00;
	[tilespmem:s2+$0xC0] =	vst v5;
	v5 =	vmin.f32 v6, $1.000000000e+00  }
0x24b: {  	[tilespmem:s2+$0xFFFFFFC0] =	vst v5;
	v5 =	vmin.f32 v7, $1.000000000e+00  }
0x24c: {  	[tilespmem:s2+$0xFFFFFEC0] =	vst v5  }
0x24d: {  	s3 =	simm.s32 $0x8000;
	s24 =	simm.s32 $0x0;
	s2 =	rddreg [dreg:$0x8]  }
0x24e: {  	[hbm4b:s2+s24] =	stream.linear.scatter [tilespmem:s3], [sflag:$0x3], $0x4000, $0x38;
	[tilespmem:$0x10000] =	vst v63  }
0x24f: {  	s0 =	simm.s32 $0x200;
	_ =	swait.ge [sflag:s15], $0x4000  }
0x250: {  	v5 =	vor.u32 s0, v0;
	[sflag:s15] =	ssyncset.done $0x0  }
0x251: {  	[sflag:s15] =	ssyncadd.s32 $0xFFFFC000  }
0x252: {  	s26 =	simm.s32 $0x300;
	_ =	swait.ge [sflag:s18], $0x4000  }
0x253: {  	s7 =	simm.s32 $0x0;
	v10 =	vor.u32 s26, v0;
	[sflag:s18] =	ssyncset.done $0x0  }
0x254: {  	v6 =	vor.u32 s7, v0;
	s3 =	simm.s32 $0x180;
	[sflag:s18] =	ssyncadd.s32 $0xFFFFC000  }
0x255: {  	s25 =	simm.s32 $0x280;
	v11 =	vor.u32 s3, v0;
	v5 =	vld.idx.msk [tilespmem:v5+s13+$0x0], $0xffff  }
0x256: {  	v9 =	vor.u32 s25, v0;
	_ =	sdelay $0x1  }
0x257: {  	s5 =	simm.s32 $0x80;
	v12 =	vor.u32 s0, v1;
	v10 =	vld.idx.msk [tilespmem:v10+s13+$0x0], $0xffff  }
0x258: {  	s14 =	simm.s32 $0x100;
	v7 =	vor.u32 s5, v0;
	v6 =	vld.idx.msk [tilespmem:v6+s13+$0x0], $0xffff  }
0x259: {  	s8 =	simm.s32 $0x380;
	v8 =	vor.u32 s14, v0;
	v11 =	vld.idx.msk [tilespmem:v11+s13+$0x0], $0xffff;
	v5 =	vmax.f32 v5, $-1.000000000e+00  }
0x25a: {  	s16 =	simm.s32 $0x680;
	s22 =	simm.s32 $0xC200;
	v14 =	vor.u32 s8, v0;
	v9 =	vld.idx.msk [tilespmem:v9+s13+$0x0], $0xffff;
	v13 =	vmin.f32 v5, $1.000000000e+00  }
0x25b: {  	v27 =	vor.u32 s16, v0;
	v18 =	vor.u32 s26, v1;
	[tilespmem:s22+$0x0] =	vst v13  }
0x25c: {  	v22 =	vor.u32 s7, v1;
	v21 =	vor.u32 s0, v2;
	v10 =	vmax.f32 v10, $-1.000000000e+00;
	v12 =	vld.idx.msk [tilespmem:v12+s13+$0x0], $0xffff  }
0x25d: {  	v17 =	vor.u32 s25, v1;
	v7 =	vld.idx.msk [tilespmem:v7+s13+$0x0], $0xffff;
	v6 =	vmax.f32 v6, $-1.000000000e+00;
	v10 =	vmin.f32 v10, $1.000000000e+00  }
0x25e: {  	v15 =	vor.u32 s3, v1;
	v8 =	vld.idx.msk [tilespmem:v8+s13+$0x0], $0xffff;
	v11 =	vmax.f32 v11, $-1.000000000e+00;
	v6 =	vmin.f32 v6, $1.000000000e+00;
	[tilespmem:s22+$0x100] =	vst v10  }
0x25f: {  	v19 =	vor.u32 s8, v3;
	s2 =	simm.s32 $0x600;
	v14 =	vld.idx.msk [tilespmem:v14+s13+$0x0], $0xffff;
	v9 =	vmax.f32 v9, $-1.000000000e+00;
	v10 =	vmin.f32 v11, $1.000000000e+00;
	[tilespmem:s22+$0xFFFFFE00] =	vst v6  }
0x260: {  	v26 =	vor.u32 s2, v0;
	v5 =	vor.u32 s8, v1;
	v6 =	vmin.f32 v9, $1.000000000e+00;
	[tilespmem:s22+$0xFFFFFF80] =	vst v10;
	v10 =	vld.idx.msk [tilespmem:v18+s13+$0x0], $0xffff  }
0x261: {  	v13 =	vor.u32 s8, v2;
	[tilespmem:s22+$0x80] =	vst v6;
	v18 =	vld.idx.msk [tilespmem:v22+s13+$0x0], $0xffff;
	v22 =	vor.u32 s8, v4;
	s8 =	simm.s32 $0x780;
	v11 =	vmax.f32 v12, $-1.000000000e+00  }
0x262: {  	s9 =	simm.s32 $0x700;
	v17 =	vld.idx.msk [tilespmem:v17+s13+$0x0], $0xffff;
	v30 =	vor.u32 s8, v0;
	v11 =	vmin.f32 v11, $1.000000000e+00  }
0x263: {  	v59 =	vor.u32 s9, v0;
	s24 =	simm.s32 $0x880;
	[tilespmem:s22+$0x10] =	vst v11;
	v11 =	vld.idx.msk [tilespmem:v15+s13+$0x0], $0xffff  }
0x264: {  	v47 =	vor.u32 s24, v0;
	v9 =	vld.idx.msk [tilespmem:v21+s13+$0x0], $0xffff;
	[tilespmem:$0x1FFD0] =	vst v22  }
0x265: {  	v48 =	vor.u32 s7, v2;
	v63 =	vor.u32 s16, v1;
	v16 =	vor.u32 s5, v1;
	v26 =	vld.idx.msk [tilespmem:v26+s13+$0x0], $0xffff  }
0x266: {  	v49 =	vor.u32 s7, v3;
	v32 =	vor.u32 s16, v2;
	v12 =	vor.u32 s14, v1;
	v60 =	vld.idx.msk [tilespmem:v27+s13+$0x0], $0xffff  }
0x267: {  	v23 =	vor.u32 s5, v2;
	v55 =	vor.u32 s26, v2;
	v7 =	vmax.f32 v7, $-1.000000000e+00;
	v62 =	vld.idx.msk [tilespmem:v30+s13+$0x0], $0xffff  }
0x268: {  	v8 =	vmax.f32 v8, $-1.000000000e+00;
	v7 =	vmin.f32 v7, $1.000000000e+00;
	v10 =	vmax.f32 v10, $-1.000000000e+00;
	v51 =	vld.idx.msk [tilespmem:v59+s13+$0x0], $0xffff  }
0x269: {  	s4 =	simm.s32 $0x400;
	s23 =	simm.s32 $0x500;
	v24 =	vmin.f32 v8, $1.000000000e+00;
	v57 =	vmin.f32 v10, $1.000000000e+00;
	v10 =	vmax.f32 v18, $-1.000000000e+00;
	[tilespmem:s22+$0xFFFFFE80] =	vst v7;
	v47 =	vld.idx.msk [tilespmem:v47+s13+$0x0], $0xffff  }
0x26a: {  	s6 =	simm.s32 $0x480;
	v34 =	vor.u32 s23, v1;
	v15 =	vor.u32 s4, v0;
	v10 =	vmin.f32 v10, $1.000000000e+00;
	[tilespmem:s22+$0xFFFFFF00] =	vst v24;
	v16 =	vld.idx.msk [tilespmem:v16+s13+$0x0], $0xffff  }
0x26b: {  	v25 =	vor.u32 s5, v3;
	v8 =	vmax.f32 v14, $-1.000000000e+00;
	v21 =	vor.u32 s6, v0;
	[tilespmem:s22+$0xFFFFFE10] =	vst v10;
	v12 =	vld.idx.msk [tilespmem:v12+s13+$0x0], $0xffff  }
0x26c: {  	s21 =	simm.s32 $0x580;
	v61 =	vor.u32 s0, v3;
	v29 =	vmin.f32 v8, $1.000000000e+00;
	v22 =	vor.u32 s23, v0;
	[tilespmem:s22+$0x110] =	vst v57;
	v52 =	vld.idx.msk [tilespmem:v48+s13+$0x0], $0xffff  }
0x26d: {  	v40 =	vor.u32 s21, v1;
	v28 =	vor.u32 s25, v2;
	v7 =	vor.u32 s21, v0;
	[tilespmem:s22+$0x180] =	vst v29;
	v55 =	vld.idx.msk [tilespmem:v55+s13+$0x0], $0xffff  }
0x26e: {  	v39 =	vor.u32 s25, v4;
	v20 =	vor.u32 s3, v2;
	v50 =	vor.u32 s2, v1;
	v59 =	vld.idx.msk [tilespmem:v5+s13+$0x0], $0xffff  }
0x26f: {  	v14 =	vor.u32 s14, v2;
	v8 =	vor.u32 s3, v3;
	v56 =	vld.idx.msk [tilespmem:v15+s13+$0x0], $0xffff;
	v11 =	vmax.f32 v11, $-1.000000000e+00  }
0x270: {  	v6 =	vor.u32 s5, v4;
	v9 =	vmax.f32 v9, $-1.000000000e+00;
	v58 =	vld.idx.msk [tilespmem:v21+s13+$0x0], $0xffff;
	v11 =	vmin.f32 v11, $1.000000000e+00  }
0x271: {  	v17 =	vmax.f32 v17, $-1.000000000e+00;
	v22 =	vld.idx.msk [tilespmem:v22+s13+$0x0], $0xffff;
	v9 =	vmin.f32 v9, $1.000000000e+00;
	[tilespmem:s22+$0xFFFFFF90] =	vst v11;
	v16 =	vmax.f32 v16, $-1.000000000e+00  }
0x272: {  	v35 =	vor.u32 s8, v1;
	v17 =	vmin.f32 v17, $1.000000000e+00;
	v7 =	vld.idx.msk [tilespmem:v7+s13+$0x0], $0xffff;
	[tilespmem:s22+$0x20] =	vst v9;
	v16 =	vmin.f32 v16, $1.000000000e+00  }
0x273: {  	s28 =	simm.s32 $0xA80;
	v41 =	vmax.f32 v60, $-1.000000000e+00;
	v12 =	vmax.f32 v12, $-1.000000000e+00;
	v20 =	vld.idx.msk [tilespmem:v20+s13+$0x0], $0xffff;
	v9 =	vmax.f32 v52, $-1.000000000e+00;
	[tilespmem:s22+$0xFFFFFE90] =	vst v16  }
0x274: {  	[tilespmem:s22+$0x90] =	vst v17;
	v36 =	vmax.f32 v59, $-1.000000000e+00;
	v59 =	vor.u32 s28, v0;
	v9 =	vmin.f32 v9, $1.000000000e+00;
	v23 =	vld.idx.msk [tilespmem:v23+s13+$0x0], $0xffff  }
0x275: {  	v12 =	vmin.f32 v12, $1.000000000e+00;
	v16 =	vmax.f32 v26, $-1.000000000e+00;
	[tilespmem:s22+$0xFFFFFE20] =	vst v9;
	v27 =	vmax.f32 v58, $-1.000000000e+00;
	v58 =	vld.idx.msk [tilespmem:v61+s13+$0x0], $0xffff  }
0x276: {  	s20 =	simm.s32 $0xC600;
	v57 =	vmax.f32 v62, $-1.000000000e+00;
	v17 =	vmax.f32 v56, $-1.000000000e+00;
	[tilespmem:s22+$0xFFFFFF10] =	vst v12;
	v16 =	vmin.f32 v16, $1.000000000e+00;
	v60 =	vld.idx.msk [tilespmem:v49+s13+$0x0], $0xffff  }
0x277: {  	v33 =	vmin.f32 v57, $1.000000000e+00;
	v53 =	vmin.f32 v17, $1.000000000e+00;
	v17 =	vor.u32 s9, v1;
	v14 =	vld.idx.msk [tilespmem:v14+s13+$0x0], $0xffff;
	[tilespmem:s20+$0x0] =	vst v16  }
0x278: {  	s31 =	simm.s32 $0xB80;
	v36 =	vmin.f32 v36, $1.000000000e+00;
	[tilespmem:s20+$0x180] =	vst v33;
	v61 =	vor.u32 s4, v1;
	v7 =	vmax.f32 v7, $-1.000000000e+00;
	v54 =	vld.idx.msk [tilespmem:v50+s13+$0x0], $0xffff  }
0x279: {  	[tilespmem:s22+$0x190] =	vst v36;
	v16 =	vld.idx.msk [tilespmem:v28+s13+$0x0], $0xffff;
	v28 =	vmax.f32 v51, $-1.000000000e+00;
	v51 =	vor.u32 s31, v0;
	v29 =	vmin.f32 v7, $1.000000000e+00  }
0x27a: {  	v18 =	vor.u32 s6, v1;
	v62 =	vor.u32 s0, v4;
	v11 =	vmin.f32 v28, $1.000000000e+00;
	v48 =	vld.idx.msk [tilespmem:v59+s13+$0x0], $0xffff;
	[tilespmem:s20+$0xFFFFFF80] =	vst v29  }
0x27b: {  	v30 =	vor.u32 s26, v4;
	v28 =	vor.u32 s2, v2;
	[tilespmem:s20+$0x100] =	vst v11;
	v40 =	vld.idx.msk [tilespmem:v40+s13+$0x0], $0xffff  }
0x27c: {  	v10 =	vor.u32 s8, v2;
	v38 =	vmin.f32 v27, $1.000000000e+00;
	[tilespmem:s20+$0xFFFFFE00] =	vst v53;
	v42 =	vld.idx.msk [tilespmem:v17+s13+$0x0], $0xffff;
	v37 =	vmax.f32 v58, $-1.000000000e+00  }
0x27d: {  	v15 =	vor.u32 s26, v3;
	[tilespmem:s20+$0xFFFFFE80] =	vst v38;
	v57 =	vld.idx.msk [tilespmem:v61+s13+$0x0], $0xffff;
	v37 =	vmin.f32 v37, $1.000000000e+00;
	v17 =	vmax.f32 v54, $-1.000000000e+00  }
0x27e: {  	v56 =	vor.u32 s25, v3;
	v22 =	vmax.f32 v22, $-1.000000000e+00;
	v50 =	vld.idx.msk [tilespmem:v51+s13+$0x0], $0xffff;
	[tilespmem:s22+$0x30] =	vst v37;
	v5 =	vmin.f32 v17, $1.000000000e+00  }
0x27f: {  	s26 =	simm.s32 $0x800;
	v29 =	vor.u32 s9, v2;
	v16 =	vmax.f32 v16, $-1.000000000e+00;
	[tilespmem:s20+$0x10] =	vst v5;
	v5 =	vmin.f32 v41, $1.000000000e+00;
	v41 =	vld.idx.msk [tilespmem:v62+s13+$0x0], $0xffff  }
0x280: {  	s25 =	simm.s32 $0x900;
	v22 =	vmin.f32 v22, $1.000000000e+00;
	v9 =	vmin.f32 v16, $1.000000000e+00;
	v16 =	vld.idx.msk [tilespmem:v28+s13+$0x0], $0xffff;
	[tilespmem:s20+$0x80] =	vst v5;
	v28 =	vor.u32 s26, v0  }
0x281: {  	[tilespmem:s20+$0xFFFFFF00] =	vst v22;
	v43 =	vmax.f32 v60, $-1.000000000e+00;
	v60 =	vmax.f32 v42, $-1.000000000e+00;
	v44 =	vld.idx.msk [tilespmem:v63+s13+$0x0], $0xffff;
	v63 =	vor.u32 s25, v0  }
0x282: {  	v24 =	vor.u32 s7, v4;
	v23 =	vmax.f32 v23, $-1.000000000e+00;
	[tilespmem:s22+$0xA0] =	vst v9;
	v42 =	vld.idx.msk [tilespmem:v13+s13+$0x0], $0xffff;
	v13 =	vmin.f32 v60, $1.000000000e+00  }
0x283: {  	v49 =	vor.u32 s4, v2;
	v23 =	vmin.f32 v23, $1.000000000e+00;
	v46 =	vld.idx.msk [tilespmem:v56+s13+$0x0], $0xffff;
	v62 =	vmax.f32 v40, $-1.000000000e+00;
	[tilespmem:s20+$0x110] =	vst v13  }
0x284: {  	s30 =	simm.s32 $0xA00;
	v21 =	vor.u32 s14, v3;
	[tilespmem:s22+$0xFFFFFEA0] =	vst v23;
	v61 =	vmax.f32 v57, $-1.000000000e+00;
	v37 =	vmin.f32 v62, $1.000000000e+00;
	v57 =	vld.idx.msk [tilespmem:v29+s13+$0x0], $0xffff  }
0x285: {  	v58 =	vor.u32 s30, v0;
	v36 =	vmin.f32 v61, $1.000000000e+00;
	v60 =	vmax.f32 v14, $-1.000000000e+00;
	[tilespmem:s20+$0xFFFFFF90] =	vst v37;
	v52 =	vld.idx.msk [tilespmem:v28+s13+$0x0], $0xffff  }
0x286: {  	v45 =	vmax.f32 v55, $-1.000000000e+00;
	v55 =	vor.u32 s4, v3;
	[tilespmem:s20+$0xFFFFFE10] =	vst v36;
	v29 =	vmin.f32 v60, $1.000000000e+00;
	v38 =	vld.idx.msk [tilespmem:v63+s13+$0x0], $0xffff  }
0x287: {  	s0 =	simm.s32 $0xB00;
	v26 =	vor.u32 s6, v2;
	v22 =	vmax.f32 v41, $-1.000000000e+00;
	[tilespmem:s22+$0xFFFFFF20] =	vst v29;
	v28 =	vmin.f32 v45, $1.000000000e+00;
	v63 =	vld.idx.msk [tilespmem:v18+s13+$0x0], $0xffff  }
0x288: {  	v27 =	vor.u32 s21, v2;
	v49 =	vld.idx.msk [tilespmem:v49+s13+$0x0], $0xffff;
	v45 =	vor.u32 s0, v0;
	v22 =	vmin.f32 v22, $1.000000000e+00;
	[tilespmem:s22+$0x120] =	vst v28  }
0x289: {  	v54 =	vmax.f32 v16, $-1.000000000e+00;
	v40 =	vmax.f32 v44, $-1.000000000e+00;
	v28 =	vmin.f32 v43, $1.000000000e+00;
	v44 =	vld.idx.msk [tilespmem:v34+s13+$0x0], $0xffff;
	[tilespmem:s22+$0x40] =	vst v22  }
0x28a: {  	s29 =	simm.s32 $0x980;
	v20 =	vmax.f32 v20, $-1.000000000e+00;
	v60 =	vmax.f32 v47, $-1.000000000e+00;
	v43 =	vld.idx.msk [tilespmem:v58+s13+$0x0], $0xffff;
	v47 =	vmin.f32 v54, $1.000000000e+00;
	[tilespmem:s22+$0xFFFFFE30] =	vst v28  }
0x28b: {  	v53 =	vor.u32 s29, v0;
	v61 =	vmax.f32 v42, $-1.000000000e+00;
	v58 =	vmin.f32 v20, $1.000000000e+00;
	[tilespmem:s20+$0x20] =	vst v47;
	v54 =	vld.idx.msk [tilespmem:v24+s13+$0x0], $0xffff  }
0x28c: {  	v7 =	vor.u32 s21, v3;
	[tilespmem:s22+$0xFFFFFFA0] =	vst v58;
	v62 =	vmax.f32 v63, $-1.000000000e+00;
	v63 =	vld.idx.msk [tilespmem:v15+s13+$0x0], $0xffff;
	v15 =	vmin.f32 v61, $1.000000000e+00  }
0x28d: {  	v41 =	vor.u32 s30, v1;
	v20 =	vmax.f32 v46, $-1.000000000e+00;
	v45 =	vld.idx.msk [tilespmem:v45+s13+$0x0], $0xffff;
	v29 =	vmin.f32 v62, $1.000000000e+00;
	[tilespmem:s22+$0x1A0] =	vst v15  }
0x28e: {  	v11 =	vor.u32 s8, v3;
	v46 =	vmin.f32 v20, $1.000000000e+00;
	v37 =	vmax.f32 v44, $-1.000000000e+00;
	[tilespmem:s20+$0xFFFFFE90] =	vst v29;
	v44 =	vld.idx.msk [tilespmem:v19+s13+$0x0], $0xffff  }
0x28f: {  	v51 =	vor.u32 s2, v3;
	[tilespmem:s22+$0xB0] =	vst v46;
	v24 =	vmax.f32 v43, $-1.000000000e+00;
	v43 =	vld.idx.msk [tilespmem:v26+s13+$0x0], $0xffff;
	v26 =	vmin.f32 v40, $1.000000000e+00  }
0x290: {  	v34 =	vor.u32 s14, v4;
	s14 =	simm.s32 $0xCA00;
	v24 =	vmin.f32 v24, $1.000000000e+00;
	[tilespmem:s20+$0x90] =	vst v26;
	v26 =	vmax.f32 v52, $-1.000000000e+00;
	v52 =	vld.idx.msk [tilespmem:v53+s13+$0x0], $0xffff  }
0x291: {  	v23 =	vor.u32 s24, v1;
	v46 =	vmin.f32 v60, $1.000000000e+00;
	[tilespmem:s14+$0x0] =	vst v24;
	v53 =	vor.u32 s0, v1  }
0x292: {  	v59 =	vmax.f32 v48, $-1.000000000e+00;
	[tilespmem:s14+$0xFFFFFE80] =	vst v46;
	v41 =	vld.idx.msk [tilespmem:v41+s13+$0x0], $0xffff;
	v62 =	vmin.f32 v26, $1.000000000e+00;
	v63 =	vmax.f32 v63, $-1.000000000e+00  }
0x293: {  	v46 =	vmax.f32 v49, $-1.000000000e+00;
	v19 =	vmax.f32 v45, $-1.000000000e+00;
	v45 =	vld.idx.msk [tilespmem:v32+s13+$0x0], $0xffff;
	[tilespmem:s14+$0xFFFFFE00] =	vst v62;
	v32 =	vmin.f32 v63, $1.000000000e+00  }
0x294: {  	v61 =	vmax.f32 v38, $-1.000000000e+00;
	v19 =	vmin.f32 v19, $1.000000000e+00;
	[tilespmem:s22+$0x130] =	vst v32;
	v32 =	vmax.f32 v50, $-1.000000000e+00  }
0x295: {  	[tilespmem:s14+$0x100] =	vst v19;
	v62 =	vld.idx.msk [tilespmem:v25+s13+$0x0], $0xffff;
	v25 =	vmax.f32 v44, $-1.000000000e+00;
	v50 =	vmax.f32 v52, $-1.000000000e+00;
	v52 =	vmin.f32 v46, $1.000000000e+00  }
0x296: {  	v17 =	vor.u32 s23, v2;
	v36 =	vmin.f32 v61, $1.000000000e+00;
	v42 =	vld.idx.msk [tilespmem:v53+s13+$0x0], $0xffff;
	v53 =	vmin.f32 v25, $1.000000000e+00;
	[tilespmem:s20+$0xFFFFFE20] =	vst v52  }
0x297: {  	v58 =	vmax.f32 v54, $-1.000000000e+00;
	v61 =	vmax.f32 v43, $-1.000000000e+00;
	v43 =	vld.idx.msk [tilespmem:v30+s13+$0x0], $0xffff;
	v30 =	vmin.f32 v50, $1.000000000e+00;
	[tilespmem:s22+$0x1B0] =	vst v53  }
0x298: {  	v50 =	vmin.f32 v59, $1.000000000e+00;
	v59 =	vmin.f32 v58, $1.000000000e+00;
	[tilespmem:s14+$0xFFFFFF80] =	vst v30;
	v30 =	vmax.f32 v41, $-1.000000000e+00  }
0x299: {  	v9 =	vor.u32 s8, v4;
	v56 =	vor.u32 s29, v1;
	v48 =	vld.idx.msk [tilespmem:v21+s13+$0x0], $0xffff;
	[tilespmem:s22+$0xFFFFFE40] =	vst v59;
	v25 =	vmin.f32 v30, $1.000000000e+00  }
0x29a: {  	v12 =	vor.u32 s6, v3;
	v5 =	vor.u32 s6, v4;
	v14 =	vor.u32 s9, v4;
	v31 =	vld.idx.msk [tilespmem:v51+s13+$0x0], $0xffff;
	[tilespmem:s14+$0x10] =	vst v25  }
0x29b: {  	v13 =	vor.u32 s31, v1;
	v16 =	vor.u32 s9, v3;
	v21 =	vor.u32 s24, v2;
	v41 =	vld [tilespmem:$0x1FFD0]  }
0x29c: {  	v18 =	vor.u32 s23, v3;
	v22 =	vor.u32 s31, v2;
	v28 =	vor.u32 s28, v1  }
0x29d: {  	v20 =	vor.u32 s4, v4;
	v47 =	vor.u32 s26, v1;
	v60 =	vor.u32 s30, v2  }
0x29e: {  	v33 =	vld.idx.msk [tilespmem:v27+s13+$0x0], $0xffff;
	v48 =	vmax.f32 v48, $-1.000000000e+00;
	v38 =	vor.u32 s16, v3;
	v15 =	vor.u32 s29, v2  }
0x29f: {  	v29 =	vor.u32 s3, v4;
	v24 =	vor.u32 s28, v2;
	v54 =	vmax.f32 v31, $-1.000000000e+00;
	v40 =	vld.idx.msk [tilespmem:v39+s13+$0x0], $0xffff  }
0x2a0: {  	v26 =	vor.u32 s25, v1;
	v19 =	vor.u32 s31, v3;
	v63 =	vmin.f32 v48, $1.000000000e+00;
	v48 =	vld.idx.msk [tilespmem:v35+s13+$0x0], $0xffff  }
0x2a1: {  	v35 =	vor.u32 s25, v2;
	v27 =	vmin.f32 v32, $1.000000000e+00;
	v51 =	vmax.f32 v45, $-1.000000000e+00;
	v44 =	vld.idx.msk [tilespmem:v55+s13+$0x0], $0xffff  }
0x2a2: {  	v32 =	vor.u32 s29, v3;
	v45 =	vmax.f32 v57, $-1.000000000e+00;
	v52 =	vmin.f32 v51, $1.000000000e+00;
	v39 =	vld.idx.msk [tilespmem:v56+s13+$0x0], $0xffff  }
0x2a3: {  	v51 =	vmin.f32 v61, $1.000000000e+00;
	v53 =	vmax.f32 v62, $-1.000000000e+00;
	v30 =	vor.u32 s0, v2;
	v46 =	vld.idx.msk [tilespmem:v41+s13+$0x0], $0xffff  }
0x2a4: {  	v25 =	vor.u32 s16, v4;
	v49 =	vmax.f32 v43, $-1.000000000e+00;
	v43 =	vor.u32 s2, v4;
	s16 =	simm.s32 $0x18;
	s2 =	simm.s32 $0xCA00;
	[tilespmem:s22+$0xFFFFFF30] =	vst v63;
	v41 =	vld.idx.msk [tilespmem:v60+s13+$0x0], $0xffff  }
.LBB2_8:
0x2a5: {  	s5 =	sshll.u32 s16, $0x7;
	p0 =	slt.u32 s16, $0x78;
	s16 =	sadd.s32 $0x8, s16;
	v55 =	vor.u32 s24, v4;
	[tilespmem:s14+$0x80] =	vst v50;
	v31 =	vor.u32 s31, v4;
	v50 =	vld.idx.msk [tilespmem:v8+s13+$0x0], $0xffff;
	v40 =	vmax.f32 v40, $-1.000000000e+00;
	v8 =	vmovc v7;
	v7 =	vmovc v32  }
0x2a6: {  	v32 =	vmin.f32 v54, $1.000000000e+00;
	v48 =	vmax.f32 v48, $-1.000000000e+00;
	v56 =	vor.u32 s5, v0;
	s9 =	sadd.s32 $0x80, s5;
	s6 =	sadd.s32 $0x100, s5;
	s7 =	sadd.s32 $0x180, s5;
	v28 =	vld.idx.msk [tilespmem:v28+s13+$0x0], $0xffff;
	[tilespmem:s20+$0xA0] =	vst v52  }
0x2a7: {  	s3 =	sadd.s32 $0x200, s5;
	s4 =	sadd.s32 $0x280, s5;
	s8 =	sadd.s32 $0x300, s5;
	v52 =	vor.u32 s9, v0;
	v54 =	vor.u32 s6, v0;
	[tilespmem:s20+$0x30] =	vst v32;
	v57 =	vld.idx.msk [tilespmem:v38+s13+$0x0], $0xffff;
	v38 =	vmin.f32 v53, $1.000000000e+00  }
0x2a8: {  	s31 =	sadd.s32 $0x380, s5;
	v44 =	vmax.f32 v44, $-1.000000000e+00;
	v53 =	vor.u32 s3, v0;
	v58 =	vor.u32 s4, v0;
	v47 =	vld.idx.msk [tilespmem:v47+s13+$0x0], $0xffff;
	[tilespmem:s20+$0xFFFFFEA0] =	vst v51  }
0x2a9: {  	v49 =	vmin.f32 v49, $1.000000000e+00;
	v32 =	vor.u32 s24, v3;
	s24 =	smov.u32 s9;
	v51 =	vor.u32 s31, v0;
	[tilespmem:s22+$0xFFFFFEB0] =	vst v38;
	v34 =	vld.idx.msk [tilespmem:v34+s13+$0x0], $0xffff  }
0x2aa: {  	v37 =	vmin.f32 v37, $1.000000000e+00;
	v48 =	vmin.f32 v48, $1.000000000e+00;
	v38 =	vor.u32 s7, v0;
	v59 =	vld.idx.msk [tilespmem:v6+s13+$0x0], $0xffff;
	[tilespmem:s22+$0x140] =	vst v49;
	v6 =	vmovc v5;
	v5 =	vmovc v55  }
0x2ab: {  	v49 =	vmax.f32 v41, $-1.000000000e+00;
	v41 =	vmin.f32 v45, $1.000000000e+00;
	[tilespmem:s20+$0xFFFFFF10] =	vst v37;
	v37 =	vld.idx.msk [tilespmem:v43+s13+$0x0], $0xffff;
	v43 =	vmax.f32 v50, $-1.000000000e+00  }
0x2ac: {  	v42 =	vmax.f32 v42, $-1.000000000e+00;
	v50 =	vor.u32 s0, v3;
	v45 =	vld.idx.msk [tilespmem:v56+s13+$0x0], $0xffff;
	[tilespmem:s20+$0x190] =	vst v48;
	v43 =	vmin.f32 v43, $1.000000000e+00  }
0x2ad: {  	v42 =	vmin.f32 v42, $1.000000000e+00;
	v40 =	vmin.f32 v40, $1.000000000e+00;
	v48 =	vld.idx.msk [tilespmem:v17+s13+$0x0], $0xffff;
	[tilespmem:s22+$0xFFFFFFB0] =	vst v43;
	v43 =	vmax.f32 v46, $-1.000000000e+00;
	v17 =	vmovc v35  }
0x2ae: {  	v33 =	vmax.f32 v33, $-1.000000000e+00;
	v39 =	vmax.f32 v39, $-1.000000000e+00;
	v35 =	vmax.f32 v47, $-1.000000000e+00;
	[tilespmem:s14+$0x110] =	vst v42;
	v29 =	vld.idx.msk [tilespmem:v29+s13+$0x0], $0xffff  }
0x2af: {  	v46 =	vmax.f32 v28, $-1.000000000e+00;
	v42 =	vmin.f32 v35, $1.000000000e+00;
	v28 =	vmin.f32 v43, $1.000000000e+00;
	[tilespmem:s20+$0x120] =	vst v41;
	v47 =	vld.idx.msk [tilespmem:v10+s13+$0x0], $0xffff;
	v10 =	vmovc v22  }
0x2b0: {  	v34 =	vmax.f32 v34, $-1.000000000e+00;
	v22 =	vor.u32 s8, v0;
	v54 =	vld.idx.msk [tilespmem:v54+s13+$0x0], $0xffff;
	[tilespmem:s14+$0xFFFFFF00] =	vst v36;
	v36 =	vmin.f32 v39, $1.000000000e+00  }
0x2b1: {  	v55 =	vor.u32 s26, v2;
	v35 =	vor.u32 s26, v3;
	v56 =	vld.idx.msk [tilespmem:v23+s13+$0x0], $0xffff;
	v23 =	vmin.f32 v34, $1.000000000e+00;
	[tilespmem:s22+$0x1C0] =	vst v28  }
0x2b2: {  	v39 =	vor.u32 s31, v1;
	v37 =	vmax.f32 v37, $-1.000000000e+00;
	v28 =	vmin.f32 v44, $1.000000000e+00;
	v34 =	vld.idx.msk [tilespmem:v52+s13+$0x0], $0xffff;
	[tilespmem:s22+$0xFFFFFF40] =	vst v23  }
0x2b3: {  	v23 =	vor.u32 s24, v1;
	v48 =	vmax.f32 v48, $-1.000000000e+00;
	v52 =	vmax.f32 v59, $-1.000000000e+00;
	v44 =	vld.idx.msk [tilespmem:v53+s13+$0x0], $0xffff;
	[tilespmem:s22+$0xC0] =	vst v40  }
0x2b4: {  	v41 =	vor.u32 s7, v1;
	v53 =	vor.u32 s25, v3;
	v40 =	vld.idx.msk [tilespmem:v58+s13+$0x0], $0xffff;
	[tilespmem:s20+$0xFFFFFE30] =	vst v28;
	v28 =	vmax.f32 v29, $-1.000000000e+00  }
0x2b5: {  	s14 =	sadd.s32 $0x400, s14;
	v58 =	vor.u32 s0, v4;
	s0 =	smov.u32 s8;
	v51 =	vld.idx.msk [tilespmem:v51+s13+$0x0], $0xffff;
	[tilespmem:s2+$0xFFFFFE10] =	vst v42;
	v42 =	vor.u32 s30, v3;
	v29 =	vmin.f32 v28, $1.000000000e+00  }
0x2b6: {  	v47 =	vmax.f32 v47, $-1.000000000e+00;
	v28 =	vor.u32 s4, v1;
	v43 =	vld.idx.msk [tilespmem:v30+s13+$0x0], $0xffff;
	v30 =	vmin.f32 v48, $1.000000000e+00;
	[tilespmem:s22+$0xFFFFFFC0] =	vst v29  }
0x2b7: {  	v48 =	vor.u32 s3, v1;
	v29 =	vmax.f32 v56, $-1.000000000e+00;
	v26 =	vld.idx.msk [tilespmem:v26+s13+$0x0], $0xffff;
	[tilespmem:s20+$0xFFFFFF20] =	vst v30;
	v30 =	vmin.f32 v52, $1.000000000e+00  }
0x2b8: {  	v37 =	vmin.f32 v37, $1.000000000e+00;
	v47 =	vmin.f32 v47, $1.000000000e+00;
	v29 =	vmin.f32 v29, $1.000000000e+00;
	v52 =	vld.idx.msk [tilespmem:v16+s13+$0x0], $0xffff;
	[tilespmem:s22+$0xFFFFFEC0] =	vst v30;
	v16 =	vmovc v50;
	s22 =	smov.u32 s20;
	s20 =	smov.u32 s2;
	s2 =	smov.u32 s14  }
0x2b9: {  	v50 =	vmin.f32 v33, $1.000000000e+00;
	v33 =	vmax.f32 v57, $-1.000000000e+00;
	v30 =	vld.idx.msk [tilespmem:v55+s13+$0x0], $0xffff;
	[tilespmem:s20+$0xFFFFFE90] =	vst v29;
	v29 =	vor.u32 s21, v4;
	s21 =	smov.u32 s29;
	s29 =	smov.u32 s7  }
0x2ba: {  	v55 =	vmax.f32 v34, $-1.000000000e+00;
	v34 =	vor.u32 s23, v4;
	v33 =	vmin.f32 v33, $1.000000000e+00;
	s23 =	smov.u32 s25;
	s25 =	smov.u32 s6;
	v56 =	vld.idx.msk [tilespmem:v22+s13+$0x0], $0xffff;
	[tilespmem:s22+$0x40] =	vst v37  }
0x2bb: {  	v49 =	vmin.f32 v49, $1.000000000e+00;
	v22 =	vor.u32 s31, v2;
	v57 =	vld.idx.msk [tilespmem:v20+s13+$0x0], $0xffff;
	v20 =	vor.u32 s26, v4;
	[tilespmem:s22+$0xB0] =	vst v33;
	s26 =	smov.u32 s5  }
0x2bc: {  	v55 =	vmin.f32 v55, $1.000000000e+00;
	v33 =	vmax.f32 v44, $-1.000000000e+00;
	v44 =	vld.idx.msk [tilespmem:v21+s13+$0x0], $0xffff;
	v21 =	vmin.f32 v46, $1.000000000e+00;
	[tilespmem:s22+$0x1A0] =	vst v47  }
0x2bd: {  	v46 =	vmax.f32 v54, $-1.000000000e+00;
	v47 =	vor.u32 s29, v2;
	v54 =	vmax.f32 v40, $-1.000000000e+00;
	[tilespmem:s20+$0x90] =	vst v21;
	v59 =	vld.idx.msk [tilespmem:v18+s13+$0x0], $0xffff;
	v18 =	vmovc v53  }
0x2be: {  	v37 =	vmax.f32 v45, $-1.000000000e+00;
	v33 =	vmin.f32 v33, $1.000000000e+00;
	v21 =	vor.u32 s24, v2;
	v45 =	vld.idx.msk [tilespmem:v38+s13+$0x0], $0xffff;
	[tilespmem:s20+$0xFFFFFF90] =	vst v36  }
0x2bf: {  	v53 =	vor.u32 s0, v1;
	v36 =	vmin.f32 v37, $1.000000000e+00;
	v37 =	vmax.f32 v26, $-1.000000000e+00;
	[tilespmem:s20+$0x180] =	vst v27;
	v60 =	vld.idx.msk [tilespmem:v11+s13+$0x0], $0xffff;
	v11 =	vmovc v19  }
0x2c0: {  	v26 =	vor.u32 s25, v1;
	v19 =	vmax.f32 v56, $-1.000000000e+00;
	v27 =	vmax.f32 v52, $-1.000000000e+00;
	[tilespmem:s14+$0x0] =	vst v33;
	v56 =	vld.idx.msk [tilespmem:v24+s13+$0x0], $0xffff  }
0x2c1: {  	v24 =	vor.u32 s4, v2;
	v19 =	vmin.f32 v19, $1.000000000e+00;
	v27 =	vmin.f32 v27, $1.000000000e+00;
	[tilespmem:s14+$0xFFFFFE00] =	vst v36;
	v48 =	vld.idx.msk [tilespmem:v48+s13+$0x0], $0xffff  }
0x2c2: {  	v61 =	vor.u32 s3, v2;
	v38 =	vor.u32 s28, v3;
	v36 =	vmin.f32 v46, $1.000000000e+00;
	v40 =	vld.idx.msk [tilespmem:v25+s13+$0x0], $0xffff;
	[tilespmem:s22+$0x130] =	vst v27  }
0x2c3: {  	v25 =	vmax.f32 v51, $-1.000000000e+00;
	v51 =	vmax.f32 v44, $-1.000000000e+00;
	v44 =	vmax.f32 v59, $-1.000000000e+00;
	v33 =	vld.idx.msk [tilespmem:v15+s13+$0x0], $0xffff;
	[tilespmem:s20+$0x20] =	vst v49;
	v15 =	vmovc v47  }
0x2c4: {  	v45 =	vmax.f32 v45, $-1.000000000e+00;
	v27 =	vmin.f32 v25, $1.000000000e+00;
	[tilespmem:s14+$0x100] =	vst v19;
	v19 =	vor.u32 s31, v3;
	v46 =	vld.idx.msk [tilespmem:v14+s13+$0x0], $0xffff;
	v14 =	vmovc v58  }
0x2c5: {  	v30 =	vmax.f32 v30, $-1.000000000e+00;
	v25 =	vmin.f32 v45, $1.000000000e+00;
	v58 =	vmin.f32 v44, $1.000000000e+00;
	[tilespmem:s14+$0xFFFFFE80] =	vst v55;
	v55 =	vld.idx.msk [tilespmem:v12+s13+$0x0], $0xffff;
	v12 =	vmovc v32  }
0x2c6: {  	v32 =	vor.u32 s29, v3;
	v52 =	vmax.f32 v56, $-1.000000000e+00;
	[tilespmem:s14+$0xFFFFFF80] =	vst v25;
	v59 =	vld.idx.msk [tilespmem:v42+s13+$0x0], $0xffff;
	v25 =	vmax.f32 v60, $-1.000000000e+00  }
0x2c7: {  	v45 =	vmin.f32 v30, $1.000000000e+00;
	v44 =	vmax.f32 v48, $-1.000000000e+00;
	v42 =	vld.idx.msk [tilespmem:v53+s13+$0x0], $0xffff;
	[tilespmem:s22+$0xFFFFFFA0] =	vst v50;
	v53 =	vmin.f32 v25, $1.000000000e+00  }
.Ltmp3:
0x2c8: {  	v30 =	vor.u32 s0, v2;
	v25 =	vmin.f32 v44, $1.000000000e+00;
	[tilespmem:s20+$0xFFFFFE20] =	vst v45;
	v48 =	vld.idx.msk [tilespmem:v13+s13+$0x0], $0xffff;
	v45 =	vmax.f32 v57, $-1.000000000e+00;
	v13 =	vmovc v39;
	(pc) =	sbr.rel @p0 .LBB2_8-.Ltmp3, $4  }
0x2c9: {  	v50 =	vmin.f32 v54, $1.000000000e+00;
	[tilespmem:s14+$0x10] =	vst v25;
	v44 =	vld.idx.msk [tilespmem:v35+s13+$0x0], $0xffff;
	v25 =	vor.u32 s28, v4;
	v54 =	vmin.f32 v45, $1.000000000e+00;
	s28 =	smov.u32 s4  }
0x2ca: {  	v47 =	vor.u32 s26, v1;
	v45 =	vmax.f32 v43, $-1.000000000e+00;
	v49 =	vmax.f32 v46, $-1.000000000e+00;
	v39 =	vld.idx.msk [tilespmem:v41+s13+$0x0], $0xffff;
	[tilespmem:s22+$0x1B0] =	vst v53  }
0x2cb: {  	v52 =	vmin.f32 v52, $1.000000000e+00;
	v35 =	vor.u32 s25, v2;
	v43 =	vor.u32 s30, v4;
	s30 =	smov.u32 s3;
	[tilespmem:s22+$0xFFFFFE40] =	vst v54;
	v46 =	vld.idx.msk [tilespmem:v9+s13+$0x0], $0xffff;
	v9 =	vmovc v31  }
0x2cc: {  	v51 =	vmin.f32 v51, $1.000000000e+00;
	v53 =	vmax.f32 v55, $-1.000000000e+00;
	v54 =	vmax.f32 v59, $-1.000000000e+00;
	v41 =	vld.idx.msk [tilespmem:v61+s13+$0x0], $0xffff;
	[tilespmem:s22+$0xFFFFFF30] =	vst v58  }
0x2cd: {  	[tilespmem:s14+$0x80] =	vst v50  }
0x2ce: {  	[tilespmem:s20+$0xA0] =	vst v52  }
0x2cf: {  	[tilespmem:s20+$0xFFFFFEA0] =	vst v51  }
0x2d0: {  	[tilespmem:s14+$0xFFFFFF00] =	vst v36  }
0x2d1: {  	v31 =	vmin.f32 v54, $1.000000000e+00;
	[tilespmem:s2+$0x180] =	vst v27  }
0x2d2: {  	v59 =	vmin.f32 v53, $1.000000000e+00;
	[tilespmem:s20+$0x30] =	vst v31  }
0x2d3: {  	v60 =	vmin.f32 v49, $1.000000000e+00;
	[tilespmem:s22+$0xFFFFFEB0] =	vst v59  }
0x2d4: {  	v8 =	vld.idx.msk [tilespmem:v8+s13+$0x0], $0xffff;
	v37 =	vmin.f32 v37, $1.000000000e+00;
	[tilespmem:s22+$0x140] =	vst v60  }
0x2d5: {  	v48 =	vmax.f32 v48, $-1.000000000e+00;
	v61 =	vld.idx.msk [tilespmem:v34+s13+$0x0], $0xffff;
	v49 =	vmin.f32 v45, $1.000000000e+00;
	[tilespmem:s20+$0xFFFFFF10] =	vst v37  }
0x2d6: {  	v63 =	vmax.f32 v42, $-1.000000000e+00;
	v23 =	vld.idx.msk [tilespmem:v23+s13+$0x0], $0xffff;
	v62 =	vmin.f32 v48, $1.000000000e+00;
	[tilespmem:s20+$0x120] =	vst v49  }
0x2d7: {  	v51 =	vmax.f32 v40, $-1.000000000e+00;
	v42 =	vmin.f32 v63, $1.000000000e+00;
	v48 =	vld.idx.msk [tilespmem:v47+s13+$0x0], $0xffff;
	[tilespmem:s20+$0x190] =	vst v62  }
0x2d8: {  	v36 =	vmin.f32 v51, $1.000000000e+00;
	v12 =	vld.idx.msk [tilespmem:v12+s13+$0x0], $0xffff;
	[tilespmem:s14+$0x110] =	vst v42;
	v50 =	vmax.f32 v46, $-1.000000000e+00  }
0x2d9: {  	v52 =	vmax.f32 v44, $-1.000000000e+00;
	v54 =	vld.idx.msk [tilespmem:v38+s13+$0x0], $0xffff;
	[tilespmem:s22+$0xC0] =	vst v36;
	v34 =	vmin.f32 v50, $1.000000000e+00  }
0x2da: {  	v17 =	vld.idx.msk [tilespmem:v17+s13+$0x0], $0xffff;
	v8 =	vmax.f32 v8, $-1.000000000e+00;
	[tilespmem:s22+$0x1C0] =	vst v34;
	v34 =	vmin.f32 v52, $1.000000000e+00  }
0x2db: {  	v6 =	vld.idx.msk [tilespmem:v6+s13+$0x0], $0xffff;
	v31 =	vmax.f32 v61, $-1.000000000e+00;
	v8 =	vmin.f32 v8, $1.000000000e+00;
	[tilespmem:s20+$0xFFFFFE30] =	vst v34  }
0x2dc: {  	v16 =	vld.idx.msk [tilespmem:v16+s13+$0x0], $0xffff;
	v23 =	vmax.f32 v23, $-1.000000000e+00;
	v31 =	vmin.f32 v31, $1.000000000e+00;
	[tilespmem:s22+$0xFFFFFFB0] =	vst v8  }
0x2dd: {  	v36 =	vld.idx.msk [tilespmem:v26+s13+$0x0], $0xffff;
	v23 =	vmin.f32 v23, $1.000000000e+00;
	v12 =	vmax.f32 v12, $-1.000000000e+00;
	[tilespmem:s22+$0xFFFFFF40] =	vst v31  }
0x2de: {  	v10 =	vld.idx.msk [tilespmem:v10+s13+$0x0], $0xffff;
	v8 =	vmax.f32 v48, $-1.000000000e+00;
	[tilespmem:s2+$0xFFFFFE90] =	vst v23;
	v12 =	vmin.f32 v12, $1.000000000e+00  }
0x2df: {  	v53 =	vld.idx.msk [tilespmem:v43+s13+$0x0], $0xffff;
	v17 =	vmax.f32 v17, $-1.000000000e+00;
	v8 =	vmin.f32 v8, $1.000000000e+00;
	[tilespmem:s20+$0xFFFFFEB0] =	vst v12  }
0x2e0: {  	v28 =	vld.idx.msk [tilespmem:v28+s13+$0x0], $0xffff;
	v6 =	vmax.f32 v6, $-1.000000000e+00;
	v17 =	vmin.f32 v17, $1.000000000e+00;
	[tilespmem:s2+$0xFFFFFE10] =	vst v8  }
0x2e1: {  	v27 =	vmax.f32 v33, $-1.000000000e+00;
	v33 =	vld.idx.msk [tilespmem:v13+s13+$0x0], $0xffff;
	v16 =	vmax.f32 v16, $-1.000000000e+00;
	v6 =	vmin.f32 v6, $1.000000000e+00;
	[tilespmem:s20+$0xFFFFFF20] =	vst v17  }
0x2e2: {  	v61 =	vmax.f32 v41, $-1.000000000e+00;
	v41 =	vld.idx.msk [tilespmem:v30+s13+$0x0], $0xffff;
	v13 =	vmax.f32 v36, $-1.000000000e+00;
	v16 =	vmin.f32 v16, $1.000000000e+00;
	[tilespmem:s22+$0xFFFFFEC0] =	vst v6  }
0x2e3: {  	v10 =	vmax.f32 v10, $-1.000000000e+00;
	v13 =	vmin.f32 v13, $1.000000000e+00;
	[tilespmem:s20+$0x130] =	vst v16  }
0x2e4: {  	v56 =	vor.u32 s26, v2;
	v57 =	vmax.f32 v53, $-1.000000000e+00;
	v10 =	vmin.f32 v10, $1.000000000e+00;
	[tilespmem:s2+$0xFFFFFF10] =	vst v13  }
0x2e5: {  	v59 =	vmax.f32 v28, $-1.000000000e+00;
	v29 =	vld.idx.msk [tilespmem:v29+s13+$0x0], $0xffff;
	v6 =	vmin.f32 v57, $1.000000000e+00;
	[tilespmem:s20+$0x1A0] =	vst v10  }
0x2e6: {  	v58 =	vmax.f32 v54, $-1.000000000e+00;
	v17 =	vmin.f32 v59, $1.000000000e+00;
	[tilespmem:s20+$0x40] =	vst v6;
	v10 =	vld.idx.msk [tilespmem:v11+s13+$0x0], $0xffff  }
0x2e7: {  	v6 =	vmin.f32 v58, $1.000000000e+00;
	[tilespmem:s2+$0x90] =	vst v17;
	v38 =	vld.idx.msk [tilespmem:v14+s13+$0x0], $0xffff;
	v14 =	vmax.f32 v41, $-1.000000000e+00  }
0x2e8: {  	v5 =	vld.idx.msk [tilespmem:v5+s13+$0x0], $0xffff;
	[tilespmem:s20+$0xB0] =	vst v6;
	v6 =	vmax.f32 v39, $-1.000000000e+00;
	v14 =	vmin.f32 v14, $1.000000000e+00  }
0x2e9: {  	v8 =	vld.idx.msk [tilespmem:v56+s13+$0x0], $0xffff;
	v6 =	vmin.f32 v6, $1.000000000e+00;
	[tilespmem:s2+$0x120] =	vst v14  }
0x2ea: {  	v63 =	vld.idx.msk [tilespmem:v18+s13+$0x0], $0xffff;
	[tilespmem:s2+$0xFFFFFF90] =	vst v6;
	v6 =	vmin.f32 v61, $1.000000000e+00  }
0x2eb: {  	[tilespmem:s2+$0x20] =	vst v6;
	v6 =	vmin.f32 v27, $1.000000000e+00;
	v10 =	vmax.f32 v10, $-1.000000000e+00  }
0x2ec: {  	v62 =	vld.idx.msk [tilespmem:v20+s13+$0x0], $0xffff;
	v29 =	vmax.f32 v29, $-1.000000000e+00;
	[tilespmem:s20+$0xFFFFFFA0] =	vst v6;
	v6 =	vmin.f32 v10, $1.000000000e+00  }
0x2ed: {  	v28 =	vld.idx.msk [tilespmem:v24+s13+$0x0], $0xffff;
	v55 =	vmin.f32 v29, $1.000000000e+00;
	v5 =	vmax.f32 v5, $-1.000000000e+00;
	[tilespmem:s20+$0x1B0] =	vst v6;
	v6 =	vor.u32 s23, v4  }
0x2ee: {  	v31 =	vld.idx.msk [tilespmem:v21+s13+$0x0], $0xffff;
	[tilespmem:s22+$0xFFFFFFC0] =	vst v55;
	v8 =	vmax.f32 v8, $-1.000000000e+00;
	v5 =	vmin.f32 v5, $1.000000000e+00  }
0x2ef: {  	v11 =	vmax.f32 v63, $-1.000000000e+00;
	v8 =	vmin.f32 v8, $1.000000000e+00;
	v7 =	vld.idx.msk [tilespmem:v7+s13+$0x0], $0xffff;
	[tilespmem:s20+$0xFFFFFEC0] =	vst v5  }
0x2f0: {  	v11 =	vmin.f32 v11, $1.000000000e+00;
	[tilespmem:s2+$0xFFFFFE20] =	vst v8;
	v8 =	vmax.f32 v33, $-1.000000000e+00  }
0x2f1: {  	v34 =	vmax.f32 v62, $-1.000000000e+00;
	[tilespmem:s20+$0xFFFFFF30] =	vst v11;
	v8 =	vmin.f32 v8, $1.000000000e+00;
	v9 =	vld.idx.msk [tilespmem:v9+s13+$0x0], $0xffff  }
0x2f2: {  	v46 =	vor.u32 s0, v3;
	v37 =	vmax.f32 v28, $-1.000000000e+00;
	v10 =	vmin.f32 v34, $1.000000000e+00;
	[tilespmem:s2+$0x190] =	vst v8;
	v6 =	vld.idx.msk [tilespmem:v6+s13+$0x0], $0xffff  }
0x2f3: {  	v60 =	vor.u32 s30, v3;
	v40 =	vmax.f32 v31, $-1.000000000e+00;
	v39 =	vmin.f32 v37, $1.000000000e+00;
	[tilespmem:s20+$0xFFFFFE40] =	vst v10;
	v44 =	vld.idx.msk [tilespmem:v22+s13+$0x0], $0xffff  }
0x2f4: {  	v42 =	vor.u32 s26, v3;
	v45 =	vld.idx.msk [tilespmem:v35+s13+$0x0], $0xffff;
	v11 =	vmin.f32 v40, $1.000000000e+00;
	[tilespmem:s2+$0xA0] =	vst v39;
	v7 =	vmax.f32 v7, $-1.000000000e+00  }
0x2f5: {  	v43 =	vor.u32 s21, v4;
	v47 =	vld.idx.msk [tilespmem:v25+s13+$0x0], $0xffff;
	[tilespmem:s2+$0xFFFFFEA0] =	vst v11;
	v10 =	vmax.f32 v38, $-1.000000000e+00;
	v7 =	vmin.f32 v7, $1.000000000e+00  }
0x2f6: {  	v48 =	vld.idx.msk [tilespmem:v15+s13+$0x0], $0xffff;
	v10 =	vmin.f32 v10, $1.000000000e+00;
	[tilespmem:s20+$0xFFFFFFB0] =	vst v7;
	v7 =	vmax.f32 v9, $-1.000000000e+00  }
0x2f7: {  	v49 =	vor.u32 s25, v3;
	v53 =	vld.idx.msk [tilespmem:v46+s13+$0x0], $0xffff;
	[tilespmem:s20+$0x140] =	vst v10;
	v7 =	vmin.f32 v7, $1.000000000e+00;
	v6 =	vmax.f32 v6, $-1.000000000e+00  }
0x2f8: {  	v50 =	vor.u32 s28, v3;
	v29 =	vld.idx.msk [tilespmem:v60+s13+$0x0], $0xffff;
	[tilespmem:s20+$0x1C0] =	vst v7;
	v7 =	vmax.f32 v44, $-1.000000000e+00;
	v6 =	vmin.f32 v6, $1.000000000e+00  }
0x2f9: {  	v11 =	vld.idx.msk [tilespmem:v42+s13+$0x0], $0xffff;
	v7 =	vmin.f32 v7, $1.000000000e+00;
	[tilespmem:s20+$0xFFFFFF40] =	vst v6;
	v6 =	vmax.f32 v45, $-1.000000000e+00  }
0x2fa: {  	v51 =	vor.u32 s24, v3;
	v52 =	vmax.f32 v47, $-1.000000000e+00;
	v8 =	vld.idx.msk [tilespmem:v43+s13+$0x0], $0xffff;
	[tilespmem:s2+$0x1A0] =	vst v7;
	v6 =	vmin.f32 v6, $1.000000000e+00  }
0x2fb: {  	v13 =	vmin.f32 v52, $1.000000000e+00;
	v10 =	vmax.f32 v48, $-1.000000000e+00;
	v7 =	vor.u32 s30, v4;
	[tilespmem:s2+$0xFFFFFF20] =	vst v6;
	v6 =	vld.idx.msk [tilespmem:v19+s13+$0x0], $0xffff  }
0x2fc: {  	v54 =	vor.u32 s26, v4;
	v15 =	vmax.f32 v53, $-1.000000000e+00;
	[tilespmem:s20+$0xC0] =	vst v13;
	v10 =	vmin.f32 v10, $1.000000000e+00;
	v9 =	vld.idx.msk [tilespmem:v49+s13+$0x0], $0xffff  }
0x2fd: {  	v55 =	vor.u32 s0, v4;
	v14 =	vld.idx.msk [tilespmem:v50+s13+$0x0], $0xffff;
	v5 =	vmin.f32 v15, $1.000000000e+00;
	v16 =	vmax.f32 v29, $-1.000000000e+00;
	[tilespmem:s2+$0xFFFFFFA0] =	vst v10  }
0x2fe: {  	v56 =	vor.u32 s31, v4;
	[tilespmem:s2+$0x130] =	vst v5;
	v16 =	vmin.f32 v16, $1.000000000e+00;
	v11 =	vmax.f32 v11, $-1.000000000e+00;
	v57 =	vld.idx.msk [tilespmem:v32+s13+$0x0], $0xffff  }
0x2ff: {  	v58 =	vor.u32 s25, v4;
	v12 =	vld.idx.msk [tilespmem:v51+s13+$0x0], $0xffff;
	[tilespmem:s2+$0x30] =	vst v16;
	v11 =	vmin.f32 v11, $1.000000000e+00;
	v8 =	vmax.f32 v8, $-1.000000000e+00  }
0x300: {  	v59 =	vor.u32 s28, v4;
	[tilespmem:s2+$0xFFFFFE30] =	vst v11;
	v8 =	vmin.f32 v8, $1.000000000e+00;
	v7 =	vld.idx.msk [tilespmem:v7+s13+$0x0], $0xffff;
	v6 =	vmax.f32 v6, $-1.000000000e+00  }
0x301: {  	v60 =	vor.u32 s29, v4;
	v16 =	vld.idx.msk [tilespmem:v54+s13+$0x0], $0xffff;
	[tilespmem:s20+$0xFFFFFFC0] =	vst v8;
	v5 =	vmax.f32 v9, $-1.000000000e+00;
	v6 =	vmin.f32 v6, $1.000000000e+00  }
0x302: {  	v61 =	vor.u32 s24, v4;
	v13 =	vld.idx.msk [tilespmem:v55+s13+$0x0], $0xffff;
	v14 =	vmax.f32 v14, $-1.000000000e+00;
	v5 =	vmin.f32 v5, $1.000000000e+00;
	[tilespmem:s2+$0x1B0] =	vst v6  }
0x303: {  	v6 =	vmin.f32 v14, $1.000000000e+00;
	v10 =	vld.idx.msk [tilespmem:v56+s13+$0x0], $0xffff;
	[tilespmem:s2+$0xFFFFFF30] =	vst v5;
	v5 =	vmax.f32 v57, $-1.000000000e+00  }
0x304: {  	[tilespmem:s2+$0xB0] =	vst v6;
	v6 =	vmax.f32 v12, $-1.000000000e+00;
	v8 =	vld.idx.msk [tilespmem:v58+s13+$0x0], $0xffff;
	v5 =	vmin.f32 v5, $1.000000000e+00  }
0x305: {  	v7 =	vmax.f32 v7, $-1.000000000e+00;
	v62 =	vld.idx.msk [tilespmem:v59+s13+$0x0], $0xffff;
	v6 =	vmin.f32 v6, $1.000000000e+00;
	[tilespmem:s2+$0xFFFFFFB0] =	vst v5  }
0x306: {  	v5 =	vmin.f32 v7, $1.000000000e+00;
	v7 =	vmax.f32 v16, $-1.000000000e+00;
	[tilespmem:s2+$0xFFFFFEB0] =	vst v6;
	v6 =	vld.idx.msk [tilespmem:v60+s13+$0x0], $0xffff  }
0x307: {  	[tilespmem:s2+$0x40] =	vst v5;
	v5 =	vmin.f32 v7, $1.000000000e+00;
	v7 =	vmax.f32 v13, $-1.000000000e+00;
	v9 =	vld.idx.msk [tilespmem:v61+s13+$0x0], $0xffff  }
0x308: {  	[tilespmem:s2+$0xFFFFFE40] =	vst v5;
	v5 =	vmin.f32 v7, $1.000000000e+00;
	v7 =	vmax.f32 v10, $-1.000000000e+00  }
0x309: {  	[tilespmem:s2+$0x140] =	vst v5;
	v5 =	vmin.f32 v7, $1.000000000e+00;
	v7 =	vmax.f32 v8, $-1.000000000e+00  }
0x30a: {  	v63 =	vmax.f32 v62, $-1.000000000e+00;
	v7 =	vmin.f32 v7, $1.000000000e+00;
	[tilespmem:s2+$0x1C0] =	vst v5  }
0x30b: {  	v5 =	vmin.f32 v63, $1.000000000e+00;
	[tilespmem:s2+$0xFFFFFF40] =	vst v7;
	v6 =	vmax.f32 v6, $-1.000000000e+00  }
0x30c: {  	v7 =	vmax.f32 v9, $-1.000000000e+00;
	[tilespmem:s2+$0xC0] =	vst v5;
	v5 =	vmin.f32 v6, $1.000000000e+00  }
0x30d: {  	[tilespmem:s2+$0xFFFFFFC0] =	vst v5;
	v5 =	vmin.f32 v7, $1.000000000e+00  }
0x30e: {  	s19 =	sadd.s32 $0x1, s19;
	s31 =	simm.s32 $0xC000;
	[tilespmem:s2+$0xFFFFFEC0] =	vst v5  }
0x30f: {  	[hbm4b:s10+s1] =	stream.linear.scatter [tilespmem:s31], [sflag:$0x4], $0x4000, $0x38;
	[tilespmem:$0x10000] =	vst v63  }
0x310: {  	p0 =	sne.s32 s19, s11;
	_ =	swait.ge [sflag:s17], $0x4000  }
.Ltmp4:
0x311: {  	[sflag:s17] =	ssyncset.done $0x0;
	(pc) =	sbr.rel @p0 .LBB2_1-.Ltmp4, $4  }
0x312: {  	[sflag:s17] =	ssyncadd.s32 $0xFFFFC000  }
0x313: {  	_ =	swait.ge [sflag:s18], $0x4000  }
0x314: {  	[sflag:s18] =	ssyncset.done $0x0  }
0x315: {  	[sflag:s18] =	ssyncadd.s32 $0xFFFFC000  }
0x316: {  	_ =	sfence.sel $0x180000  }
0x317: {  	[bflag:$0x0] =	sbarrier.arrive $0xFFFF  }
0x318: {  	_ =	strace $0x90000047  }
0x319: {  	s0 =	stileid.u32;
	[bflag:$0x2] =	sbarrier.arrive $0xFFFF  }
0x31a: {  	p0 =	sne.s32 s0, $0x0;
	s0 =	rddreg [dreg:$0x1]  }
0x31b: {  	s0 =	sadd.s32 @!p0 $0x100000, s0  }
0x31c: {  	[sflag:s0] =	ssyncadd.tile.s32 @!p0 $0x1;
	_ =	shalt  }
.Lfunc_end2:
_tile_overlayer_lowered:
.L_overlay_start_2:
0x31d: {  	(tag) =	ssettag $0x2  }
0x31e: {  	s0 =	rddreg [dreg:$0x0];
	s2 =	stileid.u32  }
0x31f: {  	s1 =	rddreg [dreg:$0x1];
	p0 =	sne.s32 s2, $0x0  }
0x320: {  	s3 =	rddreg [dreg:$0x2];
	[bflag:$0x3] =	sbarrier.arrive $0xFFFF;
	s2 =	simm.s32 @!p0 $0x1C05  }
0x321: {  	[timem:s3], [sflag:s2] =	dma.local @!p0 [hbm:s0], s1  }
0x322: {  	s0 =	simm.s32 @!p0 $0x5  }
0x323: {  	_ =	swait.ge @!p0 [sflag:s0], s1  }
0x324: {  	s1 =	ssub.s32 @!p0 $0x0, s1;
	[sflag:s0] =	ssyncset.done @!p0 $0x0  }
0x325: {  	[sflag:s0] =	ssyncadd.s32 @!p0 s1  }
0x326: {  	[bflag:$0x3] =	sbarrier.arrive $0xFFFF  }
0x327: {  	_ =	shalt  }

</sc_bundles>
